<compile_context>
chip_gen: v7x
topology: tpu7x:2x2x1
jax: 0.10.2.dev20260603
libtpu: 0.0.44.dev20260713+nightly
codegen_flags: <defaults>
</compile_context>

<pallas_src>
import functools

import jax
import jax.numpy as jnp
from jax import lax
from jax.experimental import pallas as pl
from jax.experimental.pallas import tpu as pltpu
from jax.experimental.pallas import tpu_sc as plsc

_NC = 2
_NS = 16
_NW = _NC * _NS
_LANES = 128
_SUBL = 8


def _gather_call(n_rows, n_cols, n_table, block_cols):
    n_strips = n_rows // _SUBL
    blocks_per_strip = n_cols // block_cols
    n_blocks = n_strips * blocks_per_strip
    blocks_per_w = n_blocks // _NW
    segs = block_cols // _LANES
    stage = 8000
    n_stage = n_table // stage
    mesh = plsc.VectorSubcoreMesh(core_axis_name="c", subcore_axis_name="s")

    @functools.partial(
        pl.kernel,
        mesh=mesh,
        out_type=jax.ShapeDtypeStruct((n_rows, n_cols), jnp.float32),
        scratch_types=[
            pltpu.VMEM_SHARED((n_table,), jnp.float32),
            pltpu.VMEM((stage,), jnp.float32),
            pltpu.VMEM((stage,), jnp.float32),
            pltpu.VMEM((_SUBL, block_cols), jnp.int32),
            pltpu.VMEM((_SUBL, block_cols), jnp.int32),
            pltpu.VMEM((_SUBL, block_cols), jnp.float32),
            pltpu.VMEM((_SUBL, block_cols), jnp.float32),
            pltpu.SemaphoreType.DMA,
            pltpu.SemaphoreType.DMA,
            pltpu.SemaphoreType.DMA,
            pltpu.SemaphoreType.DMA,
            pltpu.SemaphoreType.DMA,
            pltpu.SemaphoreType.DMA,
            pltpu.SemaphoreType.DMA,
            pltpu.SemaphoreType.DMA,
            pltpu.SemaphoreType.DMA,
        ],
    )
    def k(v_hbm, idx2d_hbm, out2d_hbm, tab_sp, stg_v0, stg_v1, idx_v0,
          idx_v1, val_v0, val_v1, sem, si0, si1, so0, so1, st0, st1,
          sp0, sp1):
        cid = lax.axis_index("c")
        sid = lax.axis_index("s")
        wid = sid * _NC + cid

        blocks_per_w = n_blocks // _NW
        base = wid * blocks_per_w

        def hbm_slice3(ref, q):
            t = q // blocks_per_strip
            b = q % blocks_per_strip
            return ref.at[t, :, pl.ds(b * block_cols, block_cols)]

        idx_hbm3 = idx2d_hbm.reshape(n_strips, _SUBL, n_cols)
        pltpu.async_copy(hbm_slice3(idx_hbm3, base), idx_v0, si0)

        n_rounds = (n_stage + _NS - 1) // _NS
        stgs = (stg_v0, stg_v1)
        sts = (st0, st1)
        sps = (sp0, sp1)

        @pl.when(sid < n_stage)
        def _():
            pltpu.async_copy(
                v_hbm.at[pl.ds(sid * stage, stage)], stg_v0, st0)

        for j in range(n_rounds):
            p = j % 2
            c = sid + j * _NS
            c1 = sid + (j + 1) * _NS
            if j + 1 < n_rounds:
                @pl.when(c1 < n_stage)
                def _():
                    if j >= 1:
                        c_prev = sid + (j - 1) * _NS
                        pltpu.make_async_copy(
                            stgs[1 - p],
                            tab_sp.at[pl.ds(c_prev * stage, stage)],
                            sps[1 - p]).wait()
                    pltpu.async_copy(
                        v_hbm.at[pl.ds(c1 * stage, stage)],
                        stgs[1 - p], sts[1 - p])

            @pl.when(c < n_stage)
            def _():
                pltpu.make_async_copy(
                    v_hbm.at[pl.ds(c * stage, stage)],
                    stgs[p], sts[p]).wait()
                pltpu.async_copy(
                    stgs[p], tab_sp.at[pl.ds(c * stage, stage)], sps[p])

        def drain_write(j):
            cj = sid + j * _NS
            pltpu.make_async_copy(
                stgs[j % 2], tab_sp.at[pl.ds(cj * stage, stage)],
                sps[j % 2]).wait()

        c_n1 = sid + (n_rounds - 1) * _NS

        @pl.when(c_n1 < n_stage)
        def _():
            drain_write(n_rounds - 2)
            drain_write(n_rounds - 1)

        @pl.when(c_n1 >= n_stage)
        def _():
            drain_write(n_rounds - 3)
            drain_write(n_rounds - 2)

        plsc.subcore_barrier()

        idx_hbm = idx2d_hbm.reshape(n_strips, _SUBL, n_cols)
        out_hbm = out2d_hbm.reshape(n_strips, _SUBL, n_cols)

        base = wid * blocks_per_w

        def hbm_slice(ref, q):
            t = q // blocks_per_strip
            b = q % blocks_per_strip
            return ref.at[t, :, pl.ds(b * block_cols, block_cols)]

        def process(i, idx_cur, val_cur, idx_nxt, s_in, s_in_nxt, s_out):
            q = base + i

            @pl.when(i + 1 < blocks_per_w)
            def _():
                pltpu.async_copy(hbm_slice(idx_hbm, q + 1), idx_nxt,
                                 s_in_nxt)

            pltpu.make_async_copy(hbm_slice(idx_hbm, q), idx_cur,
                                  s_in).wait()

            @pl.when(i >= 2)
            def _():
                pltpu.make_async_copy(val_cur, hbm_slice(out_hbm, q),
                                      s_out).wait()

            descs = []
            for r in range(_SUBL):
                for s in range(segs):
                    descs.append(pltpu.async_copy(
                        tab_sp.at[idx_cur.at[r, pl.ds(s * _LANES, _LANES)]],
                        val_cur.at[r, pl.ds(s * _LANES, _LANES)],
                        sem,
                    ))
            for d in descs:
                d.wait()

            pltpu.async_copy(val_cur, hbm_slice(out_hbm, q), s_out)

        def body(i, carry):
            @pl.when(lax.rem(i, 2) == 0)
            def _():
                process(i, idx_v0, val_v0, idx_v1, si0, si1, so0)

            @pl.when(lax.rem(i, 2) == 1)
            def _():
                process(i, idx_v1, val_v1, idx_v0, si1, si0, so1)

            return carry

        lax.fori_loop(0, blocks_per_w, body, 0)

        q_last = base + blocks_per_w - 1
        pltpu.make_async_copy(val_v1, hbm_slice(out_hbm, q_last - 1),
                              so1).wait()
        pltpu.make_async_copy(val_v0, hbm_slice(out_hbm, q_last),
                              so0).wait()

    return k


def kernel(v, idx):
    b, s = idx.shape
    out_t = _gather_call(s, b, v.shape[0], 512)(v, idx.T.astype(jnp.int32))
    return out_t.T

# --- scband reference (transcript-rebuilt; emitter-appended) ---
"""Pipeline reference for scband-discrete-potential-52115133170155 (READ-ONLY COPY).

The authoritative reference and input builder live on the scoring server;
editing this copy changes nothing except your own understanding.
"""

import jax, jax.numpy as jnp
import numpy as np

def setup_inputs(seed: int = 0) -> dict:
    key = jax.random.key(seed)
    k_v, k_idx = jax.random.split(key)
    length = 1000000
    # learned parameter v (length,) — materialized as random for a nontrivial reference
    v = jax.random.normal(k_v, (length,), dtype=jnp.float32)
    idx = jax.random.randint(k_idx, (16384, 200), 0, length, dtype=jnp.int64)
    return {"v": v, "idx": idx}

def reference(v, idx):
    # DiscretePotential.forward: return self.v[idx]
    return jnp.take(v, idx, axis=0)

if __name__ == "__main__":
    import jax
    _d = setup_inputs()
    print(jax.jit(kernel)(*tuple(_d.values())))

</pallas_src>

<mosaic_0001>
#map = affine_map<(d0, d1) -> (0)>
#map1 = affine_map<(d0, d1) -> (0, 0)>
module attributes {stable_mosaic.version = 14 : i64} {
  func.func @k(%arg0: i32, %arg1: i32, %arg2: memref<1000000xf32, #tpu.memory_space<hbm>>, %arg3: memref<200x16384xi32, #tpu.memory_space<hbm>>, %arg4: memref<200x16384xf32, #tpu.memory_space<hbm>>, %arg5: memref<1000000xf32, #tpu.memory_space<vmem_shared>>, %arg6: memref<8000xf32, #tpu.memory_space<vmem>>, %arg7: memref<8000xf32, #tpu.memory_space<vmem>>, %arg8: memref<8x512xi32, #tpu.memory_space<vmem>>, %arg9: memref<8x512xi32, #tpu.memory_space<vmem>>, %arg10: memref<8x512xf32, #tpu.memory_space<vmem>>, %arg11: memref<8x512xf32, #tpu.memory_space<vmem>>, %arg12: memref<!tpu.dma_semaphore, #tpu.memory_space<semaphore_mem>>, %arg13: memref<!tpu.dma_semaphore, #tpu.memory_space<semaphore_mem>>, %arg14: memref<!tpu.dma_semaphore, #tpu.memory_space<semaphore_mem>>, %arg15: memref<!tpu.dma_semaphore, #tpu.memory_space<semaphore_mem>>, %arg16: memref<!tpu.dma_semaphore, #tpu.memory_space<semaphore_mem>>, %arg17: memref<!tpu.dma_semaphore, #tpu.memory_space<semaphore_mem>>, %arg18: memref<!tpu.dma_semaphore, #tpu.memory_space<semaphore_mem>>, %arg19: memref<!tpu.dma_semaphore, #tpu.memory_space<semaphore_mem>>, %arg20: memref<!tpu.dma_semaphore, #tpu.memory_space<semaphore_mem>>) attributes {dimension_semantics = [#tpu.dimension_semantics<core_parallel>, #tpu.dimension_semantics<subcore_parallel>], iteration_bounds = array<i64: 2, 16>, scalar_prefetch = 0 : i64, scratch_operands = 16 : i64, tpu.core_type = #tpu.core_type<sc_vector_subcore>, window_params = [{transform_indices = #map}, {transform_indices = #map1}, {transform_indices = #map1}]} {
    %mul3A = arith.constant 2 : i32
    %mul3A_0 = arith.muli %arg1, %mul3A : i32
    %add3A = arith.addi %mul3A_0, %arg0 : i32
    %mul3A_1 = arith.constant 25 : i32
    %mul3A_2 = arith.muli %add3A, %mul3A_1 : i32
    %jit3A = arith.constant 32 : i32
    %div3A = arith.divsi %mul3A_2, %jit3A : i32
    %sign3A = arith.constant 0 : i32
    %sign3A_3 = arith.cmpi sgt, %mul3A_2, %sign3A : i32
    %sign3A_4 = arith.extui %sign3A_3 : i1 to i32
    %sign3A_5 = arith.constant 0 : i32
    %sign3A_6 = arith.cmpi slt, %mul3A_2, %sign3A_5 : i32
    %sign3A_7 = arith.extui %sign3A_6 : i1 to i32
    %sign3A_8 = arith.subi %sign3A_4, %sign3A_7 : i32
    %sign3A_9 = arith.constant 0 : i32
    %sign3A_10 = arith.cmpi sgt, %jit3A, %sign3A_9 : i32
    %sign3A_11 = arith.extui %sign3A_10 : i1 to i32
    %sign3A_12 = arith.constant 0 : i32
    %sign3A_13 = arith.cmpi slt, %jit3A, %sign3A_12 : i32
    %sign3A_14 = arith.extui %sign3A_13 : i1 to i32
    %sign3A_15 = arith.subi %sign3A_11, %sign3A_14 : i32
    %ne3A = arith.cmpi ne, %sign3A_8, %sign3A_15 : i32
    %rem3A = arith.remsi %mul3A_2, %jit3A : i32
    %ne3A_16 = arith.constant 0 : i32
    %ne3A_17 = arith.cmpi ne, %rem3A, %ne3A_16 : i32
    %and3A = arith.andi %ne3A, %ne3A_17 : i1
    %sub3A = arith.constant 1 : i32
    %sub3A_18 = arith.subi %div3A, %sub3A : i32
    %select_n3A = arith.select %and3A, %sub3A_18, %div3A : i32
    %jit3A_19 = arith.constant 32 : i32
    %eq3A = arith.constant 0 : i32
    %eq3A_20 = arith.cmpi eq, %jit3A_19, %eq3A : i32
    %jit3A_21 = arith.constant 1 : i32
    %select_n3A_22 = arith.select %eq3A_20, %jit3A_21, %jit3A_19 : i32
    %rem3A_23 = arith.remsi %mul3A_2, %select_n3A_22 : i32
    %ne3A_24 = arith.constant 0 : i32
    %ne3A_25 = arith.cmpi ne, %rem3A_23, %ne3A_24 : i32
    %lt3A = arith.constant 0 : i32
    %lt3A_26 = arith.cmpi slt, %rem3A_23, %lt3A : i32
    %lt3A_27 = arith.constant 0 : i32
    %lt3A_28 = arith.cmpi slt, %select_n3A_22, %lt3A_27 : i32
    %ne3A_29 = arith.xori %lt3A_26, %lt3A_28 : i1
    %and3A_30 = arith.andi %ne3A_29, %ne3A_25 : i1
    %add3A_31 = arith.addi %rem3A_23, %select_n3A_22 : i32
    %select_n3A_32 = arith.select %and3A_30, %add3A_31, %rem3A_23 : i32
    %mul3A_33 = arith.constant 512 : i32
    %mul3A_34 = arith.muli %select_n3A_32, %mul3A_33 : i32
    %dma_start3A = tpu.memref_reshape %arg3 : memref<200x16384xi32, #tpu.memory_space<hbm>> -> memref<25x8x16384xi32, #tpu.memory_space<hbm>>
    %dma_start3A_35 = arith.constant 0 : i32
    %dma_start3A_36 = tpu.memref_slice %dma_start3A[%select_n3A, %dma_start3A_35, %mul3A_34] : memref<25x8x16384xi32, #tpu.memory_space<hbm>> -> memref<1x8x512xi32, #tpu.memory_space<hbm>>
    %dma_start3A_37 = tpu.memref_squeeze %dma_start3A_36 : memref<1x8x512xi32, #tpu.memory_space<hbm>> -> memref<8x512xi32, #tpu.memory_space<hbm>>
    %dma_start3A_38 = tpu.memref_reshape %arg3 : memref<200x16384xi32, #tpu.memory_space<hbm>> -> memref<25x8x16384xi32, #tpu.memory_space<hbm>>
    %dma_start3A_39 = arith.constant 0 : i32
    %dma_start3A_40 = tpu.memref_slice %dma_start3A_38[%select_n3A, %dma_start3A_39, %mul3A_34] : memref<25x8x16384xi32, #tpu.memory_space<hbm>> -> memref<1x8x512xi32, #tpu.memory_space<hbm>>
    %dma_start3A_41 = tpu.memref_squeeze %dma_start3A_40 : memref<1x8x512xi32, #tpu.memory_space<hbm>> -> memref<8x512xi32, #tpu.memory_space<hbm>>
    tpu.enqueue_dma source(%dma_start3A_41 : memref<8x512xi32, #tpu.memory_space<hbm>>) target(%arg8 : memref<8x512xi32, #tpu.memory_space<vmem>>) target_semaphore(%arg13 : memref<!tpu.dma_semaphore, #tpu.memory_space<semaphore_mem>>)
    %lt3A_42 = arith.constant 125 : i32
    %lt3A_43 = arith.cmpi slt, %arg1, %lt3A_42 : i32
    %convert_element_type3A = arith.extui %lt3A_43 : i1 to i32
    %cond3A = arith.constant 0 : i32
    %cond3A_44 = arith.cmpi ne, %convert_element_type3A, %cond3A : i32
    scf.if %cond3A_44 {
      %mul3A_275 = arith.constant 8000 : i32
      %mul3A_276 = arith.muli %arg1, %mul3A_275 : i32
      %dma_start3A_277 = tpu.memref_slice %arg2[%mul3A_276] : memref<1000000xf32, #tpu.memory_space<hbm>> -> memref<8000xf32, #tpu.memory_space<hbm>>
      %dma_start3A_278 = tpu.memref_slice %arg2[%mul3A_276] : memref<1000000xf32, #tpu.memory_space<hbm>> -> memref<8000xf32, #tpu.memory_space<hbm>>
      tpu.enqueue_dma source(%dma_start3A_278 : memref<8000xf32, #tpu.memory_space<hbm>>) target(%arg6 : memref<8000xf32, #tpu.memory_space<vmem>>) target_semaphore(%arg17 : memref<!tpu.dma_semaphore, #tpu.memory_space<semaphore_mem>>)
    } else {
    }
    %add3A_45 = arith.constant 0 : i32
    %add3A_46 = arith.addi %arg1, %add3A_45 : i32
    %add3A_47 = arith.constant 16 : i32
    %add3A_48 = arith.addi %arg1, %add3A_47 : i32
    %lt3A_49 = arith.constant 125 : i32
    %lt3A_50 = arith.cmpi slt, %add3A_48, %lt3A_49 : i32
    %convert_element_type3A_51 = arith.extui %lt3A_50 : i1 to i32
    %cond3A_52 = arith.constant 0 : i32
    %cond3A_53 = arith.cmpi ne, %convert_element_type3A_51, %cond3A_52 : i32
    scf.if %cond3A_53 {
      %mul3A_275 = arith.constant 8000 : i32
      %mul3A_276 = arith.muli %add3A_48, %mul3A_275 : i32
      %dma_start3A_277 = tpu.memref_slice %arg2[%mul3A_276] : memref<1000000xf32, #tpu.memory_space<hbm>> -> memref<8000xf32, #tpu.memory_space<hbm>>
      %dma_start3A_278 = tpu.memref_slice %arg2[%mul3A_276] : memref<1000000xf32, #tpu.memory_space<hbm>> -> memref<8000xf32, #tpu.memory_space<hbm>>
      tpu.enqueue_dma source(%dma_start3A_278 : memref<8000xf32, #tpu.memory_space<hbm>>) target(%arg7 : memref<8000xf32, #tpu.memory_space<vmem>>) target_semaphore(%arg18 : memref<!tpu.dma_semaphore, #tpu.memory_space<semaphore_mem>>)
    } else {
    }
    %lt3A_54 = arith.constant 125 : i32
    %lt3A_55 = arith.cmpi slt, %add3A_46, %lt3A_54 : i32
    %convert_element_type3A_56 = arith.extui %lt3A_55 : i1 to i32
    %cond3A_57 = arith.constant 0 : i32
    %cond3A_58 = arith.cmpi ne, %convert_element_type3A_56, %cond3A_57 : i32
    scf.if %cond3A_58 {
      %mul3A_275 = arith.constant 8000 : i32
      %mul3A_276 = arith.muli %add3A_46, %mul3A_275 : i32
      %dma_wait3A_277 = tpu.memref_slice %arg2[%mul3A_276] : memref<1000000xf32, #tpu.memory_space<hbm>> -> memref<8000xf32, #tpu.memory_space<hbm>>
      %dma_wait3A_278 = tpu.memref_slice %arg2[%mul3A_276] : memref<1000000xf32, #tpu.memory_space<hbm>> -> memref<8000xf32, #tpu.memory_space<hbm>>
      tpu.wait_dma2 semaphore(%arg17 : memref<!tpu.dma_semaphore, #tpu.memory_space<semaphore_mem>>) src(%dma_wait3A_278 : memref<8000xf32, #tpu.memory_space<hbm>>) dst(%arg6 : memref<8000xf32, #tpu.memory_space<vmem>>)
      %mul3A_279 = arith.constant 8000 : i32
      %mul3A_280 = arith.muli %add3A_46, %mul3A_279 : i32
      %dma_start3A_281 = tpu.memref_slice %arg5[%mul3A_280] : memref<1000000xf32, #tpu.memory_space<vmem_shared>> -> memref<8000xf32, #tpu.memory_space<vmem_shared>>
      %dma_start3A_282 = tpu.memref_slice %arg5[%mul3A_280] : memref<1000000xf32, #tpu.memory_space<vmem_shared>> -> memref<8000xf32, #tpu.memory_space<vmem_shared>>
      tpu.enqueue_dma source(%arg6 : memref<8000xf32, #tpu.memory_space<vmem>>) target(%dma_start3A_282 : memref<8000xf32, #tpu.memory_space<vmem_shared>>) target_semaphore(%arg19 : memref<!tpu.dma_semaphore, #tpu.memory_space<semaphore_mem>>)
    } else {
    }
    %add3A_59 = arith.constant 16 : i32
    %add3A_60 = arith.addi %arg1, %add3A_59 : i32
    %add3A_61 = arith.constant 32 : i32
    %add3A_62 = arith.addi %arg1, %add3A_61 : i32
    %lt3A_63 = arith.constant 125 : i32
    %lt3A_64 = arith.cmpi slt, %add3A_62, %lt3A_63 : i32
    %convert_element_type3A_65 = arith.extui %lt3A_64 : i1 to i32
    %cond3A_66 = arith.constant 0 : i32
    %cond3A_67 = arith.cmpi ne, %convert_element_type3A_65, %cond3A_66 : i32
    scf.if %cond3A_67 {
      %add3A_275 = arith.constant 0 : i32
      %add3A_276 = arith.addi %arg1, %add3A_275 : i32
      %mul3A_277 = arith.constant 8000 : i32
      %mul3A_278 = arith.muli %add3A_276, %mul3A_277 : i32
      %dma_wait3A_279 = tpu.memref_slice %arg5[%mul3A_278] : memref<1000000xf32, #tpu.memory_space<vmem_shared>> -> memref<8000xf32, #tpu.memory_space<vmem_shared>>
      %dma_wait3A_280 = tpu.memref_slice %arg5[%mul3A_278] : memref<1000000xf32, #tpu.memory_space<vmem_shared>> -> memref<8000xf32, #tpu.memory_space<vmem_shared>>
      tpu.wait_dma2 semaphore(%arg19 : memref<!tpu.dma_semaphore, #tpu.memory_space<semaphore_mem>>) src(%arg6 : memref<8000xf32, #tpu.memory_space<vmem>>) dst(%dma_wait3A_280 : memref<8000xf32, #tpu.memory_space<vmem_shared>>)
      %mul3A_281 = arith.constant 8000 : i32
      %mul3A_282 = arith.muli %add3A_62, %mul3A_281 : i32
      %dma_start3A_283 = tpu.memref_slice %arg2[%mul3A_282] : memref<1000000xf32, #tpu.memory_space<hbm>> -> memref<8000xf32, #tpu.memory_space<hbm>>
      %dma_start3A_284 = tpu.memref_slice %arg2[%mul3A_282] : memref<1000000xf32, #tpu.memory_space<hbm>> -> memref<8000xf32, #tpu.memory_space<hbm>>
      tpu.enqueue_dma source(%dma_start3A_284 : memref<8000xf32, #tpu.memory_space<hbm>>) target(%arg6 : memref<8000xf32, #tpu.memory_space<vmem>>) target_semaphore(%arg17 : memref<!tpu.dma_semaphore, #tpu.memory_space<semaphore_mem>>)
    } else {
    }
    %lt3A_68 = arith.constant 125 : i32
    %lt3A_69 = arith.cmpi slt, %add3A_60, %lt3A_68 : i32
    %convert_element_type3A_70 = arith.extui %lt3A_69 : i1 to i32
    %cond3A_71 = arith.constant 0 : i32
    %cond3A_72 = arith.cmpi ne, %convert_element_type3A_70, %cond3A_71 : i32
    scf.if %cond3A_72 {
      %mul3A_275 = arith.constant 8000 : i32
      %mul3A_276 = arith.muli %add3A_60, %mul3A_275 : i32
      %dma_wait3A_277 = tpu.memref_slice %arg2[%mul3A_276] : memref<1000000xf32, #tpu.memory_space<hbm>> -> memref<8000xf32, #tpu.memory_space<hbm>>
      %dma_wait3A_278 = tpu.memref_slice %arg2[%mul3A_276] : memref<1000000xf32, #tpu.memory_space<hbm>> -> memref<8000xf32, #tpu.memory_space<hbm>>
      tpu.wait_dma2 semaphore(%arg18 : memref<!tpu.dma_semaphore, #tpu.memory_space<semaphore_mem>>) src(%dma_wait3A_278 : memref<8000xf32, #tpu.memory_space<hbm>>) dst(%arg7 : memref<8000xf32, #tpu.memory_space<vmem>>)
      %mul3A_279 = arith.constant 8000 : i32
      %mul3A_280 = arith.muli %add3A_60, %mul3A_279 : i32
      %dma_start3A_281 = tpu.memref_slice %arg5[%mul3A_280] : memref<1000000xf32, #tpu.memory_space<vmem_shared>> -> memref<8000xf32, #tpu.memory_space<vmem_shared>>
      %dma_start3A_282 = tpu.memref_slice %arg5[%mul3A_280] : memref<1000000xf32, #tpu.memory_space<vmem_shared>> -> memref<8000xf32, #tpu.memory_space<vmem_shared>>
      tpu.enqueue_dma source(%arg7 : memref<8000xf32, #tpu.memory_space<vmem>>) target(%dma_start3A_282 : memref<8000xf32, #tpu.memory_space<vmem_shared>>) target_semaphore(%arg20 : memref<!tpu.dma_semaphore, #tpu.memory_space<semaphore_mem>>)
    } else {
    }
    %add3A_73 = arith.constant 32 : i32
    %add3A_74 = arith.addi %arg1, %add3A_73 : i32
    %add3A_75 = arith.constant 48 : i32
    %add3A_76 = arith.addi %arg1, %add3A_75 : i32
    %lt3A_77 = arith.constant 125 : i32
    %lt3A_78 = arith.cmpi slt, %add3A_76, %lt3A_77 : i32
    %convert_element_type3A_79 = arith.extui %lt3A_78 : i1 to i32
    %cond3A_80 = arith.constant 0 : i32
    %cond3A_81 = arith.cmpi ne, %convert_element_type3A_79, %cond3A_80 : i32
    scf.if %cond3A_81 {
      %add3A_275 = arith.constant 16 : i32
      %add3A_276 = arith.addi %arg1, %add3A_275 : i32
      %mul3A_277 = arith.constant 8000 : i32
      %mul3A_278 = arith.muli %add3A_276, %mul3A_277 : i32
      %dma_wait3A_279 = tpu.memref_slice %arg5[%mul3A_278] : memref<1000000xf32, #tpu.memory_space<vmem_shared>> -> memref<8000xf32, #tpu.memory_space<vmem_shared>>
      %dma_wait3A_280 = tpu.memref_slice %arg5[%mul3A_278] : memref<1000000xf32, #tpu.memory_space<vmem_shared>> -> memref<8000xf32, #tpu.memory_space<vmem_shared>>
      tpu.wait_dma2 semaphore(%arg20 : memref<!tpu.dma_semaphore, #tpu.memory_space<semaphore_mem>>) src(%arg7 : memref<8000xf32, #tpu.memory_space<vmem>>) dst(%dma_wait3A_280 : memref<8000xf32, #tpu.memory_space<vmem_shared>>)
      %mul3A_281 = arith.constant 8000 : i32
      %mul3A_282 = arith.muli %add3A_76, %mul3A_281 : i32
      %dma_start3A_283 = tpu.memref_slice %arg2[%mul3A_282] : memref<1000000xf32, #tpu.memory_space<hbm>> -> memref<8000xf32, #tpu.memory_space<hbm>>
      %dma_start3A_284 = tpu.memref_slice %arg2[%mul3A_282] : memref<1000000xf32, #tpu.memory_space<hbm>> -> memref<8000xf32, #tpu.memory_space<hbm>>
      tpu.enqueue_dma source(%dma_start3A_284 : memref<8000xf32, #tpu.memory_space<hbm>>) target(%arg7 : memref<8000xf32, #tpu.memory_space<vmem>>) target_semaphore(%arg18 : memref<!tpu.dma_semaphore, #tpu.memory_space<semaphore_mem>>)
    } else {
    }
    %lt3A_82 = arith.constant 125 : i32
    %lt3A_83 = arith.cmpi slt, %add3A_74, %lt3A_82 : i32
    %convert_element_type3A_84 = arith.extui %lt3A_83 : i1 to i32
    %cond3A_85 = arith.constant 0 : i32
    %cond3A_86 = arith.cmpi ne, %convert_element_type3A_84, %cond3A_85 : i32
    scf.if %cond3A_86 {
      %mul3A_275 = arith.constant 8000 : i32
      %mul3A_276 = arith.muli %add3A_74, %mul3A_275 : i32
      %dma_wait3A_277 = tpu.memref_slice %arg2[%mul3A_276] : memref<1000000xf32, #tpu.memory_space<hbm>> -> memref<8000xf32, #tpu.memory_space<hbm>>
      %dma_wait3A_278 = tpu.memref_slice %arg2[%mul3A_276] : memref<1000000xf32, #tpu.memory_space<hbm>> -> memref<8000xf32, #tpu.memory_space<hbm>>
      tpu.wait_dma2 semaphore(%arg17 : memref<!tpu.dma_semaphore, #tpu.memory_space<semaphore_mem>>) src(%dma_wait3A_278 : memref<8000xf32, #tpu.memory_space<hbm>>) dst(%arg6 : memref<8000xf32, #tpu.memory_space<vmem>>)
      %mul3A_279 = arith.constant 8000 : i32
      %mul3A_280 = arith.muli %add3A_74, %mul3A_279 : i32
      %dma_start3A_281 = tpu.memref_slice %arg5[%mul3A_280] : memref<1000000xf32, #tpu.memory_space<vmem_shared>> -> memref<8000xf32, #tpu.memory_space<vmem_shared>>
      %dma_start3A_282 = tpu.memref_slice %arg5[%mul3A_280] : memref<1000000xf32, #tpu.memory_space<vmem_shared>> -> memref<8000xf32, #tpu.memory_space<vmem_shared>>
      tpu.enqueue_dma source(%arg6 : memref<8000xf32, #tpu.memory_space<vmem>>) target(%dma_start3A_282 : memref<8000xf32, #tpu.memory_space<vmem_shared>>) target_semaphore(%arg19 : memref<!tpu.dma_semaphore, #tpu.memory_space<semaphore_mem>>)
    } else {
    }
    %add3A_87 = arith.constant 48 : i32
    %add3A_88 = arith.addi %arg1, %add3A_87 : i32
    %add3A_89 = arith.constant 64 : i32
    %add3A_90 = arith.addi %arg1, %add3A_89 : i32
    %lt3A_91 = arith.constant 125 : i32
    %lt3A_92 = arith.cmpi slt, %add3A_90, %lt3A_91 : i32
    %convert_element_type3A_93 = arith.extui %lt3A_92 : i1 to i32
    %cond3A_94 = arith.constant 0 : i32
    %cond3A_95 = arith.cmpi ne, %convert_element_type3A_93, %cond3A_94 : i32
    scf.if %cond3A_95 {
      %add3A_275 = arith.constant 32 : i32
      %add3A_276 = arith.addi %arg1, %add3A_275 : i32
      %mul3A_277 = arith.constant 8000 : i32
      %mul3A_278 = arith.muli %add3A_276, %mul3A_277 : i32
      %dma_wait3A_279 = tpu.memref_slice %arg5[%mul3A_278] : memref<1000000xf32, #tpu.memory_space<vmem_shared>> -> memref<8000xf32, #tpu.memory_space<vmem_shared>>
      %dma_wait3A_280 = tpu.memref_slice %arg5[%mul3A_278] : memref<1000000xf32, #tpu.memory_space<vmem_shared>> -> memref<8000xf32, #tpu.memory_space<vmem_shared>>
      tpu.wait_dma2 semaphore(%arg19 : memref<!tpu.dma_semaphore, #tpu.memory_space<semaphore_mem>>) src(%arg6 : memref<8000xf32, #tpu.memory_space<vmem>>) dst(%dma_wait3A_280 : memref<8000xf32, #tpu.memory_space<vmem_shared>>)
      %mul3A_281 = arith.constant 8000 : i32
      %mul3A_282 = arith.muli %add3A_90, %mul3A_281 : i32
      %dma_start3A_283 = tpu.memref_slice %arg2[%mul3A_282] : memref<1000000xf32, #tpu.memory_space<hbm>> -> memref<8000xf32, #tpu.memory_space<hbm>>
      %dma_start3A_284 = tpu.memref_slice %arg2[%mul3A_282] : memref<1000000xf32, #tpu.memory_space<hbm>> -> memref<8000xf32, #tpu.memory_space<hbm>>
      tpu.enqueue_dma source(%dma_start3A_284 : memref<8000xf32, #tpu.memory_space<hbm>>) target(%arg6 : memref<8000xf32, #tpu.memory_space<vmem>>) target_semaphore(%arg17 : memref<!tpu.dma_semaphore, #tpu.memory_space<semaphore_mem>>)
    } else {
    }
    %lt3A_96 = arith.constant 125 : i32
    %lt3A_97 = arith.cmpi slt, %add3A_88, %lt3A_96 : i32
    %convert_element_type3A_98 = arith.extui %lt3A_97 : i1 to i32
    %cond3A_99 = arith.constant 0 : i32
    %cond3A_100 = arith.cmpi ne, %convert_element_type3A_98, %cond3A_99 : i32
    scf.if %cond3A_100 {
      %mul3A_275 = arith.constant 8000 : i32
      %mul3A_276 = arith.muli %add3A_88, %mul3A_275 : i32
      %dma_wait3A_277 = tpu.memref_slice %arg2[%mul3A_276] : memref<1000000xf32, #tpu.memory_space<hbm>> -> memref<8000xf32, #tpu.memory_space<hbm>>
      %dma_wait3A_278 = tpu.memref_slice %arg2[%mul3A_276] : memref<1000000xf32, #tpu.memory_space<hbm>> -> memref<8000xf32, #tpu.memory_space<hbm>>
      tpu.wait_dma2 semaphore(%arg18 : memref<!tpu.dma_semaphore, #tpu.memory_space<semaphore_mem>>) src(%dma_wait3A_278 : memref<8000xf32, #tpu.memory_space<hbm>>) dst(%arg7 : memref<8000xf32, #tpu.memory_space<vmem>>)
      %mul3A_279 = arith.constant 8000 : i32
      %mul3A_280 = arith.muli %add3A_88, %mul3A_279 : i32
      %dma_start3A_281 = tpu.memref_slice %arg5[%mul3A_280] : memref<1000000xf32, #tpu.memory_space<vmem_shared>> -> memref<8000xf32, #tpu.memory_space<vmem_shared>>
      %dma_start3A_282 = tpu.memref_slice %arg5[%mul3A_280] : memref<1000000xf32, #tpu.memory_space<vmem_shared>> -> memref<8000xf32, #tpu.memory_space<vmem_shared>>
      tpu.enqueue_dma source(%arg7 : memref<8000xf32, #tpu.memory_space<vmem>>) target(%dma_start3A_282 : memref<8000xf32, #tpu.memory_space<vmem_shared>>) target_semaphore(%arg20 : memref<!tpu.dma_semaphore, #tpu.memory_space<semaphore_mem>>)
    } else {
    }
    %add3A_101 = arith.constant 64 : i32
    %add3A_102 = arith.addi %arg1, %add3A_101 : i32
    %add3A_103 = arith.constant 80 : i32
    %add3A_104 = arith.addi %arg1, %add3A_103 : i32
    %lt3A_105 = arith.constant 125 : i32
    %lt3A_106 = arith.cmpi slt, %add3A_104, %lt3A_105 : i32
    %convert_element_type3A_107 = arith.extui %lt3A_106 : i1 to i32
    %cond3A_108 = arith.constant 0 : i32
    %cond3A_109 = arith.cmpi ne, %convert_element_type3A_107, %cond3A_108 : i32
    scf.if %cond3A_109 {
      %add3A_275 = arith.constant 48 : i32
      %add3A_276 = arith.addi %arg1, %add3A_275 : i32
      %mul3A_277 = arith.constant 8000 : i32
      %mul3A_278 = arith.muli %add3A_276, %mul3A_277 : i32
      %dma_wait3A_279 = tpu.memref_slice %arg5[%mul3A_278] : memref<1000000xf32, #tpu.memory_space<vmem_shared>> -> memref<8000xf32, #tpu.memory_space<vmem_shared>>
      %dma_wait3A_280 = tpu.memref_slice %arg5[%mul3A_278] : memref<1000000xf32, #tpu.memory_space<vmem_shared>> -> memref<8000xf32, #tpu.memory_space<vmem_shared>>
      tpu.wait_dma2 semaphore(%arg20 : memref<!tpu.dma_semaphore, #tpu.memory_space<semaphore_mem>>) src(%arg7 : memref<8000xf32, #tpu.memory_space<vmem>>) dst(%dma_wait3A_280 : memref<8000xf32, #tpu.memory_space<vmem_shared>>)
      %mul3A_281 = arith.constant 8000 : i32
      %mul3A_282 = arith.muli %add3A_104, %mul3A_281 : i32
      %dma_start3A_283 = tpu.memref_slice %arg2[%mul3A_282] : memref<1000000xf32, #tpu.memory_space<hbm>> -> memref<8000xf32, #tpu.memory_space<hbm>>
      %dma_start3A_284 = tpu.memref_slice %arg2[%mul3A_282] : memref<1000000xf32, #tpu.memory_space<hbm>> -> memref<8000xf32, #tpu.memory_space<hbm>>
      tpu.enqueue_dma source(%dma_start3A_284 : memref<8000xf32, #tpu.memory_space<hbm>>) target(%arg7 : memref<8000xf32, #tpu.memory_space<vmem>>) target_semaphore(%arg18 : memref<!tpu.dma_semaphore, #tpu.memory_space<semaphore_mem>>)
    } else {
    }
    %lt3A_110 = arith.constant 125 : i32
    %lt3A_111 = arith.cmpi slt, %add3A_102, %lt3A_110 : i32
    %convert_element_type3A_112 = arith.extui %lt3A_111 : i1 to i32
    %cond3A_113 = arith.constant 0 : i32
    %cond3A_114 = arith.cmpi ne, %convert_element_type3A_112, %cond3A_113 : i32
    scf.if %cond3A_114 {
      %mul3A_275 = arith.constant 8000 : i32
      %mul3A_276 = arith.muli %add3A_102, %mul3A_275 : i32
      %dma_wait3A_277 = tpu.memref_slice %arg2[%mul3A_276] : memref<1000000xf32, #tpu.memory_space<hbm>> -> memref<8000xf32, #tpu.memory_space<hbm>>
      %dma_wait3A_278 = tpu.memref_slice %arg2[%mul3A_276] : memref<1000000xf32, #tpu.memory_space<hbm>> -> memref<8000xf32, #tpu.memory_space<hbm>>
      tpu.wait_dma2 semaphore(%arg17 : memref<!tpu.dma_semaphore, #tpu.memory_space<semaphore_mem>>) src(%dma_wait3A_278 : memref<8000xf32, #tpu.memory_space<hbm>>) dst(%arg6 : memref<8000xf32, #tpu.memory_space<vmem>>)
      %mul3A_279 = arith.constant 8000 : i32
      %mul3A_280 = arith.muli %add3A_102, %mul3A_279 : i32
      %dma_start3A_281 = tpu.memref_slice %arg5[%mul3A_280] : memref<1000000xf32, #tpu.memory_space<vmem_shared>> -> memref<8000xf32, #tpu.memory_space<vmem_shared>>
      %dma_start3A_282 = tpu.memref_slice %arg5[%mul3A_280] : memref<1000000xf32, #tpu.memory_space<vmem_shared>> -> memref<8000xf32, #tpu.memory_space<vmem_shared>>
      tpu.enqueue_dma source(%arg6 : memref<8000xf32, #tpu.memory_space<vmem>>) target(%dma_start3A_282 : memref<8000xf32, #tpu.memory_space<vmem_shared>>) target_semaphore(%arg19 : memref<!tpu.dma_semaphore, #tpu.memory_space<semaphore_mem>>)
    } else {
    }
    %add3A_115 = arith.constant 80 : i32
    %add3A_116 = arith.addi %arg1, %add3A_115 : i32
    %add3A_117 = arith.constant 96 : i32
    %add3A_118 = arith.addi %arg1, %add3A_117 : i32
    %lt3A_119 = arith.constant 125 : i32
    %lt3A_120 = arith.cmpi slt, %add3A_118, %lt3A_119 : i32
    %convert_element_type3A_121 = arith.extui %lt3A_120 : i1 to i32
    %cond3A_122 = arith.constant 0 : i32
    %cond3A_123 = arith.cmpi ne, %convert_element_type3A_121, %cond3A_122 : i32
    scf.if %cond3A_123 {
      %add3A_275 = arith.constant 64 : i32
      %add3A_276 = arith.addi %arg1, %add3A_275 : i32
      %mul3A_277 = arith.constant 8000 : i32
      %mul3A_278 = arith.muli %add3A_276, %mul3A_277 : i32
      %dma_wait3A_279 = tpu.memref_slice %arg5[%mul3A_278] : memref<1000000xf32, #tpu.memory_space<vmem_shared>> -> memref<8000xf32, #tpu.memory_space<vmem_shared>>
      %dma_wait3A_280 = tpu.memref_slice %arg5[%mul3A_278] : memref<1000000xf32, #tpu.memory_space<vmem_shared>> -> memref<8000xf32, #tpu.memory_space<vmem_shared>>
      tpu.wait_dma2 semaphore(%arg19 : memref<!tpu.dma_semaphore, #tpu.memory_space<semaphore_mem>>) src(%arg6 : memref<8000xf32, #tpu.memory_space<vmem>>) dst(%dma_wait3A_280 : memref<8000xf32, #tpu.memory_space<vmem_shared>>)
      %mul3A_281 = arith.constant 8000 : i32
      %mul3A_282 = arith.muli %add3A_118, %mul3A_281 : i32
      %dma_start3A_283 = tpu.memref_slice %arg2[%mul3A_282] : memref<1000000xf32, #tpu.memory_space<hbm>> -> memref<8000xf32, #tpu.memory_space<hbm>>
      %dma_start3A_284 = tpu.memref_slice %arg2[%mul3A_282] : memref<1000000xf32, #tpu.memory_space<hbm>> -> memref<8000xf32, #tpu.memory_space<hbm>>
      tpu.enqueue_dma source(%dma_start3A_284 : memref<8000xf32, #tpu.memory_space<hbm>>) target(%arg6 : memref<8000xf32, #tpu.memory_space<vmem>>) target_semaphore(%arg17 : memref<!tpu.dma_semaphore, #tpu.memory_space<semaphore_mem>>)
    } else {
    }
    %lt3A_124 = arith.constant 125 : i32
    %lt3A_125 = arith.cmpi slt, %add3A_116, %lt3A_124 : i32
    %convert_element_type3A_126 = arith.extui %lt3A_125 : i1 to i32
    %cond3A_127 = arith.constant 0 : i32
    %cond3A_128 = arith.cmpi ne, %convert_element_type3A_126, %cond3A_127 : i32
    scf.if %cond3A_128 {
      %mul3A_275 = arith.constant 8000 : i32
      %mul3A_276 = arith.muli %add3A_116, %mul3A_275 : i32
      %dma_wait3A_277 = tpu.memref_slice %arg2[%mul3A_276] : memref<1000000xf32, #tpu.memory_space<hbm>> -> memref<8000xf32, #tpu.memory_space<hbm>>
      %dma_wait3A_278 = tpu.memref_slice %arg2[%mul3A_276] : memref<1000000xf32, #tpu.memory_space<hbm>> -> memref<8000xf32, #tpu.memory_space<hbm>>
      tpu.wait_dma2 semaphore(%arg18 : memref<!tpu.dma_semaphore, #tpu.memory_space<semaphore_mem>>) src(%dma_wait3A_278 : memref<8000xf32, #tpu.memory_space<hbm>>) dst(%arg7 : memref<8000xf32, #tpu.memory_space<vmem>>)
      %mul3A_279 = arith.constant 8000 : i32
      %mul3A_280 = arith.muli %add3A_116, %mul3A_279 : i32
      %dma_start3A_281 = tpu.memref_slice %arg5[%mul3A_280] : memref<1000000xf32, #tpu.memory_space<vmem_shared>> -> memref<8000xf32, #tpu.memory_space<vmem_shared>>
      %dma_start3A_282 = tpu.memref_slice %arg5[%mul3A_280] : memref<1000000xf32, #tpu.memory_space<vmem_shared>> -> memref<8000xf32, #tpu.memory_space<vmem_shared>>
      tpu.enqueue_dma source(%arg7 : memref<8000xf32, #tpu.memory_space<vmem>>) target(%dma_start3A_282 : memref<8000xf32, #tpu.memory_space<vmem_shared>>) target_semaphore(%arg20 : memref<!tpu.dma_semaphore, #tpu.memory_space<semaphore_mem>>)
    } else {
    }
    %add3A_129 = arith.constant 96 : i32
    %add3A_130 = arith.addi %arg1, %add3A_129 : i32
    %add3A_131 = arith.constant 112 : i32
    %add3A_132 = arith.addi %arg1, %add3A_131 : i32
    %lt3A_133 = arith.constant 125 : i32
    %lt3A_134 = arith.cmpi slt, %add3A_132, %lt3A_133 : i32
    %convert_element_type3A_135 = arith.extui %lt3A_134 : i1 to i32
    %cond3A_136 = arith.constant 0 : i32
    %cond3A_137 = arith.cmpi ne, %convert_element_type3A_135, %cond3A_136 : i32
    scf.if %cond3A_137 {
      %add3A_275 = arith.constant 80 : i32
      %add3A_276 = arith.addi %arg1, %add3A_275 : i32
      %mul3A_277 = arith.constant 8000 : i32
      %mul3A_278 = arith.muli %add3A_276, %mul3A_277 : i32
      %dma_wait3A_279 = tpu.memref_slice %arg5[%mul3A_278] : memref<1000000xf32, #tpu.memory_space<vmem_shared>> -> memref<8000xf32, #tpu.memory_space<vmem_shared>>
      %dma_wait3A_280 = tpu.memref_slice %arg5[%mul3A_278] : memref<1000000xf32, #tpu.memory_space<vmem_shared>> -> memref<8000xf32, #tpu.memory_space<vmem_shared>>
      tpu.wait_dma2 semaphore(%arg20 : memref<!tpu.dma_semaphore, #tpu.memory_space<semaphore_mem>>) src(%arg7 : memref<8000xf32, #tpu.memory_space<vmem>>) dst(%dma_wait3A_280 : memref<8000xf32, #tpu.memory_space<vmem_shared>>)
      %mul3A_281 = arith.constant 8000 : i32
      %mul3A_282 = arith.muli %add3A_132, %mul3A_281 : i32
      %dma_start3A_283 = tpu.memref_slice %arg2[%mul3A_282] : memref<1000000xf32, #tpu.memory_space<hbm>> -> memref<8000xf32, #tpu.memory_space<hbm>>
      %dma_start3A_284 = tpu.memref_slice %arg2[%mul3A_282] : memref<1000000xf32, #tpu.memory_space<hbm>> -> memref<8000xf32, #tpu.memory_space<hbm>>
      tpu.enqueue_dma source(%dma_start3A_284 : memref<8000xf32, #tpu.memory_space<hbm>>) target(%arg7 : memref<8000xf32, #tpu.memory_space<vmem>>) target_semaphore(%arg18 : memref<!tpu.dma_semaphore, #tpu.memory_space<semaphore_mem>>)
    } else {
    }
    %lt3A_138 = arith.constant 125 : i32
    %lt3A_139 = arith.cmpi slt, %add3A_130, %lt3A_138 : i32
    %convert_element_type3A_140 = arith.extui %lt3A_139 : i1 to i32
    %cond3A_141 = arith.constant 0 : i32
    %cond3A_142 = arith.cmpi ne, %convert_element_type3A_140, %cond3A_141 : i32
    scf.if %cond3A_142 {
      %mul3A_275 = arith.constant 8000 : i32
      %mul3A_276 = arith.muli %add3A_130, %mul3A_275 : i32
      %dma_wait3A_277 = tpu.memref_slice %arg2[%mul3A_276] : memref<1000000xf32, #tpu.memory_space<hbm>> -> memref<8000xf32, #tpu.memory_space<hbm>>
      %dma_wait3A_278 = tpu.memref_slice %arg2[%mul3A_276] : memref<1000000xf32, #tpu.memory_space<hbm>> -> memref<8000xf32, #tpu.memory_space<hbm>>
      tpu.wait_dma2 semaphore(%arg17 : memref<!tpu.dma_semaphore, #tpu.memory_space<semaphore_mem>>) src(%dma_wait3A_278 : memref<8000xf32, #tpu.memory_space<hbm>>) dst(%arg6 : memref<8000xf32, #tpu.memory_space<vmem>>)
      %mul3A_279 = arith.constant 8000 : i32
      %mul3A_280 = arith.muli %add3A_130, %mul3A_279 : i32
      %dma_start3A_281 = tpu.memref_slice %arg5[%mul3A_280] : memref<1000000xf32, #tpu.memory_space<vmem_shared>> -> memref<8000xf32, #tpu.memory_space<vmem_shared>>
      %dma_start3A_282 = tpu.memref_slice %arg5[%mul3A_280] : memref<1000000xf32, #tpu.memory_space<vmem_shared>> -> memref<8000xf32, #tpu.memory_space<vmem_shared>>
      tpu.enqueue_dma source(%arg6 : memref<8000xf32, #tpu.memory_space<vmem>>) target(%dma_start3A_282 : memref<8000xf32, #tpu.memory_space<vmem_shared>>) target_semaphore(%arg19 : memref<!tpu.dma_semaphore, #tpu.memory_space<semaphore_mem>>)
    } else {
    }
    %add3A_143 = arith.constant 112 : i32
    %add3A_144 = arith.addi %arg1, %add3A_143 : i32
    %add3A_145 = arith.constant 128 : i32
    %add3A_146 = arith.addi %arg1, %add3A_145 : i32
    %lt3A_147 = arith.constant 125 : i32
    %lt3A_148 = arith.cmpi slt, %add3A_144, %lt3A_147 : i32
    %convert_element_type3A_149 = arith.extui %lt3A_148 : i1 to i32
    %cond3A_150 = arith.constant 0 : i32
    %cond3A_151 = arith.cmpi ne, %convert_element_type3A_149, %cond3A_150 : i32
    scf.if %cond3A_151 {
      %mul3A_275 = arith.constant 8000 : i32
      %mul3A_276 = arith.muli %add3A_144, %mul3A_275 : i32
      %dma_wait3A_277 = tpu.memref_slice %arg2[%mul3A_276] : memref<1000000xf32, #tpu.memory_space<hbm>> -> memref<8000xf32, #tpu.memory_space<hbm>>
      %dma_wait3A_278 = tpu.memref_slice %arg2[%mul3A_276] : memref<1000000xf32, #tpu.memory_space<hbm>> -> memref<8000xf32, #tpu.memory_space<hbm>>
      tpu.wait_dma2 semaphore(%arg18 : memref<!tpu.dma_semaphore, #tpu.memory_space<semaphore_mem>>) src(%dma_wait3A_278 : memref<8000xf32, #tpu.memory_space<hbm>>) dst(%arg7 : memref<8000xf32, #tpu.memory_space<vmem>>)
      %mul3A_279 = arith.constant 8000 : i32
      %mul3A_280 = arith.muli %add3A_144, %mul3A_279 : i32
      %dma_start3A_281 = tpu.memref_slice %arg5[%mul3A_280] : memref<1000000xf32, #tpu.memory_space<vmem_shared>> -> memref<8000xf32, #tpu.memory_space<vmem_shared>>
      %dma_start3A_282 = tpu.memref_slice %arg5[%mul3A_280] : memref<1000000xf32, #tpu.memory_space<vmem_shared>> -> memref<8000xf32, #tpu.memory_space<vmem_shared>>
      tpu.enqueue_dma source(%arg7 : memref<8000xf32, #tpu.memory_space<vmem>>) target(%dma_start3A_282 : memref<8000xf32, #tpu.memory_space<vmem_shared>>) target_semaphore(%arg20 : memref<!tpu.dma_semaphore, #tpu.memory_space<semaphore_mem>>)
    } else {
    }
    %add3A_152 = arith.constant 112 : i32
    %add3A_153 = arith.addi %arg1, %add3A_152 : i32
    %lt3A_154 = arith.constant 125 : i32
    %lt3A_155 = arith.cmpi slt, %add3A_153, %lt3A_154 : i32
    %convert_element_type3A_156 = arith.extui %lt3A_155 : i1 to i32
    %cond3A_157 = arith.constant 0 : i32
    %cond3A_158 = arith.cmpi ne, %convert_element_type3A_156, %cond3A_157 : i32
    scf.if %cond3A_158 {
      %add3A_275 = arith.constant 96 : i32
      %add3A_276 = arith.addi %arg1, %add3A_275 : i32
      %mul3A_277 = arith.constant 8000 : i32
      %mul3A_278 = arith.muli %add3A_276, %mul3A_277 : i32
      %dma_wait3A_279 = tpu.memref_slice %arg5[%mul3A_278] : memref<1000000xf32, #tpu.memory_space<vmem_shared>> -> memref<8000xf32, #tpu.memory_space<vmem_shared>>
      %dma_wait3A_280 = tpu.memref_slice %arg5[%mul3A_278] : memref<1000000xf32, #tpu.memory_space<vmem_shared>> -> memref<8000xf32, #tpu.memory_space<vmem_shared>>
      tpu.wait_dma2 semaphore(%arg19 : memref<!tpu.dma_semaphore, #tpu.memory_space<semaphore_mem>>) src(%arg6 : memref<8000xf32, #tpu.memory_space<vmem>>) dst(%dma_wait3A_280 : memref<8000xf32, #tpu.memory_space<vmem_shared>>)
      %add3A_281 = arith.constant 112 : i32
      %add3A_282 = arith.addi %arg1, %add3A_281 : i32
      %mul3A_283 = arith.constant 8000 : i32
      %mul3A_284 = arith.muli %add3A_282, %mul3A_283 : i32
      %dma_wait3A_285 = tpu.memref_slice %arg5[%mul3A_284] : memref<1000000xf32, #tpu.memory_space<vmem_shared>> -> memref<8000xf32, #tpu.memory_space<vmem_shared>>
      %dma_wait3A_286 = tpu.memref_slice %arg5[%mul3A_284] : memref<1000000xf32, #tpu.memory_space<vmem_shared>> -> memref<8000xf32, #tpu.memory_space<vmem_shared>>
      tpu.wait_dma2 semaphore(%arg20 : memref<!tpu.dma_semaphore, #tpu.memory_space<semaphore_mem>>) src(%arg7 : memref<8000xf32, #tpu.memory_space<vmem>>) dst(%dma_wait3A_286 : memref<8000xf32, #tpu.memory_space<vmem_shared>>)
    } else {
    }
    %ge3A = arith.constant 125 : i32
    %ge3A_159 = arith.cmpi sge, %add3A_153, %ge3A : i32
    %convert_element_type3A_160 = arith.extui %ge3A_159 : i1 to i32
    %cond3A_161 = arith.constant 0 : i32
    %cond3A_162 = arith.cmpi ne, %convert_element_type3A_160, %cond3A_161 : i32
    scf.if %cond3A_162 {
      %add3A_275 = arith.constant 80 : i32
      %add3A_276 = arith.addi %arg1, %add3A_275 : i32
      %mul3A_277 = arith.constant 8000 : i32
      %mul3A_278 = arith.muli %add3A_276, %mul3A_277 : i32
      %dma_wait3A_279 = tpu.memref_slice %arg5[%mul3A_278] : memref<1000000xf32, #tpu.memory_space<vmem_shared>> -> memref<8000xf32, #tpu.memory_space<vmem_shared>>
      %dma_wait3A_280 = tpu.memref_slice %arg5[%mul3A_278] : memref<1000000xf32, #tpu.memory_space<vmem_shared>> -> memref<8000xf32, #tpu.memory_space<vmem_shared>>
      tpu.wait_dma2 semaphore(%arg20 : memref<!tpu.dma_semaphore, #tpu.memory_space<semaphore_mem>>) src(%arg7 : memref<8000xf32, #tpu.memory_space<vmem>>) dst(%dma_wait3A_280 : memref<8000xf32, #tpu.memory_space<vmem_shared>>)
      %add3A_281 = arith.constant 96 : i32
      %add3A_282 = arith.addi %arg1, %add3A_281 : i32
      %mul3A_283 = arith.constant 8000 : i32
      %mul3A_284 = arith.muli %add3A_282, %mul3A_283 : i32
      %dma_wait3A_285 = tpu.memref_slice %arg5[%mul3A_284] : memref<1000000xf32, #tpu.memory_space<vmem_shared>> -> memref<8000xf32, #tpu.memory_space<vmem_shared>>
      %dma_wait3A_286 = tpu.memref_slice %arg5[%mul3A_284] : memref<1000000xf32, #tpu.memory_space<vmem_shared>> -> memref<8000xf32, #tpu.memory_space<vmem_shared>>
      tpu.wait_dma2 semaphore(%arg19 : memref<!tpu.dma_semaphore, #tpu.memory_space<semaphore_mem>>) src(%arg6 : memref<8000xf32, #tpu.memory_space<vmem>>) dst(%dma_wait3A_286 : memref<8000xf32, #tpu.memory_space<vmem_shared>>)
    } else {
    }
    %barrier3A = arith.constant 0 : index
    tpu.barrier barrier_id(%barrier3A)
    %mul3A_163 = arith.constant 25 : i32
    %mul3A_164 = arith.muli %add3A, %mul3A_163 : i32
    %scan3A = arith.constant 0 : i32
    %scan3A_165 = arith.constant 0 : i32
    %scan3A_166 = arith.constant 25 : i32
    %scan3A_167 = arith.addi %scan3A_165, %scan3A_166 : i32
    %scan3A_168 = arith.constant 1 : i32
    scf.for %scan3A_275 = %scan3A_165 to %scan3A_167 step %scan3A_168  : i32 {
      %rem3A_276 = arith.constant 2 : i32
      %rem3A_277 = arith.remsi %scan3A_275, %rem3A_276 : i32
      %eq3A_278 = arith.constant 0 : i32
      %eq3A_279 = arith.cmpi eq, %rem3A_277, %eq3A_278 : i32
      %convert_element_type3A_280 = arith.extui %eq3A_279 : i1 to i32
      %cond3A_281 = arith.constant 0 : i32
      %cond3A_282 = arith.cmpi ne, %convert_element_type3A_280, %cond3A_281 : i32
      scf.if %cond3A_282 {
        %add3A_290 = arith.addi %mul3A_164, %scan3A_275 : i32
        %add3A_291 = arith.constant 1 : i32
        %add3A_292 = arith.addi %scan3A_275, %add3A_291 : i32
        %lt3A_293 = arith.constant 25 : i32
        %lt3A_294 = arith.cmpi slt, %add3A_292, %lt3A_293 : i32
        %convert_element_type3A_295 = arith.extui %lt3A_294 : i1 to i32
        %cond3A_296 = arith.constant 0 : i32
        %cond3A_297 = arith.cmpi ne, %convert_element_type3A_295, %cond3A_296 : i32
        scf.if %cond3A_297 {
          %add3A_1043 = arith.constant 1 : i32
          %add3A_1044 = arith.addi %add3A_290, %add3A_1043 : i32
          %jit3A_1045 = arith.constant 32 : i32
          %div3A_1046 = arith.divsi %add3A_1044, %jit3A_1045 : i32
          %sign3A_1047 = arith.constant 0 : i32
          %sign3A_1048 = arith.cmpi sgt, %add3A_1044, %sign3A_1047 : i32
          %sign3A_1049 = arith.extui %sign3A_1048 : i1 to i32
          %sign3A_1050 = arith.constant 0 : i32
          %sign3A_1051 = arith.cmpi slt, %add3A_1044, %sign3A_1050 : i32
          %sign3A_1052 = arith.extui %sign3A_1051 : i1 to i32
          %sign3A_1053 = arith.subi %sign3A_1049, %sign3A_1052 : i32
          %sign3A_1054 = arith.constant 0 : i32
          %sign3A_1055 = arith.cmpi sgt, %jit3A_1045, %sign3A_1054 : i32
          %sign3A_1056 = arith.extui %sign3A_1055 : i1 to i32
          %sign3A_1057 = arith.constant 0 : i32
          %sign3A_1058 = arith.cmpi slt, %jit3A_1045, %sign3A_1057 : i32
          %sign3A_1059 = arith.extui %sign3A_1058 : i1 to i32
          %sign3A_1060 = arith.subi %sign3A_1056, %sign3A_1059 : i32
          %ne3A_1061 = arith.cmpi ne, %sign3A_1053, %sign3A_1060 : i32
          %rem3A_1062 = arith.remsi %add3A_1044, %jit3A_1045 : i32
          %ne3A_1063 = arith.constant 0 : i32
          %ne3A_1064 = arith.cmpi ne, %rem3A_1062, %ne3A_1063 : i32
          %and3A_1065 = arith.andi %ne3A_1061, %ne3A_1064 : i1
          %sub3A_1066 = arith.constant 1 : i32
          %sub3A_1067 = arith.subi %div3A_1046, %sub3A_1066 : i32
          %select_n3A_1068 = arith.select %and3A_1065, %sub3A_1067, %div3A_1046 : i32
          %jit3A_1069 = arith.constant 32 : i32
          %eq3A_1070 = arith.constant 0 : i32
          %eq3A_1071 = arith.cmpi eq, %jit3A_1069, %eq3A_1070 : i32
          %jit3A_1072 = arith.constant 1 : i32
          %select_n3A_1073 = arith.select %eq3A_1071, %jit3A_1072, %jit3A_1069 : i32
          %rem3A_1074 = arith.remsi %add3A_1044, %select_n3A_1073 : i32
          %ne3A_1075 = arith.constant 0 : i32
          %ne3A_1076 = arith.cmpi ne, %rem3A_1074, %ne3A_1075 : i32
          %lt3A_1077 = arith.constant 0 : i32
          %lt3A_1078 = arith.cmpi slt, %rem3A_1074, %lt3A_1077 : i32
          %lt3A_1079 = arith.constant 0 : i32
          %lt3A_1080 = arith.cmpi slt, %select_n3A_1073, %lt3A_1079 : i32
          %ne3A_1081 = arith.xori %lt3A_1078, %lt3A_1080 : i1
          %and3A_1082 = arith.andi %ne3A_1081, %ne3A_1076 : i1
          %add3A_1083 = arith.addi %rem3A_1074, %select_n3A_1073 : i32
          %select_n3A_1084 = arith.select %and3A_1082, %add3A_1083, %rem3A_1074 : i32
          %mul3A_1085 = arith.constant 512 : i32
          %mul3A_1086 = arith.muli %select_n3A_1084, %mul3A_1085 : i32
          %dma_start3A_1087 = tpu.memref_reshape %arg3 : memref<200x16384xi32, #tpu.memory_space<hbm>> -> memref<25x8x16384xi32, #tpu.memory_space<hbm>>
          %dma_start3A_1088 = arith.constant 0 : i32
          %dma_start3A_1089 = tpu.memref_slice %dma_start3A_1087[%select_n3A_1068, %dma_start3A_1088, %mul3A_1086] : memref<25x8x16384xi32, #tpu.memory_space<hbm>> -> memref<1x8x512xi32, #tpu.memory_space<hbm>>
          %dma_start3A_1090 = tpu.memref_squeeze %dma_start3A_1089 : memref<1x8x512xi32, #tpu.memory_space<hbm>> -> memref<8x512xi32, #tpu.memory_space<hbm>>
          %dma_start3A_1091 = tpu.memref_reshape %arg3 : memref<200x16384xi32, #tpu.memory_space<hbm>> -> memref<25x8x16384xi32, #tpu.memory_space<hbm>>
          %dma_start3A_1092 = arith.constant 0 : i32
          %dma_start3A_1093 = tpu.memref_slice %dma_start3A_1091[%select_n3A_1068, %dma_start3A_1092, %mul3A_1086] : memref<25x8x16384xi32, #tpu.memory_space<hbm>> -> memref<1x8x512xi32, #tpu.memory_space<hbm>>
          %dma_start3A_1094 = tpu.memref_squeeze %dma_start3A_1093 : memref<1x8x512xi32, #tpu.memory_space<hbm>> -> memref<8x512xi32, #tpu.memory_space<hbm>>
          tpu.enqueue_dma source(%dma_start3A_1094 : memref<8x512xi32, #tpu.memory_space<hbm>>) target(%arg9 : memref<8x512xi32, #tpu.memory_space<vmem>>) target_semaphore(%arg14 : memref<!tpu.dma_semaphore, #tpu.memory_space<semaphore_mem>>)
        } else {
        }
        %jit3A_298 = arith.constant 32 : i32
        %div3A_299 = arith.divsi %add3A_290, %jit3A_298 : i32
        %sign3A_300 = arith.constant 0 : i32
        %sign3A_301 = arith.cmpi sgt, %add3A_290, %sign3A_300 : i32
        %sign3A_302 = arith.extui %sign3A_301 : i1 to i32
        %sign3A_303 = arith.constant 0 : i32
        %sign3A_304 = arith.cmpi slt, %add3A_290, %sign3A_303 : i32
        %sign3A_305 = arith.extui %sign3A_304 : i1 to i32
        %sign3A_306 = arith.subi %sign3A_302, %sign3A_305 : i32
        %sign3A_307 = arith.constant 0 : i32
        %sign3A_308 = arith.cmpi sgt, %jit3A_298, %sign3A_307 : i32
        %sign3A_309 = arith.extui %sign3A_308 : i1 to i32
        %sign3A_310 = arith.constant 0 : i32
        %sign3A_311 = arith.cmpi slt, %jit3A_298, %sign3A_310 : i32
        %sign3A_312 = arith.extui %sign3A_311 : i1 to i32
        %sign3A_313 = arith.subi %sign3A_309, %sign3A_312 : i32
        %ne3A_314 = arith.cmpi ne, %sign3A_306, %sign3A_313 : i32
        %rem3A_315 = arith.remsi %add3A_290, %jit3A_298 : i32
        %ne3A_316 = arith.constant 0 : i32
        %ne3A_317 = arith.cmpi ne, %rem3A_315, %ne3A_316 : i32
        %and3A_318 = arith.andi %ne3A_314, %ne3A_317 : i1
        %sub3A_319 = arith.constant 1 : i32
        %sub3A_320 = arith.subi %div3A_299, %sub3A_319 : i32
        %select_n3A_321 = arith.select %and3A_318, %sub3A_320, %div3A_299 : i32
        %jit3A_322 = arith.constant 32 : i32
        %eq3A_323 = arith.constant 0 : i32
        %eq3A_324 = arith.cmpi eq, %jit3A_322, %eq3A_323 : i32
        %jit3A_325 = arith.constant 1 : i32
        %select_n3A_326 = arith.select %eq3A_324, %jit3A_325, %jit3A_322 : i32
        %rem3A_327 = arith.remsi %add3A_290, %select_n3A_326 : i32
        %ne3A_328 = arith.constant 0 : i32
        %ne3A_329 = arith.cmpi ne, %rem3A_327, %ne3A_328 : i32
        %lt3A_330 = arith.constant 0 : i32
        %lt3A_331 = arith.cmpi slt, %rem3A_327, %lt3A_330 : i32
        %lt3A_332 = arith.constant 0 : i32
        %lt3A_333 = arith.cmpi slt, %select_n3A_326, %lt3A_332 : i32
        %ne3A_334 = arith.xori %lt3A_331, %lt3A_333 : i1
        %and3A_335 = arith.andi %ne3A_334, %ne3A_329 : i1
        %add3A_336 = arith.addi %rem3A_327, %select_n3A_326 : i32
        %select_n3A_337 = arith.select %and3A_335, %add3A_336, %rem3A_327 : i32
        %mul3A_338 = arith.constant 512 : i32
        %mul3A_339 = arith.muli %select_n3A_337, %mul3A_338 : i32
        %dma_wait3A_340 = tpu.memref_reshape %arg3 : memref<200x16384xi32, #tpu.memory_space<hbm>> -> memref<25x8x16384xi32, #tpu.memory_space<hbm>>
        %dma_wait3A_341 = arith.constant 0 : i32
        %dma_wait3A_342 = tpu.memref_slice %dma_wait3A_340[%select_n3A_321, %dma_wait3A_341, %mul3A_339] : memref<25x8x16384xi32, #tpu.memory_space<hbm>> -> memref<1x8x512xi32, #tpu.memory_space<hbm>>
        %dma_wait3A_343 = tpu.memref_squeeze %dma_wait3A_342 : memref<1x8x512xi32, #tpu.memory_space<hbm>> -> memref<8x512xi32, #tpu.memory_space<hbm>>
        %dma_wait3A_344 = tpu.memref_reshape %arg3 : memref<200x16384xi32, #tpu.memory_space<hbm>> -> memref<25x8x16384xi32, #tpu.memory_space<hbm>>
        %dma_wait3A_345 = arith.constant 0 : i32
        %dma_wait3A_346 = tpu.memref_slice %dma_wait3A_344[%select_n3A_321, %dma_wait3A_345, %mul3A_339] : memref<25x8x16384xi32, #tpu.memory_space<hbm>> -> memref<1x8x512xi32, #tpu.memory_space<hbm>>
        %dma_wait3A_347 = tpu.memref_squeeze %dma_wait3A_346 : memref<1x8x512xi32, #tpu.memory_space<hbm>> -> memref<8x512xi32, #tpu.memory_space<hbm>>
        tpu.wait_dma2 semaphore(%arg13 : memref<!tpu.dma_semaphore, #tpu.memory_space<semaphore_mem>>) src(%dma_wait3A_347 : memref<8x512xi32, #tpu.memory_space<hbm>>) dst(%arg8 : memref<8x512xi32, #tpu.memory_space<vmem>>)
        %ge3A_348 = arith.constant 2 : i32
        %ge3A_349 = arith.cmpi sge, %scan3A_275, %ge3A_348 : i32
        %convert_element_type3A_350 = arith.extui %ge3A_349 : i1 to i32
        %cond3A_351 = arith.constant 0 : i32
        %cond3A_352 = arith.cmpi ne, %convert_element_type3A_350, %cond3A_351 : i32
        scf.if %cond3A_352 {
          %jit3A_1043 = arith.constant 32 : i32
          %div3A_1044 = arith.divsi %add3A_290, %jit3A_1043 : i32
          %sign3A_1045 = arith.constant 0 : i32
          %sign3A_1046 = arith.cmpi sgt, %add3A_290, %sign3A_1045 : i32
          %sign3A_1047 = arith.extui %sign3A_1046 : i1 to i32
          %sign3A_1048 = arith.constant 0 : i32
          %sign3A_1049 = arith.cmpi slt, %add3A_290, %sign3A_1048 : i32
          %sign3A_1050 = arith.extui %sign3A_1049 : i1 to i32
          %sign3A_1051 = arith.subi %sign3A_1047, %sign3A_1050 : i32
          %sign3A_1052 = arith.constant 0 : i32
          %sign3A_1053 = arith.cmpi sgt, %jit3A_1043, %sign3A_1052 : i32
          %sign3A_1054 = arith.extui %sign3A_1053 : i1 to i32
          %sign3A_1055 = arith.constant 0 : i32
          %sign3A_1056 = arith.cmpi slt, %jit3A_1043, %sign3A_1055 : i32
          %sign3A_1057 = arith.extui %sign3A_1056 : i1 to i32
          %sign3A_1058 = arith.subi %sign3A_1054, %sign3A_1057 : i32
          %ne3A_1059 = arith.cmpi ne, %sign3A_1051, %sign3A_1058 : i32
          %rem3A_1060 = arith.remsi %add3A_290, %jit3A_1043 : i32
          %ne3A_1061 = arith.constant 0 : i32
          %ne3A_1062 = arith.cmpi ne, %rem3A_1060, %ne3A_1061 : i32
          %and3A_1063 = arith.andi %ne3A_1059, %ne3A_1062 : i1
          %sub3A_1064 = arith.constant 1 : i32
          %sub3A_1065 = arith.subi %div3A_1044, %sub3A_1064 : i32
          %select_n3A_1066 = arith.select %and3A_1063, %sub3A_1065, %div3A_1044 : i32
          %jit3A_1067 = arith.constant 32 : i32
          %eq3A_1068 = arith.constant 0 : i32
          %eq3A_1069 = arith.cmpi eq, %jit3A_1067, %eq3A_1068 : i32
          %jit3A_1070 = arith.constant 1 : i32
          %select_n3A_1071 = arith.select %eq3A_1069, %jit3A_1070, %jit3A_1067 : i32
          %rem3A_1072 = arith.remsi %add3A_290, %select_n3A_1071 : i32
          %ne3A_1073 = arith.constant 0 : i32
          %ne3A_1074 = arith.cmpi ne, %rem3A_1072, %ne3A_1073 : i32
          %lt3A_1075 = arith.constant 0 : i32
          %lt3A_1076 = arith.cmpi slt, %rem3A_1072, %lt3A_1075 : i32
          %lt3A_1077 = arith.constant 0 : i32
          %lt3A_1078 = arith.cmpi slt, %select_n3A_1071, %lt3A_1077 : i32
          %ne3A_1079 = arith.xori %lt3A_1076, %lt3A_1078 : i1
          %and3A_1080 = arith.andi %ne3A_1079, %ne3A_1074 : i1
          %add3A_1081 = arith.addi %rem3A_1072, %select_n3A_1071 : i32
          %select_n3A_1082 = arith.select %and3A_1080, %add3A_1081, %rem3A_1072 : i32
          %mul3A_1083 = arith.constant 512 : i32
          %mul3A_1084 = arith.muli %select_n3A_1082, %mul3A_1083 : i32
          %dma_wait3A_1085 = tpu.memref_reshape %arg4 : memref<200x16384xf32, #tpu.memory_space<hbm>> -> memref<25x8x16384xf32, #tpu.memory_space<hbm>>
          %dma_wait3A_1086 = arith.constant 0 : i32
          %dma_wait3A_1087 = tpu.memref_slice %dma_wait3A_1085[%select_n3A_1066, %dma_wait3A_1086, %mul3A_1084] : memref<25x8x16384xf32, #tpu.memory_space<hbm>> -> memref<1x8x512xf32, #tpu.memory_space<hbm>>
          %dma_wait3A_1088 = tpu.memref_squeeze %dma_wait3A_1087 : memref<1x8x512xf32, #tpu.memory_space<hbm>> -> memref<8x512xf32, #tpu.memory_space<hbm>>
          %dma_wait3A_1089 = tpu.memref_reshape %arg4 : memref<200x16384xf32, #tpu.memory_space<hbm>> -> memref<25x8x16384xf32, #tpu.memory_space<hbm>>
          %dma_wait3A_1090 = arith.constant 0 : i32
          %dma_wait3A_1091 = tpu.memref_slice %dma_wait3A_1089[%select_n3A_1066, %dma_wait3A_1090, %mul3A_1084] : memref<25x8x16384xf32, #tpu.memory_space<hbm>> -> memref<1x8x512xf32, #tpu.memory_space<hbm>>
          %dma_wait3A_1092 = tpu.memref_squeeze %dma_wait3A_1091 : memref<1x8x512xf32, #tpu.memory_space<hbm>> -> memref<8x512xf32, #tpu.memory_space<hbm>>
          tpu.wait_dma2 semaphore(%arg15 : memref<!tpu.dma_semaphore, #tpu.memory_space<semaphore_mem>>) src(%arg10 : memref<8x512xf32, #tpu.memory_space<vmem>>) dst(%dma_wait3A_1092 : memref<8x512xf32, #tpu.memory_space<hbm>>)
        } else {
        }
        %dma_start3A_353 = arith.constant 0 : i32
        %dma_start3A_354 = arith.constant 0 : i32
        %dma_start3A_355 = arith.constant 0 : i32
        %dma_start3A_356 = tpu.memref_slice %arg10[%dma_start3A_354, %dma_start3A_355] : memref<8x512xf32, #tpu.memory_space<vmem>> -> memref<1x128xf32, #tpu.memory_space<vmem>>
        %dma_start3A_357 = tpu.memref_squeeze %dma_start3A_356 : memref<1x128xf32, #tpu.memory_space<vmem>> -> memref<128xf32, #tpu.memory_space<vmem>>
        %dma_start3A_358 = arith.constant 0 : i32
        %dma_start3A_359 = tpu.memref_slice %arg8[%dma_start3A_353, %dma_start3A_358] : memref<8x512xi32, #tpu.memory_space<vmem>> -> memref<1x128xi32, #tpu.memory_space<vmem>>
        %dma_start3A_360 = tpu.memref_squeeze %dma_start3A_359 : memref<1x128xi32, #tpu.memory_space<vmem>> -> memref<128xi32, #tpu.memory_space<vmem>>
        %dma_start3A_361 = arith.constant 0 : i32
        %dma_start3A_362 = tpu.memref_slice %arg5[%dma_start3A_361] : memref<1000000xf32, #tpu.memory_space<vmem_shared>> -> memref<1000000xf32, #tpu.memory_space<vmem_shared>>
        tpu.enqueue_indirect_dma source(%dma_start3A_362 : memref<1000000xf32, #tpu.memory_space<vmem_shared>>) target(%dma_start3A_357 : memref<128xf32, #tpu.memory_space<vmem>>) offsets(%dma_start3A_360 : memref<128xi32, #tpu.memory_space<vmem>>) semaphore(%arg12 : memref<!tpu.dma_semaphore, #tpu.memory_space<semaphore_mem>>)
        %dma_start3A_363 = arith.constant 0 : i32
        %dma_start3A_364 = arith.constant 0 : i32
        %dma_start3A_365 = arith.constant 128 : i32
        %dma_start3A_366 = tpu.memref_slice %arg10[%dma_start3A_364, %dma_start3A_365] : memref<8x512xf32, #tpu.memory_space<vmem>> -> memref<1x128xf32, #tpu.memory_space<vmem>>
        %dma_start3A_367 = tpu.memref_squeeze %dma_start3A_366 : memref<1x128xf32, #tpu.memory_space<vmem>> -> memref<128xf32, #tpu.memory_space<vmem>>
        %dma_start3A_368 = arith.constant 128 : i32
        %dma_start3A_369 = tpu.memref_slice %arg8[%dma_start3A_363, %dma_start3A_368] : memref<8x512xi32, #tpu.memory_space<vmem>> -> memref<1x128xi32, #tpu.memory_space<vmem>>
        %dma_start3A_370 = tpu.memref_squeeze %dma_start3A_369 : memref<1x128xi32, #tpu.memory_space<vmem>> -> memref<128xi32, #tpu.memory_space<vmem>>
        %dma_start3A_371 = arith.constant 0 : i32
        %dma_start3A_372 = tpu.memref_slice %arg5[%dma_start3A_371] : memref<1000000xf32, #tpu.memory_space<vmem_shared>> -> memref<1000000xf32, #tpu.memory_space<vmem_shared>>
        tpu.enqueue_indirect_dma source(%dma_start3A_372 : memref<1000000xf32, #tpu.memory_space<vmem_shared>>) target(%dma_start3A_367 : memref<128xf32, #tpu.memory_space<vmem>>) offsets(%dma_start3A_370 : memref<128xi32, #tpu.memory_space<vmem>>) semaphore(%arg12 : memref<!tpu.dma_semaphore, #tpu.memory_space<semaphore_mem>>)
        %dma_start3A_373 = arith.constant 0 : i32
        %dma_start3A_374 = arith.constant 0 : i32
        %dma_start3A_375 = arith.constant 256 : i32
        %dma_start3A_376 = tpu.memref_slice %arg10[%dma_start3A_374, %dma_start3A_375] : memref<8x512xf32, #tpu.memory_space<vmem>> -> memref<1x128xf32, #tpu.memory_space<vmem>>
        %dma_start3A_377 = tpu.memref_squeeze %dma_start3A_376 : memref<1x128xf32, #tpu.memory_space<vmem>> -> memref<128xf32, #tpu.memory_space<vmem>>
        %dma_start3A_378 = arith.constant 256 : i32
        %dma_start3A_379 = tpu.memref_slice %arg8[%dma_start3A_373, %dma_start3A_378] : memref<8x512xi32, #tpu.memory_space<vmem>> -> memref<1x128xi32, #tpu.memory_space<vmem>>
        %dma_start3A_380 = tpu.memref_squeeze %dma_start3A_379 : memref<1x128xi32, #tpu.memory_space<vmem>> -> memref<128xi32, #tpu.memory_space<vmem>>
        %dma_start3A_381 = arith.constant 0 : i32
        %dma_start3A_382 = tpu.memref_slice %arg5[%dma_start3A_381] : memref<1000000xf32, #tpu.memory_space<vmem_shared>> -> memref<1000000xf32, #tpu.memory_space<vmem_shared>>
        tpu.enqueue_indirect_dma source(%dma_start3A_382 : memref<1000000xf32, #tpu.memory_space<vmem_shared>>) target(%dma_start3A_377 : memref<128xf32, #tpu.memory_space<vmem>>) offsets(%dma_start3A_380 : memref<128xi32, #tpu.memory_space<vmem>>) semaphore(%arg12 : memref<!tpu.dma_semaphore, #tpu.memory_space<semaphore_mem>>)
        %dma_start3A_383 = arith.constant 0 : i32
        %dma_start3A_384 = arith.constant 0 : i32
        %dma_start3A_385 = arith.constant 384 : i32
        %dma_start3A_386 = tpu.memref_slice %arg10[%dma_start3A_384, %dma_start3A_385] : memref<8x512xf32, #tpu.memory_space<vmem>> -> memref<1x128xf32, #tpu.memory_space<vmem>>
        %dma_start3A_387 = tpu.memref_squeeze %dma_start3A_386 : memref<1x128xf32, #tpu.memory_space<vmem>> -> memref<128xf32, #tpu.memory_space<vmem>>
        %dma_start3A_388 = arith.constant 384 : i32
        %dma_start3A_389 = tpu.memref_slice %arg8[%dma_start3A_383, %dma_start3A_388] : memref<8x512xi32, #tpu.memory_space<vmem>> -> memref<1x128xi32, #tpu.memory_space<vmem>>
        %dma_start3A_390 = tpu.memref_squeeze %dma_start3A_389 : memref<1x128xi32, #tpu.memory_space<vmem>> -> memref<128xi32, #tpu.memory_space<vmem>>
        %dma_start3A_391 = arith.constant 0 : i32
        %dma_start3A_392 = tpu.memref_slice %arg5[%dma_start3A_391] : memref<1000000xf32, #tpu.memory_space<vmem_shared>> -> memref<1000000xf32, #tpu.memory_space<vmem_shared>>
        tpu.enqueue_indirect_dma source(%dma_start3A_392 : memref<1000000xf32, #tpu.memory_space<vmem_shared>>) target(%dma_start3A_387 : memref<128xf32, #tpu.memory_space<vmem>>) offsets(%dma_start3A_390 : memref<128xi32, #tpu.memory_space<vmem>>) semaphore(%arg12 : memref<!tpu.dma_semaphore, #tpu.memory_space<semaphore_mem>>)
        %dma_start3A_393 = arith.constant 1 : i32
        %dma_start3A_394 = arith.constant 1 : i32
        %dma_start3A_395 = arith.constant 0 : i32
        %dma_start3A_396 = tpu.memref_slice %arg10[%dma_start3A_394, %dma_start3A_395] : memref<8x512xf32, #tpu.memory_space<vmem>> -> memref<1x128xf32, #tpu.memory_space<vmem>>
        %dma_start3A_397 = tpu.memref_squeeze %dma_start3A_396 : memref<1x128xf32, #tpu.memory_space<vmem>> -> memref<128xf32, #tpu.memory_space<vmem>>
        %dma_start3A_398 = arith.constant 0 : i32
        %dma_start3A_399 = tpu.memref_slice %arg8[%dma_start3A_393, %dma_start3A_398] : memref<8x512xi32, #tpu.memory_space<vmem>> -> memref<1x128xi32, #tpu.memory_space<vmem>>
        %dma_start3A_400 = tpu.memref_squeeze %dma_start3A_399 : memref<1x128xi32, #tpu.memory_space<vmem>> -> memref<128xi32, #tpu.memory_space<vmem>>
        %dma_start3A_401 = arith.constant 0 : i32
        %dma_start3A_402 = tpu.memref_slice %arg5[%dma_start3A_401] : memref<1000000xf32, #tpu.memory_space<vmem_shared>> -> memref<1000000xf32, #tpu.memory_space<vmem_shared>>
        tpu.enqueue_indirect_dma source(%dma_start3A_402 : memref<1000000xf32, #tpu.memory_space<vmem_shared>>) target(%dma_start3A_397 : memref<128xf32, #tpu.memory_space<vmem>>) offsets(%dma_start3A_400 : memref<128xi32, #tpu.memory_space<vmem>>) semaphore(%arg12 : memref<!tpu.dma_semaphore, #tpu.memory_space<semaphore_mem>>)
        %dma_start3A_403 = arith.constant 1 : i32
        %dma_start3A_404 = arith.constant 1 : i32
        %dma_start3A_405 = arith.constant 128 : i32
        %dma_start3A_406 = tpu.memref_slice %arg10[%dma_start3A_404, %dma_start3A_405] : memref<8x512xf32, #tpu.memory_space<vmem>> -> memref<1x128xf32, #tpu.memory_space<vmem>>
        %dma_start3A_407 = tpu.memref_squeeze %dma_start3A_406 : memref<1x128xf32, #tpu.memory_space<vmem>> -> memref<128xf32, #tpu.memory_space<vmem>>
        %dma_start3A_408 = arith.constant 128 : i32
        %dma_start3A_409 = tpu.memref_slice %arg8[%dma_start3A_403, %dma_start3A_408] : memref<8x512xi32, #tpu.memory_space<vmem>> -> memref<1x128xi32, #tpu.memory_space<vmem>>
        %dma_start3A_410 = tpu.memref_squeeze %dma_start3A_409 : memref<1x128xi32, #tpu.memory_space<vmem>> -> memref<128xi32, #tpu.memory_space<vmem>>
        %dma_start3A_411 = arith.constant 0 : i32
        %dma_start3A_412 = tpu.memref_slice %arg5[%dma_start3A_411] : memref<1000000xf32, #tpu.memory_space<vmem_shared>> -> memref<1000000xf32, #tpu.memory_space<vmem_shared>>
        tpu.enqueue_indirect_dma source(%dma_start3A_412 : memref<1000000xf32, #tpu.memory_space<vmem_shared>>) target(%dma_start3A_407 : memref<128xf32, #tpu.memory_space<vmem>>) offsets(%dma_start3A_410 : memref<128xi32, #tpu.memory_space<vmem>>) semaphore(%arg12 : memref<!tpu.dma_semaphore, #tpu.memory_space<semaphore_mem>>)
        %dma_start3A_413 = arith.constant 1 : i32
        %dma_start3A_414 = arith.constant 1 : i32
        %dma_start3A_415 = arith.constant 256 : i32
        %dma_start3A_416 = tpu.memref_slice %arg10[%dma_start3A_414, %dma_start3A_415] : memref<8x512xf32, #tpu.memory_space<vmem>> -> memref<1x128xf32, #tpu.memory_space<vmem>>
        %dma_start3A_417 = tpu.memref_squeeze %dma_start3A_416 : memref<1x128xf32, #tpu.memory_space<vmem>> -> memref<128xf32, #tpu.memory_space<vmem>>
        %dma_start3A_418 = arith.constant 256 : i32
        %dma_start3A_419 = tpu.memref_slice %arg8[%dma_start3A_413, %dma_start3A_418] : memref<8x512xi32, #tpu.memory_space<vmem>> -> memref<1x128xi32, #tpu.memory_space<vmem>>
        %dma_start3A_420 = tpu.memref_squeeze %dma_start3A_419 : memref<1x128xi32, #tpu.memory_space<vmem>> -> memref<128xi32, #tpu.memory_space<vmem>>
        %dma_start3A_421 = arith.constant 0 : i32
        %dma_start3A_422 = tpu.memref_slice %arg5[%dma_start3A_421] : memref<1000000xf32, #tpu.memory_space<vmem_shared>> -> memref<1000000xf32, #tpu.memory_space<vmem_shared>>
        tpu.enqueue_indirect_dma source(%dma_start3A_422 : memref<1000000xf32, #tpu.memory_space<vmem_shared>>) target(%dma_start3A_417 : memref<128xf32, #tpu.memory_space<vmem>>) offsets(%dma_start3A_420 : memref<128xi32, #tpu.memory_space<vmem>>) semaphore(%arg12 : memref<!tpu.dma_semaphore, #tpu.memory_space<semaphore_mem>>)
        %dma_start3A_423 = arith.constant 1 : i32
        %dma_start3A_424 = arith.constant 1 : i32
        %dma_start3A_425 = arith.constant 384 : i32
        %dma_start3A_426 = tpu.memref_slice %arg10[%dma_start3A_424, %dma_start3A_425] : memref<8x512xf32, #tpu.memory_space<vmem>> -> memref<1x128xf32, #tpu.memory_space<vmem>>
        %dma_start3A_427 = tpu.memref_squeeze %dma_start3A_426 : memref<1x128xf32, #tpu.memory_space<vmem>> -> memref<128xf32, #tpu.memory_space<vmem>>
        %dma_start3A_428 = arith.constant 384 : i32
        %dma_start3A_429 = tpu.memref_slice %arg8[%dma_start3A_423, %dma_start3A_428] : memref<8x512xi32, #tpu.memory_space<vmem>> -> memref<1x128xi32, #tpu.memory_space<vmem>>
        %dma_start3A_430 = tpu.memref_squeeze %dma_start3A_429 : memref<1x128xi32, #tpu.memory_space<vmem>> -> memref<128xi32, #tpu.memory_space<vmem>>
        %dma_start3A_431 = arith.constant 0 : i32
        %dma_start3A_432 = tpu.memref_slice %arg5[%dma_start3A_431] : memref<1000000xf32, #tpu.memory_space<vmem_shared>> -> memref<1000000xf32, #tpu.memory_space<vmem_shared>>
        tpu.enqueue_indirect_dma source(%dma_start3A_432 : memref<1000000xf32, #tpu.memory_space<vmem_shared>>) target(%dma_start3A_427 : memref<128xf32, #tpu.memory_space<vmem>>) offsets(%dma_start3A_430 : memref<128xi32, #tpu.memory_space<vmem>>) semaphore(%arg12 : memref<!tpu.dma_semaphore, #tpu.memory_space<semaphore_mem>>)
        %dma_start3A_433 = arith.constant 2 : i32
        %dma_start3A_434 = arith.constant 2 : i32
        %dma_start3A_435 = arith.constant 0 : i32
        %dma_start3A_436 = tpu.memref_slice %arg10[%dma_start3A_434, %dma_start3A_435] : memref<8x512xf32, #tpu.memory_space<vmem>> -> memref<1x128xf32, #tpu.memory_space<vmem>>
        %dma_start3A_437 = tpu.memref_squeeze %dma_start3A_436 : memref<1x128xf32, #tpu.memory_space<vmem>> -> memref<128xf32, #tpu.memory_space<vmem>>
        %dma_start3A_438 = arith.constant 0 : i32
        %dma_start3A_439 = tpu.memref_slice %arg8[%dma_start3A_433, %dma_start3A_438] : memref<8x512xi32, #tpu.memory_space<vmem>> -> memref<1x128xi32, #tpu.memory_space<vmem>>
        %dma_start3A_440 = tpu.memref_squeeze %dma_start3A_439 : memref<1x128xi32, #tpu.memory_space<vmem>> -> memref<128xi32, #tpu.memory_space<vmem>>
        %dma_start3A_441 = arith.constant 0 : i32
        %dma_start3A_442 = tpu.memref_slice %arg5[%dma_start3A_441] : memref<1000000xf32, #tpu.memory_space<vmem_shared>> -> memref<1000000xf32, #tpu.memory_space<vmem_shared>>
        tpu.enqueue_indirect_dma source(%dma_start3A_442 : memref<1000000xf32, #tpu.memory_space<vmem_shared>>) target(%dma_start3A_437 : memref<128xf32, #tpu.memory_space<vmem>>) offsets(%dma_start3A_440 : memref<128xi32, #tpu.memory_space<vmem>>) semaphore(%arg12 : memref<!tpu.dma_semaphore, #tpu.memory_space<semaphore_mem>>)
        %dma_start3A_443 = arith.constant 2 : i32
        %dma_start3A_444 = arith.constant 2 : i32
        %dma_start3A_445 = arith.constant 128 : i32
        %dma_start3A_446 = tpu.memref_slice %arg10[%dma_start3A_444, %dma_start3A_445] : memref<8x512xf32, #tpu.memory_space<vmem>> -> memref<1x128xf32, #tpu.memory_space<vmem>>
        %dma_start3A_447 = tpu.memref_squeeze %dma_start3A_446 : memref<1x128xf32, #tpu.memory_space<vmem>> -> memref<128xf32, #tpu.memory_space<vmem>>
        %dma_start3A_448 = arith.constant 128 : i32
        %dma_start3A_449 = tpu.memref_slice %arg8[%dma_start3A_443, %dma_start3A_448] : memref<8x512xi32, #tpu.memory_space<vmem>> -> memref<1x128xi32, #tpu.memory_space<vmem>>
        %dma_start3A_450 = tpu.memref_squeeze %dma_start3A_449 : memref<1x128xi32, #tpu.memory_space<vmem>> -> memref<128xi32, #tpu.memory_space<vmem>>
        %dma_start3A_451 = arith.constant 0 : i32
        %dma_start3A_452 = tpu.memref_slice %arg5[%dma_start3A_451] : memref<1000000xf32, #tpu.memory_space<vmem_shared>> -> memref<1000000xf32, #tpu.memory_space<vmem_shared>>
        tpu.enqueue_indirect_dma source(%dma_start3A_452 : memref<1000000xf32, #tpu.memory_space<vmem_shared>>) target(%dma_start3A_447 : memref<128xf32, #tpu.memory_space<vmem>>) offsets(%dma_start3A_450 : memref<128xi32, #tpu.memory_space<vmem>>) semaphore(%arg12 : memref<!tpu.dma_semaphore, #tpu.memory_space<semaphore_mem>>)
        %dma_start3A_453 = arith.constant 2 : i32
        %dma_start3A_454 = arith.constant 2 : i32
        %dma_start3A_455 = arith.constant 256 : i32
        %dma_start3A_456 = tpu.memref_slice %arg10[%dma_start3A_454, %dma_start3A_455] : memref<8x512xf32, #tpu.memory_space<vmem>> -> memref<1x128xf32, #tpu.memory_space<vmem>>
        %dma_start3A_457 = tpu.memref_squeeze %dma_start3A_456 : memref<1x128xf32, #tpu.memory_space<vmem>> -> memref<128xf32, #tpu.memory_space<vmem>>
        %dma_start3A_458 = arith.constant 256 : i32
        %dma_start3A_459 = tpu.memref_slice %arg8[%dma_start3A_453, %dma_start3A_458] : memref<8x512xi32, #tpu.memory_space<vmem>> -> memref<1x128xi32, #tpu.memory_space<vmem>>
        %dma_start3A_460 = tpu.memref_squeeze %dma_start3A_459 : memref<1x128xi32, #tpu.memory_space<vmem>> -> memref<128xi32, #tpu.memory_space<vmem>>
        %dma_start3A_461 = arith.constant 0 : i32
        %dma_start3A_462 = tpu.memref_slice %arg5[%dma_start3A_461] : memref<1000000xf32, #tpu.memory_space<vmem_shared>> -> memref<1000000xf32, #tpu.memory_space<vmem_shared>>
        tpu.enqueue_indirect_dma source(%dma_start3A_462 : memref<1000000xf32, #tpu.memory_space<vmem_shared>>) target(%dma_start3A_457 : memref<128xf32, #tpu.memory_space<vmem>>) offsets(%dma_start3A_460 : memref<128xi32, #tpu.memory_space<vmem>>) semaphore(%arg12 : memref<!tpu.dma_semaphore, #tpu.memory_space<semaphore_mem>>)
        %dma_start3A_463 = arith.constant 2 : i32
        %dma_start3A_464 = arith.constant 2 : i32
        %dma_start3A_465 = arith.constant 384 : i32
        %dma_start3A_466 = tpu.memref_slice %arg10[%dma_start3A_464, %dma_start3A_465] : memref<8x512xf32, #tpu.memory_space<vmem>> -> memref<1x128xf32, #tpu.memory_space<vmem>>
        %dma_start3A_467 = tpu.memref_squeeze %dma_start3A_466 : memref<1x128xf32, #tpu.memory_space<vmem>> -> memref<128xf32, #tpu.memory_space<vmem>>
        %dma_start3A_468 = arith.constant 384 : i32
        %dma_start3A_469 = tpu.memref_slice %arg8[%dma_start3A_463, %dma_start3A_468] : memref<8x512xi32, #tpu.memory_space<vmem>> -> memref<1x128xi32, #tpu.memory_space<vmem>>
        %dma_start3A_470 = tpu.memref_squeeze %dma_start3A_469 : memref<1x128xi32, #tpu.memory_space<vmem>> -> memref<128xi32, #tpu.memory_space<vmem>>
        %dma_start3A_471 = arith.constant 0 : i32
        %dma_start3A_472 = tpu.memref_slice %arg5[%dma_start3A_471] : memref<1000000xf32, #tpu.memory_space<vmem_shared>> -> memref<1000000xf32, #tpu.memory_space<vmem_shared>>
        tpu.enqueue_indirect_dma source(%dma_start3A_472 : memref<1000000xf32, #tpu.memory_space<vmem_shared>>) target(%dma_start3A_467 : memref<128xf32, #tpu.memory_space<vmem>>) offsets(%dma_start3A_470 : memref<128xi32, #tpu.memory_space<vmem>>) semaphore(%arg12 : memref<!tpu.dma_semaphore, #tpu.memory_space<semaphore_mem>>)
        %dma_start3A_473 = arith.constant 3 : i32
        %dma_start3A_474 = arith.constant 3 : i32
        %dma_start3A_475 = arith.constant 0 : i32
        %dma_start3A_476 = tpu.memref_slice %arg10[%dma_start3A_474, %dma_start3A_475] : memref<8x512xf32, #tpu.memory_space<vmem>> -> memref<1x128xf32, #tpu.memory_space<vmem>>
        %dma_start3A_477 = tpu.memref_squeeze %dma_start3A_476 : memref<1x128xf32, #tpu.memory_space<vmem>> -> memref<128xf32, #tpu.memory_space<vmem>>
        %dma_start3A_478 = arith.constant 0 : i32
        %dma_start3A_479 = tpu.memref_slice %arg8[%dma_start3A_473, %dma_start3A_478] : memref<8x512xi32, #tpu.memory_space<vmem>> -> memref<1x128xi32, #tpu.memory_space<vmem>>
        %dma_start3A_480 = tpu.memref_squeeze %dma_start3A_479 : memref<1x128xi32, #tpu.memory_space<vmem>> -> memref<128xi32, #tpu.memory_space<vmem>>
        %dma_start3A_481 = arith.constant 0 : i32
        %dma_start3A_482 = tpu.memref_slice %arg5[%dma_start3A_481] : memref<1000000xf32, #tpu.memory_space<vmem_shared>> -> memref<1000000xf32, #tpu.memory_space<vmem_shared>>
        tpu.enqueue_indirect_dma source(%dma_start3A_482 : memref<1000000xf32, #tpu.memory_space<vmem_shared>>) target(%dma_start3A_477 : memref<128xf32, #tpu.memory_space<vmem>>) offsets(%dma_start3A_480 : memref<128xi32, #tpu.memory_space<vmem>>) semaphore(%arg12 : memref<!tpu.dma_semaphore, #tpu.memory_space<semaphore_mem>>)
        %dma_start3A_483 = arith.constant 3 : i32
        %dma_start3A_484 = arith.constant 3 : i32
        %dma_start3A_485 = arith.constant 128 : i32
        %dma_start3A_486 = tpu.memref_slice %arg10[%dma_start3A_484, %dma_start3A_485] : memref<8x512xf32, #tpu.memory_space<vmem>> -> memref<1x128xf32, #tpu.memory_space<vmem>>
        %dma_start3A_487 = tpu.memref_squeeze %dma_start3A_486 : memref<1x128xf32, #tpu.memory_space<vmem>> -> memref<128xf32, #tpu.memory_space<vmem>>
        %dma_start3A_488 = arith.constant 128 : i32
        %dma_start3A_489 = tpu.memref_slice %arg8[%dma_start3A_483, %dma_start3A_488] : memref<8x512xi32, #tpu.memory_space<vmem>> -> memref<1x128xi32, #tpu.memory_space<vmem>>
        %dma_start3A_490 = tpu.memref_squeeze %dma_start3A_489 : memref<1x128xi32, #tpu.memory_space<vmem>> -> memref<128xi32, #tpu.memory_space<vmem>>
        %dma_start3A_491 = arith.constant 0 : i32
        %dma_start3A_492 = tpu.memref_slice %arg5[%dma_start3A_491] : memref<1000000xf32, #tpu.memory_space<vmem_shared>> -> memref<1000000xf32, #tpu.memory_space<vmem_shared>>
        tpu.enqueue_indirect_dma source(%dma_start3A_492 : memref<1000000xf32, #tpu.memory_space<vmem_shared>>) target(%dma_start3A_487 : memref<128xf32, #tpu.memory_space<vmem>>) offsets(%dma_start3A_490 : memref<128xi32, #tpu.memory_space<vmem>>) semaphore(%arg12 : memref<!tpu.dma_semaphore, #tpu.memory_space<semaphore_mem>>)
        %dma_start3A_493 = arith.constant 3 : i32
        %dma_start3A_494 = arith.constant 3 : i32
        %dma_start3A_495 = arith.constant 256 : i32
        %dma_start3A_496 = tpu.memref_slice %arg10[%dma_start3A_494, %dma_start3A_495] : memref<8x512xf32, #tpu.memory_space<vmem>> -> memref<1x128xf32, #tpu.memory_space<vmem>>
        %dma_start3A_497 = tpu.memref_squeeze %dma_start3A_496 : memref<1x128xf32, #tpu.memory_space<vmem>> -> memref<128xf32, #tpu.memory_space<vmem>>
        %dma_start3A_498 = arith.constant 256 : i32
        %dma_start3A_499 = tpu.memref_slice %arg8[%dma_start3A_493, %dma_start3A_498] : memref<8x512xi32, #tpu.memory_space<vmem>> -> memref<1x128xi32, #tpu.memory_space<vmem>>
        %dma_start3A_500 = tpu.memref_squeeze %dma_start3A_499 : memref<1x128xi32, #tpu.memory_space<vmem>> -> memref<128xi32, #tpu.memory_space<vmem>>
        %dma_start3A_501 = arith.constant 0 : i32
        %dma_start3A_502 = tpu.memref_slice %arg5[%dma_start3A_501] : memref<1000000xf32, #tpu.memory_space<vmem_shared>> -> memref<1000000xf32, #tpu.memory_space<vmem_shared>>
        tpu.enqueue_indirect_dma source(%dma_start3A_502 : memref<1000000xf32, #tpu.memory_space<vmem_shared>>) target(%dma_start3A_497 : memref<128xf32, #tpu.memory_space<vmem>>) offsets(%dma_start3A_500 : memref<128xi32, #tpu.memory_space<vmem>>) semaphore(%arg12 : memref<!tpu.dma_semaphore, #tpu.memory_space<semaphore_mem>>)
        %dma_start3A_503 = arith.constant 3 : i32
        %dma_start3A_504 = arith.constant 3 : i32
        %dma_start3A_505 = arith.constant 384 : i32
        %dma_start3A_506 = tpu.memref_slice %arg10[%dma_start3A_504, %dma_start3A_505] : memref<8x512xf32, #tpu.memory_space<vmem>> -> memref<1x128xf32, #tpu.memory_space<vmem>>
        %dma_start3A_507 = tpu.memref_squeeze %dma_start3A_506 : memref<1x128xf32, #tpu.memory_space<vmem>> -> memref<128xf32, #tpu.memory_space<vmem>>
        %dma_start3A_508 = arith.constant 384 : i32
        %dma_start3A_509 = tpu.memref_slice %arg8[%dma_start3A_503, %dma_start3A_508] : memref<8x512xi32, #tpu.memory_space<vmem>> -> memref<1x128xi32, #tpu.memory_space<vmem>>
        %dma_start3A_510 = tpu.memref_squeeze %dma_start3A_509 : memref<1x128xi32, #tpu.memory_space<vmem>> -> memref<128xi32, #tpu.memory_space<vmem>>
        %dma_start3A_511 = arith.constant 0 : i32
        %dma_start3A_512 = tpu.memref_slice %arg5[%dma_start3A_511] : memref<1000000xf32, #tpu.memory_space<vmem_shared>> -> memref<1000000xf32, #tpu.memory_space<vmem_shared>>
        tpu.enqueue_indirect_dma source(%dma_start3A_512 : memref<1000000xf32, #tpu.memory_space<vmem_shared>>) target(%dma_start3A_507 : memref<128xf32, #tpu.memory_space<vmem>>) offsets(%dma_start3A_510 : memref<128xi32, #tpu.memory_space<vmem>>) semaphore(%arg12 : memref<!tpu.dma_semaphore, #tpu.memory_space<semaphore_mem>>)
        %dma_start3A_513 = arith.constant 4 : i32
        %dma_start3A_514 = arith.constant 4 : i32
        %dma_start3A_515 = arith.constant 0 : i32
        %dma_start3A_516 = tpu.memref_slice %arg10[%dma_start3A_514, %dma_start3A_515] : memref<8x512xf32, #tpu.memory_space<vmem>> -> memref<1x128xf32, #tpu.memory_space<vmem>>
        %dma_start3A_517 = tpu.memref_squeeze %dma_start3A_516 : memref<1x128xf32, #tpu.memory_space<vmem>> -> memref<128xf32, #tpu.memory_space<vmem>>
        %dma_start3A_518 = arith.constant 0 : i32
        %dma_start3A_519 = tpu.memref_slice %arg8[%dma_start3A_513, %dma_start3A_518] : memref<8x512xi32, #tpu.memory_space<vmem>> -> memref<1x128xi32, #tpu.memory_space<vmem>>
        %dma_start3A_520 = tpu.memref_squeeze %dma_start3A_519 : memref<1x128xi32, #tpu.memory_space<vmem>> -> memref<128xi32, #tpu.memory_space<vmem>>
        %dma_start3A_521 = arith.constant 0 : i32
        %dma_start3A_522 = tpu.memref_slice %arg5[%dma_start3A_521] : memref<1000000xf32, #tpu.memory_space<vmem_shared>> -> memref<1000000xf32, #tpu.memory_space<vmem_shared>>
        tpu.enqueue_indirect_dma source(%dma_start3A_522 : memref<1000000xf32, #tpu.memory_space<vmem_shared>>) target(%dma_start3A_517 : memref<128xf32, #tpu.memory_space<vmem>>) offsets(%dma_start3A_520 : memref<128xi32, #tpu.memory_space<vmem>>) semaphore(%arg12 : memref<!tpu.dma_semaphore, #tpu.memory_space<semaphore_mem>>)
        %dma_start3A_523 = arith.constant 4 : i32
        %dma_start3A_524 = arith.constant 4 : i32
        %dma_start3A_525 = arith.constant 128 : i32
        %dma_start3A_526 = tpu.memref_slice %arg10[%dma_start3A_524, %dma_start3A_525] : memref<8x512xf32, #tpu.memory_space<vmem>> -> memref<1x128xf32, #tpu.memory_space<vmem>>
        %dma_start3A_527 = tpu.memref_squeeze %dma_start3A_526 : memref<1x128xf32, #tpu.memory_space<vmem>> -> memref<128xf32, #tpu.memory_space<vmem>>
        %dma_start3A_528 = arith.constant 128 : i32
        %dma_start3A_529 = tpu.memref_slice %arg8[%dma_start3A_523, %dma_start3A_528] : memref<8x512xi32, #tpu.memory_space<vmem>> -> memref<1x128xi32, #tpu.memory_space<vmem>>
        %dma_start3A_530 = tpu.memref_squeeze %dma_start3A_529 : memref<1x128xi32, #tpu.memory_space<vmem>> -> memref<128xi32, #tpu.memory_space<vmem>>
        %dma_start3A_531 = arith.constant 0 : i32
        %dma_start3A_532 = tpu.memref_slice %arg5[%dma_start3A_531] : memref<1000000xf32, #tpu.memory_space<vmem_shared>> -> memref<1000000xf32, #tpu.memory_space<vmem_shared>>
        tpu.enqueue_indirect_dma source(%dma_start3A_532 : memref<1000000xf32, #tpu.memory_space<vmem_shared>>) target(%dma_start3A_527 : memref<128xf32, #tpu.memory_space<vmem>>) offsets(%dma_start3A_530 : memref<128xi32, #tpu.memory_space<vmem>>) semaphore(%arg12 : memref<!tpu.dma_semaphore, #tpu.memory_space<semaphore_mem>>)
        %dma_start3A_533 = arith.constant 4 : i32
        %dma_start3A_534 = arith.constant 4 : i32
        %dma_start3A_535 = arith.constant 256 : i32
        %dma_start3A_536 = tpu.memref_slice %arg10[%dma_start3A_534, %dma_start3A_535] : memref<8x512xf32, #tpu.memory_space<vmem>> -> memref<1x128xf32, #tpu.memory_space<vmem>>
        %dma_start3A_537 = tpu.memref_squeeze %dma_start3A_536 : memref<1x128xf32, #tpu.memory_space<vmem>> -> memref<128xf32, #tpu.memory_space<vmem>>
        %dma_start3A_538 = arith.constant 256 : i32
        %dma_start3A_539 = tpu.memref_slice %arg8[%dma_start3A_533, %dma_start3A_538] : memref<8x512xi32, #tpu.memory_space<vmem>> -> memref<1x128xi32, #tpu.memory_space<vmem>>
        %dma_start3A_540 = tpu.memref_squeeze %dma_start3A_539 : memref<1x128xi32, #tpu.memory_space<vmem>> -> memref<128xi32, #tpu.memory_space<vmem>>
        %dma_start3A_541 = arith.constant 0 : i32
        %dma_start3A_542 = tpu.memref_slice %arg5[%dma_start3A_541] : memref<1000000xf32, #tpu.memory_space<vmem_shared>> -> memref<1000000xf32, #tpu.memory_space<vmem_shared>>
        tpu.enqueue_indirect_dma source(%dma_start3A_542 : memref<1000000xf32, #tpu.memory_space<vmem_shared>>) target(%dma_start3A_537 : memref<128xf32, #tpu.memory_space<vmem>>) offsets(%dma_start3A_540 : memref<128xi32, #tpu.memory_space<vmem>>) semaphore(%arg12 : memref<!tpu.dma_semaphore, #tpu.memory_space<semaphore_mem>>)
        %dma_start3A_543 = arith.constant 4 : i32
        %dma_start3A_544 = arith.constant 4 : i32
        %dma_start3A_545 = arith.constant 384 : i32
        %dma_start3A_546 = tpu.memref_slice %arg10[%dma_start3A_544, %dma_start3A_545] : memref<8x512xf32, #tpu.memory_space<vmem>> -> memref<1x128xf32, #tpu.memory_space<vmem>>
        %dma_start3A_547 = tpu.memref_squeeze %dma_start3A_546 : memref<1x128xf32, #tpu.memory_space<vmem>> -> memref<128xf32, #tpu.memory_space<vmem>>
        %dma_start3A_548 = arith.constant 384 : i32
        %dma_start3A_549 = tpu.memref_slice %arg8[%dma_start3A_543, %dma_start3A_548] : memref<8x512xi32, #tpu.memory_space<vmem>> -> memref<1x128xi32, #tpu.memory_space<vmem>>
        %dma_start3A_550 = tpu.memref_squeeze %dma_start3A_549 : memref<1x128xi32, #tpu.memory_space<vmem>> -> memref<128xi32, #tpu.memory_space<vmem>>
        %dma_start3A_551 = arith.constant 0 : i32
        %dma_start3A_552 = tpu.memref_slice %arg5[%dma_start3A_551] : memref<1000000xf32, #tpu.memory_space<vmem_shared>> -> memref<1000000xf32, #tpu.memory_space<vmem_shared>>
        tpu.enqueue_indirect_dma source(%dma_start3A_552 : memref<1000000xf32, #tpu.memory_space<vmem_shared>>) target(%dma_start3A_547 : memref<128xf32, #tpu.memory_space<vmem>>) offsets(%dma_start3A_550 : memref<128xi32, #tpu.memory_space<vmem>>) semaphore(%arg12 : memref<!tpu.dma_semaphore, #tpu.memory_space<semaphore_mem>>)
        %dma_start3A_553 = arith.constant 5 : i32
        %dma_start3A_554 = arith.constant 5 : i32
        %dma_start3A_555 = arith.constant 0 : i32
        %dma_start3A_556 = tpu.memref_slice %arg10[%dma_start3A_554, %dma_start3A_555] : memref<8x512xf32, #tpu.memory_space<vmem>> -> memref<1x128xf32, #tpu.memory_space<vmem>>
        %dma_start3A_557 = tpu.memref_squeeze %dma_start3A_556 : memref<1x128xf32, #tpu.memory_space<vmem>> -> memref<128xf32, #tpu.memory_space<vmem>>
        %dma_start3A_558 = arith.constant 0 : i32
        %dma_start3A_559 = tpu.memref_slice %arg8[%dma_start3A_553, %dma_start3A_558] : memref<8x512xi32, #tpu.memory_space<vmem>> -> memref<1x128xi32, #tpu.memory_space<vmem>>
        %dma_start3A_560 = tpu.memref_squeeze %dma_start3A_559 : memref<1x128xi32, #tpu.memory_space<vmem>> -> memref<128xi32, #tpu.memory_space<vmem>>
        %dma_start3A_561 = arith.constant 0 : i32
        %dma_start3A_562 = tpu.memref_slice %arg5[%dma_start3A_561] : memref<1000000xf32, #tpu.memory_space<vmem_shared>> -> memref<1000000xf32, #tpu.memory_space<vmem_shared>>
        tpu.enqueue_indirect_dma source(%dma_start3A_562 : memref<1000000xf32, #tpu.memory_space<vmem_shared>>) target(%dma_start3A_557 : memref<128xf32, #tpu.memory_space<vmem>>) offsets(%dma_start3A_560 : memref<128xi32, #tpu.memory_space<vmem>>) semaphore(%arg12 : memref<!tpu.dma_semaphore, #tpu.memory_space<semaphore_mem>>)
        %dma_start3A_563 = arith.constant 5 : i32
        %dma_start3A_564 = arith.constant 5 : i32
        %dma_start3A_565 = arith.constant 128 : i32
        %dma_start3A_566 = tpu.memref_slice %arg10[%dma_start3A_564, %dma_start3A_565] : memref<8x512xf32, #tpu.memory_space<vmem>> -> memref<1x128xf32, #tpu.memory_space<vmem>>
        %dma_start3A_567 = tpu.memref_squeeze %dma_start3A_566 : memref<1x128xf32, #tpu.memory_space<vmem>> -> memref<128xf32, #tpu.memory_space<vmem>>
        %dma_start3A_568 = arith.constant 128 : i32
        %dma_start3A_569 = tpu.memref_slice %arg8[%dma_start3A_563, %dma_start3A_568] : memref<8x512xi32, #tpu.memory_space<vmem>> -> memref<1x128xi32, #tpu.memory_space<vmem>>
        %dma_start3A_570 = tpu.memref_squeeze %dma_start3A_569 : memref<1x128xi32, #tpu.memory_space<vmem>> -> memref<128xi32, #tpu.memory_space<vmem>>
        %dma_start3A_571 = arith.constant 0 : i32
        %dma_start3A_572 = tpu.memref_slice %arg5[%dma_start3A_571] : memref<1000000xf32, #tpu.memory_space<vmem_shared>> -> memref<1000000xf32, #tpu.memory_space<vmem_shared>>
        tpu.enqueue_indirect_dma source(%dma_start3A_572 : memref<1000000xf32, #tpu.memory_space<vmem_shared>>) target(%dma_start3A_567 : memref<128xf32, #tpu.memory_space<vmem>>) offsets(%dma_start3A_570 : memref<128xi32, #tpu.memory_space<vmem>>) semaphore(%arg12 : memref<!tpu.dma_semaphore, #tpu.memory_space<semaphore_mem>>)
        %dma_start3A_573 = arith.constant 5 : i32
        %dma_start3A_574 = arith.constant 5 : i32
        %dma_start3A_575 = arith.constant 256 : i32
        %dma_start3A_576 = tpu.memref_slice %arg10[%dma_start3A_574, %dma_start3A_575] : memref<8x512xf32, #tpu.memory_space<vmem>> -> memref<1x128xf32, #tpu.memory_space<vmem>>
        %dma_start3A_577 = tpu.memref_squeeze %dma_start3A_576 : memref<1x128xf32, #tpu.memory_space<vmem>> -> memref<128xf32, #tpu.memory_space<vmem>>
        %dma_start3A_578 = arith.constant 256 : i32
        %dma_start3A_579 = tpu.memref_slice %arg8[%dma_start3A_573, %dma_start3A_578] : memref<8x512xi32, #tpu.memory_space<vmem>> -> memref<1x128xi32, #tpu.memory_space<vmem>>
        %dma_start3A_580 = tpu.memref_squeeze %dma_start3A_579 : memref<1x128xi32, #tpu.memory_space<vmem>> -> memref<128xi32, #tpu.memory_space<vmem>>
        %dma_start3A_581 = arith.constant 0 : i32
        %dma_start3A_582 = tpu.memref_slice %arg5[%dma_start3A_581] : memref<1000000xf32, #tpu.memory_space<vmem_shared>> -> memref<1000000xf32, #tpu.memory_space<vmem_shared>>
        tpu.enqueue_indirect_dma source(%dma_start3A_582 : memref<1000000xf32, #tpu.memory_space<vmem_shared>>) target(%dma_start3A_577 : memref<128xf32, #tpu.memory_space<vmem>>) offsets(%dma_start3A_580 : memref<128xi32, #tpu.memory_space<vmem>>) semaphore(%arg12 : memref<!tpu.dma_semaphore, #tpu.memory_space<semaphore_mem>>)
        %dma_start3A_583 = arith.constant 5 : i32
        %dma_start3A_584 = arith.constant 5 : i32
        %dma_start3A_585 = arith.constant 384 : i32
        %dma_start3A_586 = tpu.memref_slice %arg10[%dma_start3A_584, %dma_start3A_585] : memref<8x512xf32, #tpu.memory_space<vmem>> -> memref<1x128xf32, #tpu.memory_space<vmem>>
        %dma_start3A_587 = tpu.memref_squeeze %dma_start3A_586 : memref<1x128xf32, #tpu.memory_space<vmem>> -> memref<128xf32, #tpu.memory_space<vmem>>
        %dma_start3A_588 = arith.constant 384 : i32
        %dma_start3A_589 = tpu.memref_slice %arg8[%dma_start3A_583, %dma_start3A_588] : memref<8x512xi32, #tpu.memory_space<vmem>> -> memref<1x128xi32, #tpu.memory_space<vmem>>
        %dma_start3A_590 = tpu.memref_squeeze %dma_start3A_589 : memref<1x128xi32, #tpu.memory_space<vmem>> -> memref<128xi32, #tpu.memory_space<vmem>>
        %dma_start3A_591 = arith.constant 0 : i32
        %dma_start3A_592 = tpu.memref_slice %arg5[%dma_start3A_591] : memref<1000000xf32, #tpu.memory_space<vmem_shared>> -> memref<1000000xf32, #tpu.memory_space<vmem_shared>>
        tpu.enqueue_indirect_dma source(%dma_start3A_592 : memref<1000000xf32, #tpu.memory_space<vmem_shared>>) target(%dma_start3A_587 : memref<128xf32, #tpu.memory_space<vmem>>) offsets(%dma_start3A_590 : memref<128xi32, #tpu.memory_space<vmem>>) semaphore(%arg12 : memref<!tpu.dma_semaphore, #tpu.memory_space<semaphore_mem>>)
        %dma_start3A_593 = arith.constant 6 : i32
        %dma_start3A_594 = arith.constant 6 : i32
        %dma_start3A_595 = arith.constant 0 : i32
        %dma_start3A_596 = tpu.memref_slice %arg10[%dma_start3A_594, %dma_start3A_595] : memref<8x512xf32, #tpu.memory_space<vmem>> -> memref<1x128xf32, #tpu.memory_space<vmem>>
        %dma_start3A_597 = tpu.memref_squeeze %dma_start3A_596 : memref<1x128xf32, #tpu.memory_space<vmem>> -> memref<128xf32, #tpu.memory_space<vmem>>
        %dma_start3A_598 = arith.constant 0 : i32
        %dma_start3A_599 = tpu.memref_slice %arg8[%dma_start3A_593, %dma_start3A_598] : memref<8x512xi32, #tpu.memory_space<vmem>> -> memref<1x128xi32, #tpu.memory_space<vmem>>
        %dma_start3A_600 = tpu.memref_squeeze %dma_start3A_599 : memref<1x128xi32, #tpu.memory_space<vmem>> -> memref<128xi32, #tpu.memory_space<vmem>>
        %dma_start3A_601 = arith.constant 0 : i32
        %dma_start3A_602 = tpu.memref_slice %arg5[%dma_start3A_601] : memref<1000000xf32, #tpu.memory_space<vmem_shared>> -> memref<1000000xf32, #tpu.memory_space<vmem_shared>>
        tpu.enqueue_indirect_dma source(%dma_start3A_602 : memref<1000000xf32, #tpu.memory_space<vmem_shared>>) target(%dma_start3A_597 : memref<128xf32, #tpu.memory_space<vmem>>) offsets(%dma_start3A_600 : memref<128xi32, #tpu.memory_space<vmem>>) semaphore(%arg12 : memref<!tpu.dma_semaphore, #tpu.memory_space<semaphore_mem>>)
        %dma_start3A_603 = arith.constant 6 : i32
        %dma_start3A_604 = arith.constant 6 : i32
        %dma_start3A_605 = arith.constant 128 : i32
        %dma_start3A_606 = tpu.memref_slice %arg10[%dma_start3A_604, %dma_start3A_605] : memref<8x512xf32, #tpu.memory_space<vmem>> -> memref<1x128xf32, #tpu.memory_space<vmem>>
        %dma_start3A_607 = tpu.memref_squeeze %dma_start3A_606 : memref<1x128xf32, #tpu.memory_space<vmem>> -> memref<128xf32, #tpu.memory_space<vmem>>
        %dma_start3A_608 = arith.constant 128 : i32
        %dma_start3A_609 = tpu.memref_slice %arg8[%dma_start3A_603, %dma_start3A_608] : memref<8x512xi32, #tpu.memory_space<vmem>> -> memref<1x128xi32, #tpu.memory_space<vmem>>
        %dma_start3A_610 = tpu.memref_squeeze %dma_start3A_609 : memref<1x128xi32, #tpu.memory_space<vmem>> -> memref<128xi32, #tpu.memory_space<vmem>>
        %dma_start3A_611 = arith.constant 0 : i32
        %dma_start3A_612 = tpu.memref_slice %arg5[%dma_start3A_611] : memref<1000000xf32, #tpu.memory_space<vmem_shared>> -> memref<1000000xf32, #tpu.memory_space<vmem_shared>>
        tpu.enqueue_indirect_dma source(%dma_start3A_612 : memref<1000000xf32, #tpu.memory_space<vmem_shared>>) target(%dma_start3A_607 : memref<128xf32, #tpu.memory_space<vmem>>) offsets(%dma_start3A_610 : memref<128xi32, #tpu.memory_space<vmem>>) semaphore(%arg12 : memref<!tpu.dma_semaphore, #tpu.memory_space<semaphore_mem>>)
        %dma_start3A_613 = arith.constant 6 : i32
        %dma_start3A_614 = arith.constant 6 : i32
        %dma_start3A_615 = arith.constant 256 : i32
        %dma_start3A_616 = tpu.memref_slice %arg10[%dma_start3A_614, %dma_start3A_615] : memref<8x512xf32, #tpu.memory_space<vmem>> -> memref<1x128xf32, #tpu.memory_space<vmem>>
        %dma_start3A_617 = tpu.memref_squeeze %dma_start3A_616 : memref<1x128xf32, #tpu.memory_space<vmem>> -> memref<128xf32, #tpu.memory_space<vmem>>
        %dma_start3A_618 = arith.constant 256 : i32
        %dma_start3A_619 = tpu.memref_slice %arg8[%dma_start3A_613, %dma_start3A_618] : memref<8x512xi32, #tpu.memory_space<vmem>> -> memref<1x128xi32, #tpu.memory_space<vmem>>
        %dma_start3A_620 = tpu.memref_squeeze %dma_start3A_619 : memref<1x128xi32, #tpu.memory_space<vmem>> -> memref<128xi32, #tpu.memory_space<vmem>>
        %dma_start3A_621 = arith.constant 0 : i32
        %dma_start3A_622 = tpu.memref_slice %arg5[%dma_start3A_621] : memref<1000000xf32, #tpu.memory_space<vmem_shared>> -> memref<1000000xf32, #tpu.memory_space<vmem_shared>>
        tpu.enqueue_indirect_dma source(%dma_start3A_622 : memref<1000000xf32, #tpu.memory_space<vmem_shared>>) target(%dma_start3A_617 : memref<128xf32, #tpu.memory_space<vmem>>) offsets(%dma_start3A_620 : memref<128xi32, #tpu.memory_space<vmem>>) semaphore(%arg12 : memref<!tpu.dma_semaphore, #tpu.memory_space<semaphore_mem>>)
        %dma_start3A_623 = arith.constant 6 : i32
        %dma_start3A_624 = arith.constant 6 : i32
        %dma_start3A_625 = arith.constant 384 : i32
        %dma_start3A_626 = tpu.memref_slice %arg10[%dma_start3A_624, %dma_start3A_625] : memref<8x512xf32, #tpu.memory_space<vmem>> -> memref<1x128xf32, #tpu.memory_space<vmem>>
        %dma_start3A_627 = tpu.memref_squeeze %dma_start3A_626 : memref<1x128xf32, #tpu.memory_space<vmem>> -> memref<128xf32, #tpu.memory_space<vmem>>
        %dma_start3A_628 = arith.constant 384 : i32
        %dma_start3A_629 = tpu.memref_slice %arg8[%dma_start3A_623, %dma_start3A_628] : memref<8x512xi32, #tpu.memory_space<vmem>> -> memref<1x128xi32, #tpu.memory_space<vmem>>
        %dma_start3A_630 = tpu.memref_squeeze %dma_start3A_629 : memref<1x128xi32, #tpu.memory_space<vmem>> -> memref<128xi32, #tpu.memory_space<vmem>>
        %dma_start3A_631 = arith.constant 0 : i32
        %dma_start3A_632 = tpu.memref_slice %arg5[%dma_start3A_631] : memref<1000000xf32, #tpu.memory_space<vmem_shared>> -> memref<1000000xf32, #tpu.memory_space<vmem_shared>>
        tpu.enqueue_indirect_dma source(%dma_start3A_632 : memref<1000000xf32, #tpu.memory_space<vmem_shared>>) target(%dma_start3A_627 : memref<128xf32, #tpu.memory_space<vmem>>) offsets(%dma_start3A_630 : memref<128xi32, #tpu.memory_space<vmem>>) semaphore(%arg12 : memref<!tpu.dma_semaphore, #tpu.memory_space<semaphore_mem>>)
        %dma_start3A_633 = arith.constant 7 : i32
        %dma_start3A_634 = arith.constant 7 : i32
        %dma_start3A_635 = arith.constant 0 : i32
        %dma_start3A_636 = tpu.memref_slice %arg10[%dma_start3A_634, %dma_start3A_635] : memref<8x512xf32, #tpu.memory_space<vmem>> -> memref<1x128xf32, #tpu.memory_space<vmem>>
        %dma_start3A_637 = tpu.memref_squeeze %dma_start3A_636 : memref<1x128xf32, #tpu.memory_space<vmem>> -> memref<128xf32, #tpu.memory_space<vmem>>
        %dma_start3A_638 = arith.constant 0 : i32
        %dma_start3A_639 = tpu.memref_slice %arg8[%dma_start3A_633, %dma_start3A_638] : memref<8x512xi32, #tpu.memory_space<vmem>> -> memref<1x128xi32, #tpu.memory_space<vmem>>
        %dma_start3A_640 = tpu.memref_squeeze %dma_start3A_639 : memref<1x128xi32, #tpu.memory_space<vmem>> -> memref<128xi32, #tpu.memory_space<vmem>>
        %dma_start3A_641 = arith.constant 0 : i32
        %dma_start3A_642 = tpu.memref_slice %arg5[%dma_start3A_641] : memref<1000000xf32, #tpu.memory_space<vmem_shared>> -> memref<1000000xf32, #tpu.memory_space<vmem_shared>>
        tpu.enqueue_indirect_dma source(%dma_start3A_642 : memref<1000000xf32, #tpu.memory_space<vmem_shared>>) target(%dma_start3A_637 : memref<128xf32, #tpu.memory_space<vmem>>) offsets(%dma_start3A_640 : memref<128xi32, #tpu.memory_space<vmem>>) semaphore(%arg12 : memref<!tpu.dma_semaphore, #tpu.memory_space<semaphore_mem>>)
        %dma_start3A_643 = arith.constant 7 : i32
        %dma_start3A_644 = arith.constant 7 : i32
        %dma_start3A_645 = arith.constant 128 : i32
        %dma_start3A_646 = tpu.memref_slice %arg10[%dma_start3A_644, %dma_start3A_645] : memref<8x512xf32, #tpu.memory_space<vmem>> -> memref<1x128xf32, #tpu.memory_space<vmem>>
        %dma_start3A_647 = tpu.memref_squeeze %dma_start3A_646 : memref<1x128xf32, #tpu.memory_space<vmem>> -> memref<128xf32, #tpu.memory_space<vmem>>
        %dma_start3A_648 = arith.constant 128 : i32
        %dma_start3A_649 = tpu.memref_slice %arg8[%dma_start3A_643, %dma_start3A_648] : memref<8x512xi32, #tpu.memory_space<vmem>> -> memref<1x128xi32, #tpu.memory_space<vmem>>
        %dma_start3A_650 = tpu.memref_squeeze %dma_start3A_649 : memref<1x128xi32, #tpu.memory_space<vmem>> -> memref<128xi32, #tpu.memory_space<vmem>>
        %dma_start3A_651 = arith.constant 0 : i32
        %dma_start3A_652 = tpu.memref_slice %arg5[%dma_start3A_651] : memref<1000000xf32, #tpu.memory_space<vmem_shared>> -> memref<1000000xf32, #tpu.memory_space<vmem_shared>>
        tpu.enqueue_indirect_dma source(%dma_start3A_652 : memref<1000000xf32, #tpu.memory_space<vmem_shared>>) target(%dma_start3A_647 : memref<128xf32, #tpu.memory_space<vmem>>) offsets(%dma_start3A_650 : memref<128xi32, #tpu.memory_space<vmem>>) semaphore(%arg12 : memref<!tpu.dma_semaphore, #tpu.memory_space<semaphore_mem>>)
        %dma_start3A_653 = arith.constant 7 : i32
        %dma_start3A_654 = arith.constant 7 : i32
        %dma_start3A_655 = arith.constant 256 : i32
        %dma_start3A_656 = tpu.memref_slice %arg10[%dma_start3A_654, %dma_start3A_655] : memref<8x512xf32, #tpu.memory_space<vmem>> -> memref<1x128xf32, #tpu.memory_space<vmem>>
        %dma_start3A_657 = tpu.memref_squeeze %dma_start3A_656 : memref<1x128xf32, #tpu.memory_space<vmem>> -> memref<128xf32, #tpu.memory_space<vmem>>
        %dma_start3A_658 = arith.constant 256 : i32
        %dma_start3A_659 = tpu.memref_slice %arg8[%dma_start3A_653, %dma_start3A_658] : memref<8x512xi32, #tpu.memory_space<vmem>> -> memref<1x128xi32, #tpu.memory_space<vmem>>
        %dma_start3A_660 = tpu.memref_squeeze %dma_start3A_659 : memref<1x128xi32, #tpu.memory_space<vmem>> -> memref<128xi32, #tpu.memory_space<vmem>>
        %dma_start3A_661 = arith.constant 0 : i32
        %dma_start3A_662 = tpu.memref_slice %arg5[%dma_start3A_661] : memref<1000000xf32, #tpu.memory_space<vmem_shared>> -> memref<1000000xf32, #tpu.memory_space<vmem_shared>>
        tpu.enqueue_indirect_dma source(%dma_start3A_662 : memref<1000000xf32, #tpu.memory_space<vmem_shared>>) target(%dma_start3A_657 : memref<128xf32, #tpu.memory_space<vmem>>) offsets(%dma_start3A_660 : memref<128xi32, #tpu.memory_space<vmem>>) semaphore(%arg12 : memref<!tpu.dma_semaphore, #tpu.memory_space<semaphore_mem>>)
        %dma_start3A_663 = arith.constant 7 : i32
        %dma_start3A_664 = arith.constant 7 : i32
        %dma_start3A_665 = arith.constant 384 : i32
        %dma_start3A_666 = tpu.memref_slice %arg10[%dma_start3A_664, %dma_start3A_665] : memref<8x512xf32, #tpu.memory_space<vmem>> -> memref<1x128xf32, #tpu.memory_space<vmem>>
        %dma_start3A_667 = tpu.memref_squeeze %dma_start3A_666 : memref<1x128xf32, #tpu.memory_space<vmem>> -> memref<128xf32, #tpu.memory_space<vmem>>
        %dma_start3A_668 = arith.constant 384 : i32
        %dma_start3A_669 = tpu.memref_slice %arg8[%dma_start3A_663, %dma_start3A_668] : memref<8x512xi32, #tpu.memory_space<vmem>> -> memref<1x128xi32, #tpu.memory_space<vmem>>
        %dma_start3A_670 = tpu.memref_squeeze %dma_start3A_669 : memref<1x128xi32, #tpu.memory_space<vmem>> -> memref<128xi32, #tpu.memory_space<vmem>>
        %dma_start3A_671 = arith.constant 0 : i32
        %dma_start3A_672 = tpu.memref_slice %arg5[%dma_start3A_671] : memref<1000000xf32, #tpu.memory_space<vmem_shared>> -> memref<1000000xf32, #tpu.memory_space<vmem_shared>>
        tpu.enqueue_indirect_dma source(%dma_start3A_672 : memref<1000000xf32, #tpu.memory_space<vmem_shared>>) target(%dma_start3A_667 : memref<128xf32, #tpu.memory_space<vmem>>) offsets(%dma_start3A_670 : memref<128xi32, #tpu.memory_space<vmem>>) semaphore(%arg12 : memref<!tpu.dma_semaphore, #tpu.memory_space<semaphore_mem>>)
        %dma_wait3A_673 = arith.constant 0 : i32
        %dma_wait3A_674 = arith.constant 0 : i32
        %dma_wait3A_675 = arith.constant 0 : i32
        %dma_wait3A_676 = tpu.memref_slice %arg10[%dma_wait3A_674, %dma_wait3A_675] : memref<8x512xf32, #tpu.memory_space<vmem>> -> memref<1x128xf32, #tpu.memory_space<vmem>>
        %dma_wait3A_677 = tpu.memref_squeeze %dma_wait3A_676 : memref<1x128xf32, #tpu.memory_space<vmem>> -> memref<128xf32, #tpu.memory_space<vmem>>
        %dma_wait3A_678 = arith.constant 0 : i32
        %dma_wait3A_679 = tpu.memref_slice %arg8[%dma_wait3A_673, %dma_wait3A_678] : memref<8x512xi32, #tpu.memory_space<vmem>> -> memref<1x128xi32, #tpu.memory_space<vmem>>
        %dma_wait3A_680 = tpu.memref_squeeze %dma_wait3A_679 : memref<1x128xi32, #tpu.memory_space<vmem>> -> memref<128xi32, #tpu.memory_space<vmem>>
        %dma_wait3A_681 = arith.constant 0 : i32
        %dma_wait3A_682 = tpu.memref_slice %arg5[%dma_wait3A_681] : memref<1000000xf32, #tpu.memory_space<vmem_shared>> -> memref<1000000xf32, #tpu.memory_space<vmem_shared>>
        tpu.wait_indirect_dma semaphore(%arg12 : memref<!tpu.dma_semaphore, #tpu.memory_space<semaphore_mem>>) src(%dma_wait3A_682 : memref<1000000xf32, #tpu.memory_space<vmem_shared>>) dst(%dma_wait3A_677 : memref<128xf32, #tpu.memory_space<vmem>>)
        %dma_wait3A_683 = arith.constant 0 : i32
        %dma_wait3A_684 = arith.constant 0 : i32
        %dma_wait3A_685 = arith.constant 128 : i32
        %dma_wait3A_686 = tpu.memref_slice %arg10[%dma_wait3A_684, %dma_wait3A_685] : memref<8x512xf32, #tpu.memory_space<vmem>> -> memref<1x128xf32, #tpu.memory_space<vmem>>
        %dma_wait3A_687 = tpu.memref_squeeze %dma_wait3A_686 : memref<1x128xf32, #tpu.memory_space<vmem>> -> memref<128xf32, #tpu.memory_space<vmem>>
        %dma_wait3A_688 = arith.constant 128 : i32
        %dma_wait3A_689 = tpu.memref_slice %arg8[%dma_wait3A_683, %dma_wait3A_688] : memref<8x512xi32, #tpu.memory_space<vmem>> -> memref<1x128xi32, #tpu.memory_space<vmem>>
        %dma_wait3A_690 = tpu.memref_squeeze %dma_wait3A_689 : memref<1x128xi32, #tpu.memory_space<vmem>> -> memref<128xi32, #tpu.memory_space<vmem>>
        %dma_wait3A_691 = arith.constant 0 : i32
        %dma_wait3A_692 = tpu.memref_slice %arg5[%dma_wait3A_691] : memref<1000000xf32, #tpu.memory_space<vmem_shared>> -> memref<1000000xf32, #tpu.memory_space<vmem_shared>>
        tpu.wait_indirect_dma semaphore(%arg12 : memref<!tpu.dma_semaphore, #tpu.memory_space<semaphore_mem>>) src(%dma_wait3A_692 : memref<1000000xf32, #tpu.memory_space<vmem_shared>>) dst(%dma_wait3A_687 : memref<128xf32, #tpu.memory_space<vmem>>)
        %dma_wait3A_693 = arith.constant 0 : i32
        %dma_wait3A_694 = arith.constant 0 : i32
        %dma_wait3A_695 = arith.constant 256 : i32
        %dma_wait3A_696 = tpu.memref_slice %arg10[%dma_wait3A_694, %dma_wait3A_695] : memref<8x512xf32, #tpu.memory_space<vmem>> -> memref<1x128xf32, #tpu.memory_space<vmem>>
        %dma_wait3A_697 = tpu.memref_squeeze %dma_wait3A_696 : memref<1x128xf32, #tpu.memory_space<vmem>> -> memref<128xf32, #tpu.memory_space<vmem>>
        %dma_wait3A_698 = arith.constant 256 : i32
        %dma_wait3A_699 = tpu.memref_slice %arg8[%dma_wait3A_693, %dma_wait3A_698] : memref<8x512xi32, #tpu.memory_space<vmem>> -> memref<1x128xi32, #tpu.memory_space<vmem>>
        %dma_wait3A_700 = tpu.memref_squeeze %dma_wait3A_699 : memref<1x128xi32, #tpu.memory_space<vmem>> -> memref<128xi32, #tpu.memory_space<vmem>>
        %dma_wait3A_701 = arith.constant 0 : i32
        %dma_wait3A_702 = tpu.memref_slice %arg5[%dma_wait3A_701] : memref<1000000xf32, #tpu.memory_space<vmem_shared>> -> memref<1000000xf32, #tpu.memory_space<vmem_shared>>
        tpu.wait_indirect_dma semaphore(%arg12 : memref<!tpu.dma_semaphore, #tpu.memory_space<semaphore_mem>>) src(%dma_wait3A_702 : memref<1000000xf32, #tpu.memory_space<vmem_shared>>) dst(%dma_wait3A_697 : memref<128xf32, #tpu.memory_space<vmem>>)
        %dma_wait3A_703 = arith.constant 0 : i32
        %dma_wait3A_704 = arith.constant 0 : i32
        %dma_wait3A_705 = arith.constant 384 : i32
        %dma_wait3A_706 = tpu.memref_slice %arg10[%dma_wait3A_704, %dma_wait3A_705] : memref<8x512xf32, #tpu.memory_space<vmem>> -> memref<1x128xf32, #tpu.memory_space<vmem>>
        %dma_wait3A_707 = tpu.memref_squeeze %dma_wait3A_706 : memref<1x128xf32, #tpu.memory_space<vmem>> -> memref<128xf32, #tpu.memory_space<vmem>>
        %dma_wait3A_708 = arith.constant 384 : i32
        %dma_wait3A_709 = tpu.memref_slice %arg8[%dma_wait3A_703, %dma_wait3A_708] : memref<8x512xi32, #tpu.memory_space<vmem>> -> memref<1x128xi32, #tpu.memory_space<vmem>>
        %dma_wait3A_710 = tpu.memref_squeeze %dma_wait3A_709 : memref<1x128xi32, #tpu.memory_space<vmem>> -> memref<128xi32, #tpu.memory_space<vmem>>
        %dma_wait3A_711 = arith.constant 0 : i32
        %dma_wait3A_712 = tpu.memref_slice %arg5[%dma_wait3A_711] : memref<1000000xf32, #tpu.memory_space<vmem_shared>> -> memref<1000000xf32, #tpu.memory_space<vmem_shared>>
        tpu.wait_indirect_dma semaphore(%arg12 : memref<!tpu.dma_semaphore, #tpu.memory_space<semaphore_mem>>) src(%dma_wait3A_712 : memref<1000000xf32, #tpu.memory_space<vmem_shared>>) dst(%dma_wait3A_707 : memref<128xf32, #tpu.memory_space<vmem>>)
        %dma_wait3A_713 = arith.constant 1 : i32
        %dma_wait3A_714 = arith.constant 1 : i32
        %dma_wait3A_715 = arith.constant 0 : i32
        %dma_wait3A_716 = tpu.memref_slice %arg10[%dma_wait3A_714, %dma_wait3A_715] : memref<8x512xf32, #tpu.memory_space<vmem>> -> memref<1x128xf32, #tpu.memory_space<vmem>>
        %dma_wait3A_717 = tpu.memref_squeeze %dma_wait3A_716 : memref<1x128xf32, #tpu.memory_space<vmem>> -> memref<128xf32, #tpu.memory_space<vmem>>
        %dma_wait3A_718 = arith.constant 0 : i32
        %dma_wait3A_719 = tpu.memref_slice %arg8[%dma_wait3A_713, %dma_wait3A_718] : memref<8x512xi32, #tpu.memory_space<vmem>> -> memref<1x128xi32, #tpu.memory_space<vmem>>
        %dma_wait3A_720 = tpu.memref_squeeze %dma_wait3A_719 : memref<1x128xi32, #tpu.memory_space<vmem>> -> memref<128xi32, #tpu.memory_space<vmem>>
        %dma_wait3A_721 = arith.constant 0 : i32
        %dma_wait3A_722 = tpu.memref_slice %arg5[%dma_wait3A_721] : memref<1000000xf32, #tpu.memory_space<vmem_shared>> -> memref<1000000xf32, #tpu.memory_space<vmem_shared>>
        tpu.wait_indirect_dma semaphore(%arg12 : memref<!tpu.dma_semaphore, #tpu.memory_space<semaphore_mem>>) src(%dma_wait3A_722 : memref<1000000xf32, #tpu.memory_space<vmem_shared>>) dst(%dma_wait3A_717 : memref<128xf32, #tpu.memory_space<vmem>>)
        %dma_wait3A_723 = arith.constant 1 : i32
        %dma_wait3A_724 = arith.constant 1 : i32
        %dma_wait3A_725 = arith.constant 128 : i32
        %dma_wait3A_726 = tpu.memref_slice %arg10[%dma_wait3A_724, %dma_wait3A_725] : memref<8x512xf32, #tpu.memory_space<vmem>> -> memref<1x128xf32, #tpu.memory_space<vmem>>
        %dma_wait3A_727 = tpu.memref_squeeze %dma_wait3A_726 : memref<1x128xf32, #tpu.memory_space<vmem>> -> memref<128xf32, #tpu.memory_space<vmem>>
        %dma_wait3A_728 = arith.constant 128 : i32
        %dma_wait3A_729 = tpu.memref_slice %arg8[%dma_wait3A_723, %dma_wait3A_728] : memref<8x512xi32, #tpu.memory_space<vmem>> -> memref<1x128xi32, #tpu.memory_space<vmem>>
        %dma_wait3A_730 = tpu.memref_squeeze %dma_wait3A_729 : memref<1x128xi32, #tpu.memory_space<vmem>> -> memref<128xi32, #tpu.memory_space<vmem>>
        %dma_wait3A_731 = arith.constant 0 : i32
        %dma_wait3A_732 = tpu.memref_slice %arg5[%dma_wait3A_731] : memref<1000000xf32, #tpu.memory_space<vmem_shared>> -> memref<1000000xf32, #tpu.memory_space<vmem_shared>>
        tpu.wait_indirect_dma semaphore(%arg12 : memref<!tpu.dma_semaphore, #tpu.memory_space<semaphore_mem>>) src(%dma_wait3A_732 : memref<1000000xf32, #tpu.memory_space<vmem_shared>>) dst(%dma_wait3A_727 : memref<128xf32, #tpu.memory_space<vmem>>)
        %dma_wait3A_733 = arith.constant 1 : i32
        %dma_wait3A_734 = arith.constant 1 : i32
        %dma_wait3A_735 = arith.constant 256 : i32
        %dma_wait3A_736 = tpu.memref_slice %arg10[%dma_wait3A_734, %dma_wait3A_735] : memref<8x512xf32, #tpu.memory_space<vmem>> -> memref<1x128xf32, #tpu.memory_space<vmem>>
        %dma_wait3A_737 = tpu.memref_squeeze %dma_wait3A_736 : memref<1x128xf32, #tpu.memory_space<vmem>> -> memref<128xf32, #tpu.memory_space<vmem>>
        %dma_wait3A_738 = arith.constant 256 : i32
        %dma_wait3A_739 = tpu.memref_slice %arg8[%dma_wait3A_733, %dma_wait3A_738] : memref<8x512xi32, #tpu.memory_space<vmem>> -> memref<1x128xi32, #tpu.memory_space<vmem>>
        %dma_wait3A_740 = tpu.memref_squeeze %dma_wait3A_739 : memref<1x128xi32, #tpu.memory_space<vmem>> -> memref<128xi32, #tpu.memory_space<vmem>>
        %dma_wait3A_741 = arith.constant 0 : i32
        %dma_wait3A_742 = tpu.memref_slice %arg5[%dma_wait3A_741] : memref<1000000xf32, #tpu.memory_space<vmem_shared>> -> memref<1000000xf32, #tpu.memory_space<vmem_shared>>
        tpu.wait_indirect_dma semaphore(%arg12 : memref<!tpu.dma_semaphore, #tpu.memory_space<semaphore_mem>>) src(%dma_wait3A_742 : memref<1000000xf32, #tpu.memory_space<vmem_shared>>) dst(%dma_wait3A_737 : memref<128xf32, #tpu.memory_space<vmem>>)
        %dma_wait3A_743 = arith.constant 1 : i32
        %dma_wait3A_744 = arith.constant 1 : i32
        %dma_wait3A_745 = arith.constant 384 : i32
        %dma_wait3A_746 = tpu.memref_slice %arg10[%dma_wait3A_744, %dma_wait3A_745] : memref<8x512xf32, #tpu.memory_space<vmem>> -> memref<1x128xf32, #tpu.memory_space<vmem>>
        %dma_wait3A_747 = tpu.memref_squeeze %dma_wait3A_746 : memref<1x128xf32, #tpu.memory_space<vmem>> -> memref<128xf32, #tpu.memory_space<vmem>>
        %dma_wait3A_748 = arith.constant 384 : i32
        %dma_wait3A_749 = tpu.memref_slice %arg8[%dma_wait3A_743, %dma_wait3A_748] : memref<8x512xi32, #tpu.memory_space<vmem>> -> memref<1x128xi32, #tpu.memory_space<vmem>>
        %dma_wait3A_750 = tpu.memref_squeeze %dma_wait3A_749 : memref<1x128xi32, #tpu.memory_space<vmem>> -> memref<128xi32, #tpu.memory_space<vmem>>
        %dma_wait3A_751 = arith.constant 0 : i32
        %dma_wait3A_752 = tpu.memref_slice %arg5[%dma_wait3A_751] : memref<1000000xf32, #tpu.memory_space<vmem_shared>> -> memref<1000000xf32, #tpu.memory_space<vmem_shared>>
        tpu.wait_indirect_dma semaphore(%arg12 : memref<!tpu.dma_semaphore, #tpu.memory_space<semaphore_mem>>) src(%dma_wait3A_752 : memref<1000000xf32, #tpu.memory_space<vmem_shared>>) dst(%dma_wait3A_747 : memref<128xf32, #tpu.memory_space<vmem>>)
        %dma_wait3A_753 = arith.constant 2 : i32
        %dma_wait3A_754 = arith.constant 2 : i32
        %dma_wait3A_755 = arith.constant 0 : i32
        %dma_wait3A_756 = tpu.memref_slice %arg10[%dma_wait3A_754, %dma_wait3A_755] : memref<8x512xf32, #tpu.memory_space<vmem>> -> memref<1x128xf32, #tpu.memory_space<vmem>>
        %dma_wait3A_757 = tpu.memref_squeeze %dma_wait3A_756 : memref<1x128xf32, #tpu.memory_space<vmem>> -> memref<128xf32, #tpu.memory_space<vmem>>
        %dma_wait3A_758 = arith.constant 0 : i32
        %dma_wait3A_759 = tpu.memref_slice %arg8[%dma_wait3A_753, %dma_wait3A_758] : memref<8x512xi32, #tpu.memory_space<vmem>> -> memref<1x128xi32, #tpu.memory_space<vmem>>
        %dma_wait3A_760 = tpu.memref_squeeze %dma_wait3A_759 : memref<1x128xi32, #tpu.memory_space<vmem>> -> memref<128xi32, #tpu.memory_space<vmem>>
        %dma_wait3A_761 = arith.constant 0 : i32
        %dma_wait3A_762 = tpu.memref_slice %arg5[%dma_wait3A_761] : memref<1000000xf32, #tpu.memory_space<vmem_shared>> -> memref<1000000xf32, #tpu.memory_space<vmem_shared>>
        tpu.wait_indirect_dma semaphore(%arg12 : memref<!tpu.dma_semaphore, #tpu.memory_space<semaphore_mem>>) src(%dma_wait3A_762 : memref<1000000xf32, #tpu.memory_space<vmem_shared>>) dst(%dma_wait3A_757 : memref<128xf32, #tpu.memory_space<vmem>>)
        %dma_wait3A_763 = arith.constant 2 : i32
        %dma_wait3A_764 = arith.constant 2 : i32
        %dma_wait3A_765 = arith.constant 128 : i32
        %dma_wait3A_766 = tpu.memref_slice %arg10[%dma_wait3A_764, %dma_wait3A_765] : memref<8x512xf32, #tpu.memory_space<vmem>> -> memref<1x128xf32, #tpu.memory_space<vmem>>
        %dma_wait3A_767 = tpu.memref_squeeze %dma_wait3A_766 : memref<1x128xf32, #tpu.memory_space<vmem>> -> memref<128xf32, #tpu.memory_space<vmem>>
        %dma_wait3A_768 = arith.constant 128 : i32
        %dma_wait3A_769 = tpu.memref_slice %arg8[%dma_wait3A_763, %dma_wait3A_768] : memref<8x512xi32, #tpu.memory_space<vmem>> -> memref<1x128xi32, #tpu.memory_space<vmem>>
        %dma_wait3A_770 = tpu.memref_squeeze %dma_wait3A_769 : memref<1x128xi32, #tpu.memory_space<vmem>> -> memref<128xi32, #tpu.memory_space<vmem>>
        %dma_wait3A_771 = arith.constant 0 : i32
        %dma_wait3A_772 = tpu.memref_slice %arg5[%dma_wait3A_771] : memref<1000000xf32, #tpu.memory_space<vmem_shared>> -> memref<1000000xf32, #tpu.memory_space<vmem_shared>>
        tpu.wait_indirect_dma semaphore(%arg12 : memref<!tpu.dma_semaphore, #tpu.memory_space<semaphore_mem>>) src(%dma_wait3A_772 : memref<1000000xf32, #tpu.memory_space<vmem_shared>>) dst(%dma_wait3A_767 : memref<128xf32, #tpu.memory_space<vmem>>)
        %dma_wait3A_773 = arith.constant 2 : i32
        %dma_wait3A_774 = arith.constant 2 : i32
        %dma_wait3A_775 = arith.constant 256 : i32
        %dma_wait3A_776 = tpu.memref_slice %arg10[%dma_wait3A_774, %dma_wait3A_775] : memref<8x512xf32, #tpu.memory_space<vmem>> -> memref<1x128xf32, #tpu.memory_space<vmem>>
        %dma_wait3A_777 = tpu.memref_squeeze %dma_wait3A_776 : memref<1x128xf32, #tpu.memory_space<vmem>> -> memref<128xf32, #tpu.memory_space<vmem>>
        %dma_wait3A_778 = arith.constant 256 : i32
        %dma_wait3A_779 = tpu.memref_slice %arg8[%dma_wait3A_773, %dma_wait3A_778] : memref<8x512xi32, #tpu.memory_space<vmem>> -> memref<1x128xi32, #tpu.memory_space<vmem>>
        %dma_wait3A_780 = tpu.memref_squeeze %dma_wait3A_779 : memref<1x128xi32, #tpu.memory_space<vmem>> -> memref<128xi32, #tpu.memory_space<vmem>>
        %dma_wait3A_781 = arith.constant 0 : i32
        %dma_wait3A_782 = tpu.memref_slice %arg5[%dma_wait3A_781] : memref<1000000xf32, #tpu.memory_space<vmem_shared>> -> memref<1000000xf32, #tpu.memory_space<vmem_shared>>
        tpu.wait_indirect_dma semaphore(%arg12 : memref<!tpu.dma_semaphore, #tpu.memory_space<semaphore_mem>>) src(%dma_wait3A_782 : memref<1000000xf32, #tpu.memory_space<vmem_shared>>) dst(%dma_wait3A_777 : memref<128xf32, #tpu.memory_space<vmem>>)
        %dma_wait3A_783 = arith.constant 2 : i32
        %dma_wait3A_784 = arith.constant 2 : i32
        %dma_wait3A_785 = arith.constant 384 : i32
        %dma_wait3A_786 = tpu.memref_slice %arg10[%dma_wait3A_784, %dma_wait3A_785] : memref<8x512xf32, #tpu.memory_space<vmem>> -> memref<1x128xf32, #tpu.memory_space<vmem>>
        %dma_wait3A_787 = tpu.memref_squeeze %dma_wait3A_786 : memref<1x128xf32, #tpu.memory_space<vmem>> -> memref<128xf32, #tpu.memory_space<vmem>>
        %dma_wait3A_788 = arith.constant 384 : i32
        %dma_wait3A_789 = tpu.memref_slice %arg8[%dma_wait3A_783, %dma_wait3A_788] : memref<8x512xi32, #tpu.memory_space<vmem>> -> memref<1x128xi32, #tpu.memory_space<vmem>>
        %dma_wait3A_790 = tpu.memref_squeeze %dma_wait3A_789 : memref<1x128xi32, #tpu.memory_space<vmem>> -> memref<128xi32, #tpu.memory_space<vmem>>
        %dma_wait3A_791 = arith.constant 0 : i32
        %dma_wait3A_792 = tpu.memref_slice %arg5[%dma_wait3A_791] : memref<1000000xf32, #tpu.memory_space<vmem_shared>> -> memref<1000000xf32, #tpu.memory_space<vmem_shared>>
        tpu.wait_indirect_dma semaphore(%arg12 : memref<!tpu.dma_semaphore, #tpu.memory_space<semaphore_mem>>) src(%dma_wait3A_792 : memref<1000000xf32, #tpu.memory_space<vmem_shared>>) dst(%dma_wait3A_787 : memref<128xf32, #tpu.memory_space<vmem>>)
        %dma_wait3A_793 = arith.constant 3 : i32
        %dma_wait3A_794 = arith.constant 3 : i32
        %dma_wait3A_795 = arith.constant 0 : i32
        %dma_wait3A_796 = tpu.memref_slice %arg10[%dma_wait3A_794, %dma_wait3A_795] : memref<8x512xf32, #tpu.memory_space<vmem>> -> memref<1x128xf32, #tpu.memory_space<vmem>>
        %dma_wait3A_797 = tpu.memref_squeeze %dma_wait3A_796 : memref<1x128xf32, #tpu.memory_space<vmem>> -> memref<128xf32, #tpu.memory_space<vmem>>
        %dma_wait3A_798 = arith.constant 0 : i32
        %dma_wait3A_799 = tpu.memref_slice %arg8[%dma_wait3A_793, %dma_wait3A_798] : memref<8x512xi32, #tpu.memory_space<vmem>> -> memref<1x128xi32, #tpu.memory_space<vmem>>
        %dma_wait3A_800 = tpu.memref_squeeze %dma_wait3A_799 : memref<1x128xi32, #tpu.memory_space<vmem>> -> memref<128xi32, #tpu.memory_space<vmem>>
        %dma_wait3A_801 = arith.constant 0 : i32
        %dma_wait3A_802 = tpu.memref_slice %arg5[%dma_wait3A_801] : memref<1000000xf32, #tpu.memory_space<vmem_shared>> -> memref<1000000xf32, #tpu.memory_space<vmem_shared>>
        tpu.wait_indirect_dma semaphore(%arg12 : memref<!tpu.dma_semaphore, #tpu.memory_space<semaphore_mem>>) src(%dma_wait3A_802 : memref<1000000xf32, #tpu.memory_space<vmem_shared>>) dst(%dma_wait3A_797 : memref<128xf32, #tpu.memory_space<vmem>>)
        %dma_wait3A_803 = arith.constant 3 : i32
        %dma_wait3A_804 = arith.constant 3 : i32
        %dma_wait3A_805 = arith.constant 128 : i32
        %dma_wait3A_806 = tpu.memref_slice %arg10[%dma_wait3A_804, %dma_wait3A_805] : memref<8x512xf32, #tpu.memory_space<vmem>> -> memref<1x128xf32, #tpu.memory_space<vmem>>
        %dma_wait3A_807 = tpu.memref_squeeze %dma_wait3A_806 : memref<1x128xf32, #tpu.memory_space<vmem>> -> memref<128xf32, #tpu.memory_space<vmem>>
        %dma_wait3A_808 = arith.constant 128 : i32
        %dma_wait3A_809 = tpu.memref_slice %arg8[%dma_wait3A_803, %dma_wait3A_808] : memref<8x512xi32, #tpu.memory_space<vmem>> -> memref<1x128xi32, #tpu.memory_space<vmem>>
        %dma_wait3A_810 = tpu.memref_squeeze %dma_wait3A_809 : memref<1x128xi32, #tpu.memory_space<vmem>> -> memref<128xi32, #tpu.memory_space<vmem>>
        %dma_wait3A_811 = arith.constant 0 : i32
        %dma_wait3A_812 = tpu.memref_slice %arg5[%dma_wait3A_811] : memref<1000000xf32, #tpu.memory_space<vmem_shared>> -> memref<1000000xf32, #tpu.memory_space<vmem_shared>>
        tpu.wait_indirect_dma semaphore(%arg12 : memref<!tpu.dma_semaphore, #tpu.memory_space<semaphore_mem>>) src(%dma_wait3A_812 : memref<1000000xf32, #tpu.memory_space<vmem_shared>>) dst(%dma_wait3A_807 : memref<128xf32, #tpu.memory_space<vmem>>)
        %dma_wait3A_813 = arith.constant 3 : i32
        %dma_wait3A_814 = arith.constant 3 : i32
        %dma_wait3A_815 = arith.constant 256 : i32
        %dma_wait3A_816 = tpu.memref_slice %arg10[%dma_wait3A_814, %dma_wait3A_815] : memref<8x512xf32, #tpu.memory_space<vmem>> -> memref<1x128xf32, #tpu.memory_space<vmem>>
        %dma_wait3A_817 = tpu.memref_squeeze %dma_wait3A_816 : memref<1x128xf32, #tpu.memory_space<vmem>> -> memref<128xf32, #tpu.memory_space<vmem>>
        %dma_wait3A_818 = arith.constant 256 : i32
        %dma_wait3A_819 = tpu.memref_slice %arg8[%dma_wait3A_813, %dma_wait3A_818] : memref<8x512xi32, #tpu.memory_space<vmem>> -> memref<1x128xi32, #tpu.memory_space<vmem>>
        %dma_wait3A_820 = tpu.memref_squeeze %dma_wait3A_819 : memref<1x128xi32, #tpu.memory_space<vmem>> -> memref<128xi32, #tpu.memory_space<vmem>>
        %dma_wait3A_821 = arith.constant 0 : i32
        %dma_wait3A_822 = tpu.memref_slice %arg5[%dma_wait3A_821] : memref<1000000xf32, #tpu.memory_space<vmem_shared>> -> memref<1000000xf32, #tpu.memory_space<vmem_shared>>
        tpu.wait_indirect_dma semaphore(%arg12 : memref<!tpu.dma_semaphore, #tpu.memory_space<semaphore_mem>>) src(%dma_wait3A_822 : memref<1000000xf32, #tpu.memory_space<vmem_shared>>) dst(%dma_wait3A_817 : memref<128xf32, #tpu.memory_space<vmem>>)
        %dma_wait3A_823 = arith.constant 3 : i32
        %dma_wait3A_824 = arith.constant 3 : i32
        %dma_wait3A_825 = arith.constant 384 : i32
        %dma_wait3A_826 = tpu.memref_slice %arg10[%dma_wait3A_824, %dma_wait3A_825] : memref<8x512xf32, #tpu.memory_space<vmem>> -> memref<1x128xf32, #tpu.memory_space<vmem>>
        %dma_wait3A_827 = tpu.memref_squeeze %dma_wait3A_826 : memref<1x128xf32, #tpu.memory_space<vmem>> -> memref<128xf32, #tpu.memory_space<vmem>>
        %dma_wait3A_828 = arith.constant 384 : i32
        %dma_wait3A_829 = tpu.memref_slice %arg8[%dma_wait3A_823, %dma_wait3A_828] : memref<8x512xi32, #tpu.memory_space<vmem>> -> memref<1x128xi32, #tpu.memory_space<vmem>>
        %dma_wait3A_830 = tpu.memref_squeeze %dma_wait3A_829 : memref<1x128xi32, #tpu.memory_space<vmem>> -> memref<128xi32, #tpu.memory_space<vmem>>
        %dma_wait3A_831 = arith.constant 0 : i32
        %dma_wait3A_832 = tpu.memref_slice %arg5[%dma_wait3A_831] : memref<1000000xf32, #tpu.memory_space<vmem_shared>> -> memref<1000000xf32, #tpu.memory_space<vmem_shared>>
        tpu.wait_indirect_dma semaphore(%arg12 : memref<!tpu.dma_semaphore, #tpu.memory_space<semaphore_mem>>) src(%dma_wait3A_832 : memref<1000000xf32, #tpu.memory_space<vmem_shared>>) dst(%dma_wait3A_827 : memref<128xf32, #tpu.memory_space<vmem>>)
        %dma_wait3A_833 = arith.constant 4 : i32
        %dma_wait3A_834 = arith.constant 4 : i32
        %dma_wait3A_835 = arith.constant 0 : i32
        %dma_wait3A_836 = tpu.memref_slice %arg10[%dma_wait3A_834, %dma_wait3A_835] : memref<8x512xf32, #tpu.memory_space<vmem>> -> memref<1x128xf32, #tpu.memory_space<vmem>>
        %dma_wait3A_837 = tpu.memref_squeeze %dma_wait3A_836 : memref<1x128xf32, #tpu.memory_space<vmem>> -> memref<128xf32, #tpu.memory_space<vmem>>
        %dma_wait3A_838 = arith.constant 0 : i32
        %dma_wait3A_839 = tpu.memref_slice %arg8[%dma_wait3A_833, %dma_wait3A_838] : memref<8x512xi32, #tpu.memory_space<vmem>> -> memref<1x128xi32, #tpu.memory_space<vmem>>
        %dma_wait3A_840 = tpu.memref_squeeze %dma_wait3A_839 : memref<1x128xi32, #tpu.memory_space<vmem>> -> memref<128xi32, #tpu.memory_space<vmem>>
        %dma_wait3A_841 = arith.constant 0 : i32
        %dma_wait3A_842 = tpu.memref_slice %arg5[%dma_wait3A_841] : memref<1000000xf32, #tpu.memory_space<vmem_shared>> -> memref<1000000xf32, #tpu.memory_space<vmem_shared>>
        tpu.wait_indirect_dma semaphore(%arg12 : memref<!tpu.dma_semaphore, #tpu.memory_space<semaphore_mem>>) src(%dma_wait3A_842 : memref<1000000xf32, #tpu.memory_space<vmem_shared>>) dst(%dma_wait3A_837 : memref<128xf32, #tpu.memory_space<vmem>>)
        %dma_wait3A_843 = arith.constant 4 : i32
        %dma_wait3A_844 = arith.constant 4 : i32
        %dma_wait3A_845 = arith.constant 128 : i32
        %dma_wait3A_846 = tpu.memref_slice %arg10[%dma_wait3A_844, %dma_wait3A_845] : memref<8x512xf32, #tpu.memory_space<vmem>> -> memref<1x128xf32, #tpu.memory_space<vmem>>
        %dma_wait3A_847 = tpu.memref_squeeze %dma_wait3A_846 : memref<1x128xf32, #tpu.memory_space<vmem>> -> memref<128xf32, #tpu.memory_space<vmem>>
        %dma_wait3A_848 = arith.constant 128 : i32
        %dma_wait3A_849 = tpu.memref_slice %arg8[%dma_wait3A_843, %dma_wait3A_848] : memref<8x512xi32, #tpu.memory_space<vmem>> -> memref<1x128xi32, #tpu.memory_space<vmem>>
        %dma_wait3A_850 = tpu.memref_squeeze %dma_wait3A_849 : memref<1x128xi32, #tpu.memory_space<vmem>> -> memref<128xi32, #tpu.memory_space<vmem>>
        %dma_wait3A_851 = arith.constant 0 : i32
        %dma_wait3A_852 = tpu.memref_slice %arg5[%dma_wait3A_851] : memref<1000000xf32, #tpu.memory_space<vmem_shared>> -> memref<1000000xf32, #tpu.memory_space<vmem_shared>>
        tpu.wait_indirect_dma semaphore(%arg12 : memref<!tpu.dma_semaphore, #tpu.memory_space<semaphore_mem>>) src(%dma_wait3A_852 : memref<1000000xf32, #tpu.memory_space<vmem_shared>>) dst(%dma_wait3A_847 : memref<128xf32, #tpu.memory_space<vmem>>)
        %dma_wait3A_853 = arith.constant 4 : i32
        %dma_wait3A_854 = arith.constant 4 : i32
        %dma_wait3A_855 = arith.constant 256 : i32
        %dma_wait3A_856 = tpu.memref_slice %arg10[%dma_wait3A_854, %dma_wait3A_855] : memref<8x512xf32, #tpu.memory_space<vmem>> -> memref<1x128xf32, #tpu.memory_space<vmem>>
        %dma_wait3A_857 = tpu.memref_squeeze %dma_wait3A_856 : memref<1x128xf32, #tpu.memory_space<vmem>> -> memref<128xf32, #tpu.memory_space<vmem>>
        %dma_wait3A_858 = arith.constant 256 : i32
        %dma_wait3A_859 = tpu.memref_slice %arg8[%dma_wait3A_853, %dma_wait3A_858] : memref<8x512xi32, #tpu.memory_space<vmem>> -> memref<1x128xi32, #tpu.memory_space<vmem>>
        %dma_wait3A_860 = tpu.memref_squeeze %dma_wait3A_859 : memref<1x128xi32, #tpu.memory_space<vmem>> -> memref<128xi32, #tpu.memory_space<vmem>>
        %dma_wait3A_861 = arith.constant 0 : i32
        %dma_wait3A_862 = tpu.memref_slice %arg5[%dma_wait3A_861] : memref<1000000xf32, #tpu.memory_space<vmem_shared>> -> memref<1000000xf32, #tpu.memory_space<vmem_shared>>
        tpu.wait_indirect_dma semaphore(%arg12 : memref<!tpu.dma_semaphore, #tpu.memory_space<semaphore_mem>>) src(%dma_wait3A_862 : memref<1000000xf32, #tpu.memory_space<vmem_shared>>) dst(%dma_wait3A_857 : memref<128xf32, #tpu.memory_space<vmem>>)
        %dma_wait3A_863 = arith.constant 4 : i32
        %dma_wait3A_864 = arith.constant 4 : i32
        %dma_wait3A_865 = arith.constant 384 : i32
        %dma_wait3A_866 = tpu.memref_slice %arg10[%dma_wait3A_864, %dma_wait3A_865] : memref<8x512xf32, #tpu.memory_space<vmem>> -> memref<1x128xf32, #tpu.memory_space<vmem>>
        %dma_wait3A_867 = tpu.memref_squeeze %dma_wait3A_866 : memref<1x128xf32, #tpu.memory_space<vmem>> -> memref<128xf32, #tpu.memory_space<vmem>>
        %dma_wait3A_868 = arith.constant 384 : i32
        %dma_wait3A_869 = tpu.memref_slice %arg8[%dma_wait3A_863, %dma_wait3A_868] : memref<8x512xi32, #tpu.memory_space<vmem>> -> memref<1x128xi32, #tpu.memory_space<vmem>>
        %dma_wait3A_870 = tpu.memref_squeeze %dma_wait3A_869 : memref<1x128xi32, #tpu.memory_space<vmem>> -> memref<128xi32, #tpu.memory_space<vmem>>
        %dma_wait3A_871 = arith.constant 0 : i32
        %dma_wait3A_872 = tpu.memref_slice %arg5[%dma_wait3A_871] : memref<1000000xf32, #tpu.memory_space<vmem_shared>> -> memref<1000000xf32, #tpu.memory_space<vmem_shared>>
        tpu.wait_indirect_dma semaphore(%arg12 : memref<!tpu.dma_semaphore, #tpu.memory_space<semaphore_mem>>) src(%dma_wait3A_872 : memref<1000000xf32, #tpu.memory_space<vmem_shared>>) dst(%dma_wait3A_867 : memref<128xf32, #tpu.memory_space<vmem>>)
        %dma_wait3A_873 = arith.constant 5 : i32
        %dma_wait3A_874 = arith.constant 5 : i32
        %dma_wait3A_875 = arith.constant 0 : i32
        %dma_wait3A_876 = tpu.memref_slice %arg10[%dma_wait3A_874, %dma_wait3A_875] : memref<8x512xf32, #tpu.memory_space<vmem>> -> memref<1x128xf32, #tpu.memory_space<vmem>>
        %dma_wait3A_877 = tpu.memref_squeeze %dma_wait3A_876 : memref<1x128xf32, #tpu.memory_space<vmem>> -> memref<128xf32, #tpu.memory_space<vmem>>
        %dma_wait3A_878 = arith.constant 0 : i32
        %dma_wait3A_879 = tpu.memref_slice %arg8[%dma_wait3A_873, %dma_wait3A_878] : memref<8x512xi32, #tpu.memory_space<vmem>> -> memref<1x128xi32, #tpu.memory_space<vmem>>
        %dma_wait3A_880 = tpu.memref_squeeze %dma_wait3A_879 : memref<1x128xi32, #tpu.memory_space<vmem>> -> memref<128xi32, #tpu.memory_space<vmem>>
        %dma_wait3A_881 = arith.constant 0 : i32
        %dma_wait3A_882 = tpu.memref_slice %arg5[%dma_wait3A_881] : memref<1000000xf32, #tpu.memory_space<vmem_shared>> -> memref<1000000xf32, #tpu.memory_space<vmem_shared>>
        tpu.wait_indirect_dma semaphore(%arg12 : memref<!tpu.dma_semaphore, #tpu.memory_space<semaphore_mem>>) src(%dma_wait3A_882 : memref<1000000xf32, #tpu.memory_space<vmem_shared>>) dst(%dma_wait3A_877 : memref<128xf32, #tpu.memory_space<vmem>>)
        %dma_wait3A_883 = arith.constant 5 : i32
        %dma_wait3A_884 = arith.constant 5 : i32
        %dma_wait3A_885 = arith.constant 128 : i32
        %dma_wait3A_886 = tpu.memref_slice %arg10[%dma_wait3A_884, %dma_wait3A_885] : memref<8x512xf32, #tpu.memory_space<vmem>> -> memref<1x128xf32, #tpu.memory_space<vmem>>
        %dma_wait3A_887 = tpu.memref_squeeze %dma_wait3A_886 : memref<1x128xf32, #tpu.memory_space<vmem>> -> memref<128xf32, #tpu.memory_space<vmem>>
        %dma_wait3A_888 = arith.constant 128 : i32
        %dma_wait3A_889 = tpu.memref_slice %arg8[%dma_wait3A_883, %dma_wait3A_888] : memref<8x512xi32, #tpu.memory_space<vmem>> -> memref<1x128xi32, #tpu.memory_space<vmem>>
        %dma_wait3A_890 = tpu.memref_squeeze %dma_wait3A_889 : memref<1x128xi32, #tpu.memory_space<vmem>> -> memref<128xi32, #tpu.memory_space<vmem>>
        %dma_wait3A_891 = arith.constant 0 : i32
        %dma_wait3A_892 = tpu.memref_slice %arg5[%dma_wait3A_891] : memref<1000000xf32, #tpu.memory_space<vmem_shared>> -> memref<1000000xf32, #tpu.memory_space<vmem_shared>>
        tpu.wait_indirect_dma semaphore(%arg12 : memref<!tpu.dma_semaphore, #tpu.memory_space<semaphore_mem>>) src(%dma_wait3A_892 : memref<1000000xf32, #tpu.memory_space<vmem_shared>>) dst(%dma_wait3A_887 : memref<128xf32, #tpu.memory_space<vmem>>)
        %dma_wait3A_893 = arith.constant 5 : i32
        %dma_wait3A_894 = arith.constant 5 : i32
        %dma_wait3A_895 = arith.constant 256 : i32
        %dma_wait3A_896 = tpu.memref_slice %arg10[%dma_wait3A_894, %dma_wait3A_895] : memref<8x512xf32, #tpu.memory_space<vmem>> -> memref<1x128xf32, #tpu.memory_space<vmem>>
        %dma_wait3A_897 = tpu.memref_squeeze %dma_wait3A_896 : memref<1x128xf32, #tpu.memory_space<vmem>> -> memref<128xf32, #tpu.memory_space<vmem>>
        %dma_wait3A_898 = arith.constant 256 : i32
        %dma_wait3A_899 = tpu.memref_slice %arg8[%dma_wait3A_893, %dma_wait3A_898] : memref<8x512xi32, #tpu.memory_space<vmem>> -> memref<1x128xi32, #tpu.memory_space<vmem>>
        %dma_wait3A_900 = tpu.memref_squeeze %dma_wait3A_899 : memref<1x128xi32, #tpu.memory_space<vmem>> -> memref<128xi32, #tpu.memory_space<vmem>>
        %dma_wait3A_901 = arith.constant 0 : i32
        %dma_wait3A_902 = tpu.memref_slice %arg5[%dma_wait3A_901] : memref<1000000xf32, #tpu.memory_space<vmem_shared>> -> memref<1000000xf32, #tpu.memory_space<vmem_shared>>
        tpu.wait_indirect_dma semaphore(%arg12 : memref<!tpu.dma_semaphore, #tpu.memory_space<semaphore_mem>>) src(%dma_wait3A_902 : memref<1000000xf32, #tpu.memory_space<vmem_shared>>) dst(%dma_wait3A_897 : memref<128xf32, #tpu.memory_space<vmem>>)
        %dma_wait3A_903 = arith.constant 5 : i32
        %dma_wait3A_904 = arith.constant 5 : i32
        %dma_wait3A_905 = arith.constant 384 : i32
        %dma_wait3A_906 = tpu.memref_slice %arg10[%dma_wait3A_904, %dma_wait3A_905] : memref<8x512xf32, #tpu.memory_space<vmem>> -> memref<1x128xf32, #tpu.memory_space<vmem>>
        %dma_wait3A_907 = tpu.memref_squeeze %dma_wait3A_906 : memref<1x128xf32, #tpu.memory_space<vmem>> -> memref<128xf32, #tpu.memory_space<vmem>>
        %dma_wait3A_908 = arith.constant 384 : i32
        %dma_wait3A_909 = tpu.memref_slice %arg8[%dma_wait3A_903, %dma_wait3A_908] : memref<8x512xi32, #tpu.memory_space<vmem>> -> memref<1x128xi32, #tpu.memory_space<vmem>>
        %dma_wait3A_910 = tpu.memref_squeeze %dma_wait3A_909 : memref<1x128xi32, #tpu.memory_space<vmem>> -> memref<128xi32, #tpu.memory_space<vmem>>
        %dma_wait3A_911 = arith.constant 0 : i32
        %dma_wait3A_912 = tpu.memref_slice %arg5[%dma_wait3A_911] : memref<1000000xf32, #tpu.memory_space<vmem_shared>> -> memref<1000000xf32, #tpu.memory_space<vmem_shared>>
        tpu.wait_indirect_dma semaphore(%arg12 : memref<!tpu.dma_semaphore, #tpu.memory_space<semaphore_mem>>) src(%dma_wait3A_912 : memref<1000000xf32, #tpu.memory_space<vmem_shared>>) dst(%dma_wait3A_907 : memref<128xf32, #tpu.memory_space<vmem>>)
        %dma_wait3A_913 = arith.constant 6 : i32
        %dma_wait3A_914 = arith.constant 6 : i32
        %dma_wait3A_915 = arith.constant 0 : i32
        %dma_wait3A_916 = tpu.memref_slice %arg10[%dma_wait3A_914, %dma_wait3A_915] : memref<8x512xf32, #tpu.memory_space<vmem>> -> memref<1x128xf32, #tpu.memory_space<vmem>>
        %dma_wait3A_917 = tpu.memref_squeeze %dma_wait3A_916 : memref<1x128xf32, #tpu.memory_space<vmem>> -> memref<128xf32, #tpu.memory_space<vmem>>
        %dma_wait3A_918 = arith.constant 0 : i32
        %dma_wait3A_919 = tpu.memref_slice %arg8[%dma_wait3A_913, %dma_wait3A_918] : memref<8x512xi32, #tpu.memory_space<vmem>> -> memref<1x128xi32, #tpu.memory_space<vmem>>
        %dma_wait3A_920 = tpu.memref_squeeze %dma_wait3A_919 : memref<1x128xi32, #tpu.memory_space<vmem>> -> memref<128xi32, #tpu.memory_space<vmem>>
        %dma_wait3A_921 = arith.constant 0 : i32
        %dma_wait3A_922 = tpu.memref_slice %arg5[%dma_wait3A_921] : memref<1000000xf32, #tpu.memory_space<vmem_shared>> -> memref<1000000xf32, #tpu.memory_space<vmem_shared>>
        tpu.wait_indirect_dma semaphore(%arg12 : memref<!tpu.dma_semaphore, #tpu.memory_space<semaphore_mem>>) src(%dma_wait3A_922 : memref<1000000xf32, #tpu.memory_space<vmem_shared>>) dst(%dma_wait3A_917 : memref<128xf32, #tpu.memory_space<vmem>>)
        %dma_wait3A_923 = arith.constant 6 : i32
        %dma_wait3A_924 = arith.constant 6 : i32
        %dma_wait3A_925 = arith.constant 128 : i32
        %dma_wait3A_926 = tpu.memref_slice %arg10[%dma_wait3A_924, %dma_wait3A_925] : memref<8x512xf32, #tpu.memory_space<vmem>> -> memref<1x128xf32, #tpu.memory_space<vmem>>
        %dma_wait3A_927 = tpu.memref_squeeze %dma_wait3A_926 : memref<1x128xf32, #tpu.memory_space<vmem>> -> memref<128xf32, #tpu.memory_space<vmem>>
        %dma_wait3A_928 = arith.constant 128 : i32
        %dma_wait3A_929 = tpu.memref_slice %arg8[%dma_wait3A_923, %dma_wait3A_928] : memref<8x512xi32, #tpu.memory_space<vmem>> -> memref<1x128xi32, #tpu.memory_space<vmem>>
        %dma_wait3A_930 = tpu.memref_squeeze %dma_wait3A_929 : memref<1x128xi32, #tpu.memory_space<vmem>> -> memref<128xi32, #tpu.memory_space<vmem>>
        %dma_wait3A_931 = arith.constant 0 : i32
        %dma_wait3A_932 = tpu.memref_slice %arg5[%dma_wait3A_931] : memref<1000000xf32, #tpu.memory_space<vmem_shared>> -> memref<1000000xf32, #tpu.memory_space<vmem_shared>>
        tpu.wait_indirect_dma semaphore(%arg12 : memref<!tpu.dma_semaphore, #tpu.memory_space<semaphore_mem>>) src(%dma_wait3A_932 : memref<1000000xf32, #tpu.memory_space<vmem_shared>>) dst(%dma_wait3A_927 : memref<128xf32, #tpu.memory_space<vmem>>)
        %dma_wait3A_933 = arith.constant 6 : i32
        %dma_wait3A_934 = arith.constant 6 : i32
        %dma_wait3A_935 = arith.constant 256 : i32
        %dma_wait3A_936 = tpu.memref_slice %arg10[%dma_wait3A_934, %dma_wait3A_935] : memref<8x512xf32, #tpu.memory_space<vmem>> -> memref<1x128xf32, #tpu.memory_space<vmem>>
        %dma_wait3A_937 = tpu.memref_squeeze %dma_wait3A_936 : memref<1x128xf32, #tpu.memory_space<vmem>> -> memref<128xf32, #tpu.memory_space<vmem>>
        %dma_wait3A_938 = arith.constant 256 : i32
        %dma_wait3A_939 = tpu.memref_slice %arg8[%dma_wait3A_933, %dma_wait3A_938] : memref<8x512xi32, #tpu.memory_space<vmem>> -> memref<1x128xi32, #tpu.memory_space<vmem>>
        %dma_wait3A_940 = tpu.memref_squeeze %dma_wait3A_939 : memref<1x128xi32, #tpu.memory_space<vmem>> -> memref<128xi32, #tpu.memory_space<vmem>>
        %dma_wait3A_941 = arith.constant 0 : i32
        %dma_wait3A_942 = tpu.memref_slice %arg5[%dma_wait3A_941] : memref<1000000xf32, #tpu.memory_space<vmem_shared>> -> memref<1000000xf32, #tpu.memory_space<vmem_shared>>
        tpu.wait_indirect_dma semaphore(%arg12 : memref<!tpu.dma_semaphore, #tpu.memory_space<semaphore_mem>>) src(%dma_wait3A_942 : memref<1000000xf32, #tpu.memory_space<vmem_shared>>) dst(%dma_wait3A_937 : memref<128xf32, #tpu.memory_space<vmem>>)
        %dma_wait3A_943 = arith.constant 6 : i32
        %dma_wait3A_944 = arith.constant 6 : i32
        %dma_wait3A_945 = arith.constant 384 : i32
        %dma_wait3A_946 = tpu.memref_slice %arg10[%dma_wait3A_944, %dma_wait3A_945] : memref<8x512xf32, #tpu.memory_space<vmem>> -> memref<1x128xf32, #tpu.memory_space<vmem>>
        %dma_wait3A_947 = tpu.memref_squeeze %dma_wait3A_946 : memref<1x128xf32, #tpu.memory_space<vmem>> -> memref<128xf32, #tpu.memory_space<vmem>>
        %dma_wait3A_948 = arith.constant 384 : i32
        %dma_wait3A_949 = tpu.memref_slice %arg8[%dma_wait3A_943, %dma_wait3A_948] : memref<8x512xi32, #tpu.memory_space<vmem>> -> memref<1x128xi32, #tpu.memory_space<vmem>>
        %dma_wait3A_950 = tpu.memref_squeeze %dma_wait3A_949 : memref<1x128xi32, #tpu.memory_space<vmem>> -> memref<128xi32, #tpu.memory_space<vmem>>
        %dma_wait3A_951 = arith.constant 0 : i32
        %dma_wait3A_952 = tpu.memref_slice %arg5[%dma_wait3A_951] : memref<1000000xf32, #tpu.memory_space<vmem_shared>> -> memref<1000000xf32, #tpu.memory_space<vmem_shared>>
        tpu.wait_indirect_dma semaphore(%arg12 : memref<!tpu.dma_semaphore, #tpu.memory_space<semaphore_mem>>) src(%dma_wait3A_952 : memref<1000000xf32, #tpu.memory_space<vmem_shared>>) dst(%dma_wait3A_947 : memref<128xf32, #tpu.memory_space<vmem>>)
        %dma_wait3A_953 = arith.constant 7 : i32
        %dma_wait3A_954 = arith.constant 7 : i32
        %dma_wait3A_955 = arith.constant 0 : i32
        %dma_wait3A_956 = tpu.memref_slice %arg10[%dma_wait3A_954, %dma_wait3A_955] : memref<8x512xf32, #tpu.memory_space<vmem>> -> memref<1x128xf32, #tpu.memory_space<vmem>>
        %dma_wait3A_957 = tpu.memref_squeeze %dma_wait3A_956 : memref<1x128xf32, #tpu.memory_space<vmem>> -> memref<128xf32, #tpu.memory_space<vmem>>
        %dma_wait3A_958 = arith.constant 0 : i32
        %dma_wait3A_959 = tpu.memref_slice %arg8[%dma_wait3A_953, %dma_wait3A_958] : memref<8x512xi32, #tpu.memory_space<vmem>> -> memref<1x128xi32, #tpu.memory_space<vmem>>
        %dma_wait3A_960 = tpu.memref_squeeze %dma_wait3A_959 : memref<1x128xi32, #tpu.memory_space<vmem>> -> memref<128xi32, #tpu.memory_space<vmem>>
        %dma_wait3A_961 = arith.constant 0 : i32
        %dma_wait3A_962 = tpu.memref_slice %arg5[%dma_wait3A_961] : memref<1000000xf32, #tpu.memory_space<vmem_shared>> -> memref<1000000xf32, #tpu.memory_space<vmem_shared>>
        tpu.wait_indirect_dma semaphore(%arg12 : memref<!tpu.dma_semaphore, #tpu.memory_space<semaphore_mem>>) src(%dma_wait3A_962 : memref<1000000xf32, #tpu.memory_space<vmem_shared>>) dst(%dma_wait3A_957 : memref<128xf32, #tpu.memory_space<vmem>>)
        %dma_wait3A_963 = arith.constant 7 : i32
        %dma_wait3A_964 = arith.constant 7 : i32
        %dma_wait3A_965 = arith.constant 128 : i32
        %dma_wait3A_966 = tpu.memref_slice %arg10[%dma_wait3A_964, %dma_wait3A_965] : memref<8x512xf32, #tpu.memory_space<vmem>> -> memref<1x128xf32, #tpu.memory_space<vmem>>
        %dma_wait3A_967 = tpu.memref_squeeze %dma_wait3A_966 : memref<1x128xf32, #tpu.memory_space<vmem>> -> memref<128xf32, #tpu.memory_space<vmem>>
        %dma_wait3A_968 = arith.constant 128 : i32
        %dma_wait3A_969 = tpu.memref_slice %arg8[%dma_wait3A_963, %dma_wait3A_968] : memref<8x512xi32, #tpu.memory_space<vmem>> -> memref<1x128xi32, #tpu.memory_space<vmem>>
        %dma_wait3A_970 = tpu.memref_squeeze %dma_wait3A_969 : memref<1x128xi32, #tpu.memory_space<vmem>> -> memref<128xi32, #tpu.memory_space<vmem>>
        %dma_wait3A_971 = arith.constant 0 : i32
        %dma_wait3A_972 = tpu.memref_slice %arg5[%dma_wait3A_971] : memref<1000000xf32, #tpu.memory_space<vmem_shared>> -> memref<1000000xf32, #tpu.memory_space<vmem_shared>>
        tpu.wait_indirect_dma semaphore(%arg12 : memref<!tpu.dma_semaphore, #tpu.memory_space<semaphore_mem>>) src(%dma_wait3A_972 : memref<1000000xf32, #tpu.memory_space<vmem_shared>>) dst(%dma_wait3A_967 : memref<128xf32, #tpu.memory_space<vmem>>)
        %dma_wait3A_973 = arith.constant 7 : i32
        %dma_wait3A_974 = arith.constant 7 : i32
        %dma_wait3A_975 = arith.constant 256 : i32
        %dma_wait3A_976 = tpu.memref_slice %arg10[%dma_wait3A_974, %dma_wait3A_975] : memref<8x512xf32, #tpu.memory_space<vmem>> -> memref<1x128xf32, #tpu.memory_space<vmem>>
        %dma_wait3A_977 = tpu.memref_squeeze %dma_wait3A_976 : memref<1x128xf32, #tpu.memory_space<vmem>> -> memref<128xf32, #tpu.memory_space<vmem>>
        %dma_wait3A_978 = arith.constant 256 : i32
        %dma_wait3A_979 = tpu.memref_slice %arg8[%dma_wait3A_973, %dma_wait3A_978] : memref<8x512xi32, #tpu.memory_space<vmem>> -> memref<1x128xi32, #tpu.memory_space<vmem>>
        %dma_wait3A_980 = tpu.memref_squeeze %dma_wait3A_979 : memref<1x128xi32, #tpu.memory_space<vmem>> -> memref<128xi32, #tpu.memory_space<vmem>>
        %dma_wait3A_981 = arith.constant 0 : i32
        %dma_wait3A_982 = tpu.memref_slice %arg5[%dma_wait3A_981] : memref<1000000xf32, #tpu.memory_space<vmem_shared>> -> memref<1000000xf32, #tpu.memory_space<vmem_shared>>
        tpu.wait_indirect_dma semaphore(%arg12 : memref<!tpu.dma_semaphore, #tpu.memory_space<semaphore_mem>>) src(%dma_wait3A_982 : memref<1000000xf32, #tpu.memory_space<vmem_shared>>) dst(%dma_wait3A_977 : memref<128xf32, #tpu.memory_space<vmem>>)
        %dma_wait3A_983 = arith.constant 7 : i32
        %dma_wait3A_984 = arith.constant 7 : i32
        %dma_wait3A_985 = arith.constant 384 : i32
        %dma_wait3A_986 = tpu.memref_slice %arg10[%dma_wait3A_984, %dma_wait3A_985] : memref<8x512xf32, #tpu.memory_space<vmem>> -> memref<1x128xf32, #tpu.memory_space<vmem>>
        %dma_wait3A_987 = tpu.memref_squeeze %dma_wait3A_986 : memref<1x128xf32, #tpu.memory_space<vmem>> -> memref<128xf32, #tpu.memory_space<vmem>>
        %dma_wait3A_988 = arith.constant 384 : i32
        %dma_wait3A_989 = tpu.memref_slice %arg8[%dma_wait3A_983, %dma_wait3A_988] : memref<8x512xi32, #tpu.memory_space<vmem>> -> memref<1x128xi32, #tpu.memory_space<vmem>>
        %dma_wait3A_990 = tpu.memref_squeeze %dma_wait3A_989 : memref<1x128xi32, #tpu.memory_space<vmem>> -> memref<128xi32, #tpu.memory_space<vmem>>
        %dma_wait3A_991 = arith.constant 0 : i32
        %dma_wait3A_992 = tpu.memref_slice %arg5[%dma_wait3A_991] : memref<1000000xf32, #tpu.memory_space<vmem_shared>> -> memref<1000000xf32, #tpu.memory_space<vmem_shared>>
        tpu.wait_indirect_dma semaphore(%arg12 : memref<!tpu.dma_semaphore, #tpu.memory_space<semaphore_mem>>) src(%dma_wait3A_992 : memref<1000000xf32, #tpu.memory_space<vmem_shared>>) dst(%dma_wait3A_987 : memref<128xf32, #tpu.memory_space<vmem>>)
        %jit3A_993 = arith.constant 32 : i32
        %div3A_994 = arith.divsi %add3A_290, %jit3A_993 : i32
        %sign3A_995 = arith.constant 0 : i32
        %sign3A_996 = arith.cmpi sgt, %add3A_290, %sign3A_995 : i32
        %sign3A_997 = arith.extui %sign3A_996 : i1 to i32
        %sign3A_998 = arith.constant 0 : i32
        %sign3A_999 = arith.cmpi slt, %add3A_290, %sign3A_998 : i32
        %sign3A_1000 = arith.extui %sign3A_999 : i1 to i32
        %sign3A_1001 = arith.subi %sign3A_997, %sign3A_1000 : i32
        %sign3A_1002 = arith.constant 0 : i32
        %sign3A_1003 = arith.cmpi sgt, %jit3A_993, %sign3A_1002 : i32
        %sign3A_1004 = arith.extui %sign3A_1003 : i1 to i32
        %sign3A_1005 = arith.constant 0 : i32
        %sign3A_1006 = arith.cmpi slt, %jit3A_993, %sign3A_1005 : i32
        %sign3A_1007 = arith.extui %sign3A_1006 : i1 to i32
        %sign3A_1008 = arith.subi %sign3A_1004, %sign3A_1007 : i32
        %ne3A_1009 = arith.cmpi ne, %sign3A_1001, %sign3A_1008 : i32
        %rem3A_1010 = arith.remsi %add3A_290, %jit3A_993 : i32
        %ne3A_1011 = arith.constant 0 : i32
        %ne3A_1012 = arith.cmpi ne, %rem3A_1010, %ne3A_1011 : i32
        %and3A_1013 = arith.andi %ne3A_1009, %ne3A_1012 : i1
        %sub3A_1014 = arith.constant 1 : i32
        %sub3A_1015 = arith.subi %div3A_994, %sub3A_1014 : i32
        %select_n3A_1016 = arith.select %and3A_1013, %sub3A_1015, %div3A_994 : i32
        %jit3A_1017 = arith.constant 32 : i32
        %eq3A_1018 = arith.constant 0 : i32
        %eq3A_1019 = arith.cmpi eq, %jit3A_1017, %eq3A_1018 : i32
        %jit3A_1020 = arith.constant 1 : i32
        %select_n3A_1021 = arith.select %eq3A_1019, %jit3A_1020, %jit3A_1017 : i32
        %rem3A_1022 = arith.remsi %add3A_290, %select_n3A_1021 : i32
        %ne3A_1023 = arith.constant 0 : i32
        %ne3A_1024 = arith.cmpi ne, %rem3A_1022, %ne3A_1023 : i32
        %lt3A_1025 = arith.constant 0 : i32
        %lt3A_1026 = arith.cmpi slt, %rem3A_1022, %lt3A_1025 : i32
        %lt3A_1027 = arith.constant 0 : i32
        %lt3A_1028 = arith.cmpi slt, %select_n3A_1021, %lt3A_1027 : i32
        %ne3A_1029 = arith.xori %lt3A_1026, %lt3A_1028 : i1
        %and3A_1030 = arith.andi %ne3A_1029, %ne3A_1024 : i1
        %add3A_1031 = arith.addi %rem3A_1022, %select_n3A_1021 : i32
        %select_n3A_1032 = arith.select %and3A_1030, %add3A_1031, %rem3A_1022 : i32
        %mul3A_1033 = arith.constant 512 : i32
        %mul3A_1034 = arith.muli %select_n3A_1032, %mul3A_1033 : i32
        %dma_start3A_1035 = tpu.memref_reshape %arg4 : memref<200x16384xf32, #tpu.memory_space<hbm>> -> memref<25x8x16384xf32, #tpu.memory_space<hbm>>
        %dma_start3A_1036 = arith.constant 0 : i32
        %dma_start3A_1037 = tpu.memref_slice %dma_start3A_1035[%select_n3A_1016, %dma_start3A_1036, %mul3A_1034] : memref<25x8x16384xf32, #tpu.memory_space<hbm>> -> memref<1x8x512xf32, #tpu.memory_space<hbm>>
        %dma_start3A_1038 = tpu.memref_squeeze %dma_start3A_1037 : memref<1x8x512xf32, #tpu.memory_space<hbm>> -> memref<8x512xf32, #tpu.memory_space<hbm>>
        %dma_start3A_1039 = tpu.memref_reshape %arg4 : memref<200x16384xf32, #tpu.memory_space<hbm>> -> memref<25x8x16384xf32, #tpu.memory_space<hbm>>
        %dma_start3A_1040 = arith.constant 0 : i32
        %dma_start3A_1041 = tpu.memref_slice %dma_start3A_1039[%select_n3A_1016, %dma_start3A_1040, %mul3A_1034] : memref<25x8x16384xf32, #tpu.memory_space<hbm>> -> memref<1x8x512xf32, #tpu.memory_space<hbm>>
        %dma_start3A_1042 = tpu.memref_squeeze %dma_start3A_1041 : memref<1x8x512xf32, #tpu.memory_space<hbm>> -> memref<8x512xf32, #tpu.memory_space<hbm>>
        tpu.enqueue_dma source(%arg10 : memref<8x512xf32, #tpu.memory_space<vmem>>) target(%dma_start3A_1042 : memref<8x512xf32, #tpu.memory_space<hbm>>) target_semaphore(%arg15 : memref<!tpu.dma_semaphore, #tpu.memory_space<semaphore_mem>>)
      } else {
      }
      %rem3A_283 = arith.constant 2 : i32
      %rem3A_284 = arith.remsi %scan3A_275, %rem3A_283 : i32
      %eq3A_285 = arith.constant 1 : i32
      %eq3A_286 = arith.cmpi eq, %rem3A_284, %eq3A_285 : i32
      %convert_element_type3A_287 = arith.extui %eq3A_286 : i1 to i32
      %cond3A_288 = arith.constant 0 : i32
      %cond3A_289 = arith.cmpi ne, %convert_element_type3A_287, %cond3A_288 : i32
      scf.if %cond3A_289 {
        %add3A_290 = arith.addi %mul3A_164, %scan3A_275 : i32
        %add3A_291 = arith.constant 1 : i32
        %add3A_292 = arith.addi %scan3A_275, %add3A_291 : i32
        %lt3A_293 = arith.constant 25 : i32
        %lt3A_294 = arith.cmpi slt, %add3A_292, %lt3A_293 : i32
        %convert_element_type3A_295 = arith.extui %lt3A_294 : i1 to i32
        %cond3A_296 = arith.constant 0 : i32
        %cond3A_297 = arith.cmpi ne, %convert_element_type3A_295, %cond3A_296 : i32
        scf.if %cond3A_297 {
          %add3A_1043 = arith.constant 1 : i32
          %add3A_1044 = arith.addi %add3A_290, %add3A_1043 : i32
          %jit3A_1045 = arith.constant 32 : i32
          %div3A_1046 = arith.divsi %add3A_1044, %jit3A_1045 : i32
          %sign3A_1047 = arith.constant 0 : i32
          %sign3A_1048 = arith.cmpi sgt, %add3A_1044, %sign3A_1047 : i32
          %sign3A_1049 = arith.extui %sign3A_1048 : i1 to i32
          %sign3A_1050 = arith.constant 0 : i32
          %sign3A_1051 = arith.cmpi slt, %add3A_1044, %sign3A_1050 : i32
          %sign3A_1052 = arith.extui %sign3A_1051 : i1 to i32
          %sign3A_1053 = arith.subi %sign3A_1049, %sign3A_1052 : i32
          %sign3A_1054 = arith.constant 0 : i32
          %sign3A_1055 = arith.cmpi sgt, %jit3A_1045, %sign3A_1054 : i32
          %sign3A_1056 = arith.extui %sign3A_1055 : i1 to i32
          %sign3A_1057 = arith.constant 0 : i32
          %sign3A_1058 = arith.cmpi slt, %jit3A_1045, %sign3A_1057 : i32
          %sign3A_1059 = arith.extui %sign3A_1058 : i1 to i32
          %sign3A_1060 = arith.subi %sign3A_1056, %sign3A_1059 : i32
          %ne3A_1061 = arith.cmpi ne, %sign3A_1053, %sign3A_1060 : i32
          %rem3A_1062 = arith.remsi %add3A_1044, %jit3A_1045 : i32
          %ne3A_1063 = arith.constant 0 : i32
          %ne3A_1064 = arith.cmpi ne, %rem3A_1062, %ne3A_1063 : i32
          %and3A_1065 = arith.andi %ne3A_1061, %ne3A_1064 : i1
          %sub3A_1066 = arith.constant 1 : i32
          %sub3A_1067 = arith.subi %div3A_1046, %sub3A_1066 : i32
          %select_n3A_1068 = arith.select %and3A_1065, %sub3A_1067, %div3A_1046 : i32
          %jit3A_1069 = arith.constant 32 : i32
          %eq3A_1070 = arith.constant 0 : i32
          %eq3A_1071 = arith.cmpi eq, %jit3A_1069, %eq3A_1070 : i32
          %jit3A_1072 = arith.constant 1 : i32
          %select_n3A_1073 = arith.select %eq3A_1071, %jit3A_1072, %jit3A_1069 : i32
          %rem3A_1074 = arith.remsi %add3A_1044, %select_n3A_1073 : i32
          %ne3A_1075 = arith.constant 0 : i32
          %ne3A_1076 = arith.cmpi ne, %rem3A_1074, %ne3A_1075 : i32
          %lt3A_1077 = arith.constant 0 : i32
          %lt3A_1078 = arith.cmpi slt, %rem3A_1074, %lt3A_1077 : i32
          %lt3A_1079 = arith.constant 0 : i32
          %lt3A_1080 = arith.cmpi slt, %select_n3A_1073, %lt3A_1079 : i32
          %ne3A_1081 = arith.xori %lt3A_1078, %lt3A_1080 : i1
          %and3A_1082 = arith.andi %ne3A_1081, %ne3A_1076 : i1
          %add3A_1083 = arith.addi %rem3A_1074, %select_n3A_1073 : i32
          %select_n3A_1084 = arith.select %and3A_1082, %add3A_1083, %rem3A_1074 : i32
          %mul3A_1085 = arith.constant 512 : i32
          %mul3A_1086 = arith.muli %select_n3A_1084, %mul3A_1085 : i32
          %dma_start3A_1087 = tpu.memref_reshape %arg3 : memref<200x16384xi32, #tpu.memory_space<hbm>> -> memref<25x8x16384xi32, #tpu.memory_space<hbm>>
          %dma_start3A_1088 = arith.constant 0 : i32
          %dma_start3A_1089 = tpu.memref_slice %dma_start3A_1087[%select_n3A_1068, %dma_start3A_1088, %mul3A_1086] : memref<25x8x16384xi32, #tpu.memory_space<hbm>> -> memref<1x8x512xi32, #tpu.memory_space<hbm>>
          %dma_start3A_1090 = tpu.memref_squeeze %dma_start3A_1089 : memref<1x8x512xi32, #tpu.memory_space<hbm>> -> memref<8x512xi32, #tpu.memory_space<hbm>>
          %dma_start3A_1091 = tpu.memref_reshape %arg3 : memref<200x16384xi32, #tpu.memory_space<hbm>> -> memref<25x8x16384xi32, #tpu.memory_space<hbm>>
          %dma_start3A_1092 = arith.constant 0 : i32
          %dma_start3A_1093 = tpu.memref_slice %dma_start3A_1091[%select_n3A_1068, %dma_start3A_1092, %mul3A_1086] : memref<25x8x16384xi32, #tpu.memory_space<hbm>> -> memref<1x8x512xi32, #tpu.memory_space<hbm>>
          %dma_start3A_1094 = tpu.memref_squeeze %dma_start3A_1093 : memref<1x8x512xi32, #tpu.memory_space<hbm>> -> memref<8x512xi32, #tpu.memory_space<hbm>>
          tpu.enqueue_dma source(%dma_start3A_1094 : memref<8x512xi32, #tpu.memory_space<hbm>>) target(%arg8 : memref<8x512xi32, #tpu.memory_space<vmem>>) target_semaphore(%arg13 : memref<!tpu.dma_semaphore, #tpu.memory_space<semaphore_mem>>)
        } else {
        }
        %jit3A_298 = arith.constant 32 : i32
        %div3A_299 = arith.divsi %add3A_290, %jit3A_298 : i32
        %sign3A_300 = arith.constant 0 : i32
        %sign3A_301 = arith.cmpi sgt, %add3A_290, %sign3A_300 : i32
        %sign3A_302 = arith.extui %sign3A_301 : i1 to i32
        %sign3A_303 = arith.constant 0 : i32
        %sign3A_304 = arith.cmpi slt, %add3A_290, %sign3A_303 : i32
        %sign3A_305 = arith.extui %sign3A_304 : i1 to i32
        %sign3A_306 = arith.subi %sign3A_302, %sign3A_305 : i32
        %sign3A_307 = arith.constant 0 : i32
        %sign3A_308 = arith.cmpi sgt, %jit3A_298, %sign3A_307 : i32
        %sign3A_309 = arith.extui %sign3A_308 : i1 to i32
        %sign3A_310 = arith.constant 0 : i32
        %sign3A_311 = arith.cmpi slt, %jit3A_298, %sign3A_310 : i32
        %sign3A_312 = arith.extui %sign3A_311 : i1 to i32
        %sign3A_313 = arith.subi %sign3A_309, %sign3A_312 : i32
        %ne3A_314 = arith.cmpi ne, %sign3A_306, %sign3A_313 : i32
        %rem3A_315 = arith.remsi %add3A_290, %jit3A_298 : i32
        %ne3A_316 = arith.constant 0 : i32
        %ne3A_317 = arith.cmpi ne, %rem3A_315, %ne3A_316 : i32
        %and3A_318 = arith.andi %ne3A_314, %ne3A_317 : i1
        %sub3A_319 = arith.constant 1 : i32
        %sub3A_320 = arith.subi %div3A_299, %sub3A_319 : i32
        %select_n3A_321 = arith.select %and3A_318, %sub3A_320, %div3A_299 : i32
        %jit3A_322 = arith.constant 32 : i32
        %eq3A_323 = arith.constant 0 : i32
        %eq3A_324 = arith.cmpi eq, %jit3A_322, %eq3A_323 : i32
        %jit3A_325 = arith.constant 1 : i32
        %select_n3A_326 = arith.select %eq3A_324, %jit3A_325, %jit3A_322 : i32
        %rem3A_327 = arith.remsi %add3A_290, %select_n3A_326 : i32
        %ne3A_328 = arith.constant 0 : i32
        %ne3A_329 = arith.cmpi ne, %rem3A_327, %ne3A_328 : i32
        %lt3A_330 = arith.constant 0 : i32
        %lt3A_331 = arith.cmpi slt, %rem3A_327, %lt3A_330 : i32
        %lt3A_332 = arith.constant 0 : i32
        %lt3A_333 = arith.cmpi slt, %select_n3A_326, %lt3A_332 : i32
        %ne3A_334 = arith.xori %lt3A_331, %lt3A_333 : i1
        %and3A_335 = arith.andi %ne3A_334, %ne3A_329 : i1
        %add3A_336 = arith.addi %rem3A_327, %select_n3A_326 : i32
        %select_n3A_337 = arith.select %and3A_335, %add3A_336, %rem3A_327 : i32
        %mul3A_338 = arith.constant 512 : i32
        %mul3A_339 = arith.muli %select_n3A_337, %mul3A_338 : i32
        %dma_wait3A_340 = tpu.memref_reshape %arg3 : memref<200x16384xi32, #tpu.memory_space<hbm>> -> memref<25x8x16384xi32, #tpu.memory_space<hbm>>
        %dma_wait3A_341 = arith.constant 0 : i32
        %dma_wait3A_342 = tpu.memref_slice %dma_wait3A_340[%select_n3A_321, %dma_wait3A_341, %mul3A_339] : memref<25x8x16384xi32, #tpu.memory_space<hbm>> -> memref<1x8x512xi32, #tpu.memory_space<hbm>>
        %dma_wait3A_343 = tpu.memref_squeeze %dma_wait3A_342 : memref<1x8x512xi32, #tpu.memory_space<hbm>> -> memref<8x512xi32, #tpu.memory_space<hbm>>
        %dma_wait3A_344 = tpu.memref_reshape %arg3 : memref<200x16384xi32, #tpu.memory_space<hbm>> -> memref<25x8x16384xi32, #tpu.memory_space<hbm>>
        %dma_wait3A_345 = arith.constant 0 : i32
        %dma_wait3A_346 = tpu.memref_slice %dma_wait3A_344[%select_n3A_321, %dma_wait3A_345, %mul3A_339] : memref<25x8x16384xi32, #tpu.memory_space<hbm>> -> memref<1x8x512xi32, #tpu.memory_space<hbm>>
        %dma_wait3A_347 = tpu.memref_squeeze %dma_wait3A_346 : memref<1x8x512xi32, #tpu.memory_space<hbm>> -> memref<8x512xi32, #tpu.memory_space<hbm>>
        tpu.wait_dma2 semaphore(%arg14 : memref<!tpu.dma_semaphore, #tpu.memory_space<semaphore_mem>>) src(%dma_wait3A_347 : memref<8x512xi32, #tpu.memory_space<hbm>>) dst(%arg9 : memref<8x512xi32, #tpu.memory_space<vmem>>)
        %ge3A_348 = arith.constant 2 : i32
        %ge3A_349 = arith.cmpi sge, %scan3A_275, %ge3A_348 : i32
        %convert_element_type3A_350 = arith.extui %ge3A_349 : i1 to i32
        %cond3A_351 = arith.constant 0 : i32
        %cond3A_352 = arith.cmpi ne, %convert_element_type3A_350, %cond3A_351 : i32
        scf.if %cond3A_352 {
          %jit3A_1043 = arith.constant 32 : i32
          %div3A_1044 = arith.divsi %add3A_290, %jit3A_1043 : i32
          %sign3A_1045 = arith.constant 0 : i32
          %sign3A_1046 = arith.cmpi sgt, %add3A_290, %sign3A_1045 : i32
          %sign3A_1047 = arith.extui %sign3A_1046 : i1 to i32
          %sign3A_1048 = arith.constant 0 : i32
          %sign3A_1049 = arith.cmpi slt, %add3A_290, %sign3A_1048 : i32
          %sign3A_1050 = arith.extui %sign3A_1049 : i1 to i32
          %sign3A_1051 = arith.subi %sign3A_1047, %sign3A_1050 : i32
          %sign3A_1052 = arith.constant 0 : i32
          %sign3A_1053 = arith.cmpi sgt, %jit3A_1043, %sign3A_1052 : i32
          %sign3A_1054 = arith.extui %sign3A_1053 : i1 to i32
          %sign3A_1055 = arith.constant 0 : i32
          %sign3A_1056 = arith.cmpi slt, %jit3A_1043, %sign3A_1055 : i32
          %sign3A_1057 = arith.extui %sign3A_1056 : i1 to i32
          %sign3A_1058 = arith.subi %sign3A_1054, %sign3A_1057 : i32
          %ne3A_1059 = arith.cmpi ne, %sign3A_1051, %sign3A_1058 : i32
          %rem3A_1060 = arith.remsi %add3A_290, %jit3A_1043 : i32
          %ne3A_1061 = arith.constant 0 : i32
          %ne3A_1062 = arith.cmpi ne, %rem3A_1060, %ne3A_1061 : i32
          %and3A_1063 = arith.andi %ne3A_1059, %ne3A_1062 : i1
          %sub3A_1064 = arith.constant 1 : i32
          %sub3A_1065 = arith.subi %div3A_1044, %sub3A_1064 : i32
          %select_n3A_1066 = arith.select %and3A_1063, %sub3A_1065, %div3A_1044 : i32
          %jit3A_1067 = arith.constant 32 : i32
          %eq3A_1068 = arith.constant 0 : i32
          %eq3A_1069 = arith.cmpi eq, %jit3A_1067, %eq3A_1068 : i32
          %jit3A_1070 = arith.constant 1 : i32
          %select_n3A_1071 = arith.select %eq3A_1069, %jit3A_1070, %jit3A_1067 : i32
          %rem3A_1072 = arith.remsi %add3A_290, %select_n3A_1071 : i32
          %ne3A_1073 = arith.constant 0 : i32
          %ne3A_1074 = arith.cmpi ne, %rem3A_1072, %ne3A_1073 : i32
          %lt3A_1075 = arith.constant 0 : i32
          %lt3A_1076 = arith.cmpi slt, %rem3A_1072, %lt3A_1075 : i32
          %lt3A_1077 = arith.constant 0 : i32
          %lt3A_1078 = arith.cmpi slt, %select_n3A_1071, %lt3A_1077 : i32
          %ne3A_1079 = arith.xori %lt3A_1076, %lt3A_1078 : i1
          %and3A_1080 = arith.andi %ne3A_1079, %ne3A_1074 : i1
          %add3A_1081 = arith.addi %rem3A_1072, %select_n3A_1071 : i32
          %select_n3A_1082 = arith.select %and3A_1080, %add3A_1081, %rem3A_1072 : i32
          %mul3A_1083 = arith.constant 512 : i32
          %mul3A_1084 = arith.muli %select_n3A_1082, %mul3A_1083 : i32
          %dma_wait3A_1085 = tpu.memref_reshape %arg4 : memref<200x16384xf32, #tpu.memory_space<hbm>> -> memref<25x8x16384xf32, #tpu.memory_space<hbm>>
          %dma_wait3A_1086 = arith.constant 0 : i32
          %dma_wait3A_1087 = tpu.memref_slice %dma_wait3A_1085[%select_n3A_1066, %dma_wait3A_1086, %mul3A_1084] : memref<25x8x16384xf32, #tpu.memory_space<hbm>> -> memref<1x8x512xf32, #tpu.memory_space<hbm>>
          %dma_wait3A_1088 = tpu.memref_squeeze %dma_wait3A_1087 : memref<1x8x512xf32, #tpu.memory_space<hbm>> -> memref<8x512xf32, #tpu.memory_space<hbm>>
          %dma_wait3A_1089 = tpu.memref_reshape %arg4 : memref<200x16384xf32, #tpu.memory_space<hbm>> -> memref<25x8x16384xf32, #tpu.memory_space<hbm>>
          %dma_wait3A_1090 = arith.constant 0 : i32
          %dma_wait3A_1091 = tpu.memref_slice %dma_wait3A_1089[%select_n3A_1066, %dma_wait3A_1090, %mul3A_1084] : memref<25x8x16384xf32, #tpu.memory_space<hbm>> -> memref<1x8x512xf32, #tpu.memory_space<hbm>>
          %dma_wait3A_1092 = tpu.memref_squeeze %dma_wait3A_1091 : memref<1x8x512xf32, #tpu.memory_space<hbm>> -> memref<8x512xf32, #tpu.memory_space<hbm>>
          tpu.wait_dma2 semaphore(%arg16 : memref<!tpu.dma_semaphore, #tpu.memory_space<semaphore_mem>>) src(%arg11 : memref<8x512xf32, #tpu.memory_space<vmem>>) dst(%dma_wait3A_1092 : memref<8x512xf32, #tpu.memory_space<hbm>>)
        } else {
        }
        %dma_start3A_353 = arith.constant 0 : i32
        %dma_start3A_354 = arith.constant 0 : i32
        %dma_start3A_355 = arith.constant 0 : i32
        %dma_start3A_356 = tpu.memref_slice %arg11[%dma_start3A_354, %dma_start3A_355] : memref<8x512xf32, #tpu.memory_space<vmem>> -> memref<1x128xf32, #tpu.memory_space<vmem>>
        %dma_start3A_357 = tpu.memref_squeeze %dma_start3A_356 : memref<1x128xf32, #tpu.memory_space<vmem>> -> memref<128xf32, #tpu.memory_space<vmem>>
        %dma_start3A_358 = arith.constant 0 : i32
        %dma_start3A_359 = tpu.memref_slice %arg9[%dma_start3A_353, %dma_start3A_358] : memref<8x512xi32, #tpu.memory_space<vmem>> -> memref<1x128xi32, #tpu.memory_space<vmem>>
        %dma_start3A_360 = tpu.memref_squeeze %dma_start3A_359 : memref<1x128xi32, #tpu.memory_space<vmem>> -> memref<128xi32, #tpu.memory_space<vmem>>
        %dma_start3A_361 = arith.constant 0 : i32
        %dma_start3A_362 = tpu.memref_slice %arg5[%dma_start3A_361] : memref<1000000xf32, #tpu.memory_space<vmem_shared>> -> memref<1000000xf32, #tpu.memory_space<vmem_shared>>
        tpu.enqueue_indirect_dma source(%dma_start3A_362 : memref<1000000xf32, #tpu.memory_space<vmem_shared>>) target(%dma_start3A_357 : memref<128xf32, #tpu.memory_space<vmem>>) offsets(%dma_start3A_360 : memref<128xi32, #tpu.memory_space<vmem>>) semaphore(%arg12 : memref<!tpu.dma_semaphore, #tpu.memory_space<semaphore_mem>>)
        %dma_start3A_363 = arith.constant 0 : i32
        %dma_start3A_364 = arith.constant 0 : i32
        %dma_start3A_365 = arith.constant 128 : i32
        %dma_start3A_366 = tpu.memref_slice %arg11[%dma_start3A_364, %dma_start3A_365] : memref<8x512xf32, #tpu.memory_space<vmem>> -> memref<1x128xf32, #tpu.memory_space<vmem>>
        %dma_start3A_367 = tpu.memref_squeeze %dma_start3A_366 : memref<1x128xf32, #tpu.memory_space<vmem>> -> memref<128xf32, #tpu.memory_space<vmem>>
        %dma_start3A_368 = arith.constant 128 : i32
        %dma_start3A_369 = tpu.memref_slice %arg9[%dma_start3A_363, %dma_start3A_368] : memref<8x512xi32, #tpu.memory_space<vmem>> -> memref<1x128xi32, #tpu.memory_space<vmem>>
        %dma_start3A_370 = tpu.memref_squeeze %dma_start3A_369 : memref<1x128xi32, #tpu.memory_space<vmem>> -> memref<128xi32, #tpu.memory_space<vmem>>
        %dma_start3A_371 = arith.constant 0 : i32
        %dma_start3A_372 = tpu.memref_slice %arg5[%dma_start3A_371] : memref<1000000xf32, #tpu.memory_space<vmem_shared>> -> memref<1000000xf32, #tpu.memory_space<vmem_shared>>
        tpu.enqueue_indirect_dma source(%dma_start3A_372 : memref<1000000xf32, #tpu.memory_space<vmem_shared>>) target(%dma_start3A_367 : memref<128xf32, #tpu.memory_space<vmem>>) offsets(%dma_start3A_370 : memref<128xi32, #tpu.memory_space<vmem>>) semaphore(%arg12 : memref<!tpu.dma_semaphore, #tpu.memory_space<semaphore_mem>>)
        %dma_start3A_373 = arith.constant 0 : i32
        %dma_start3A_374 = arith.constant 0 : i32
        %dma_start3A_375 = arith.constant 256 : i32
        %dma_start3A_376 = tpu.memref_slice %arg11[%dma_start3A_374, %dma_start3A_375] : memref<8x512xf32, #tpu.memory_space<vmem>> -> memref<1x128xf32, #tpu.memory_space<vmem>>
        %dma_start3A_377 = tpu.memref_squeeze %dma_start3A_376 : memref<1x128xf32, #tpu.memory_space<vmem>> -> memref<128xf32, #tpu.memory_space<vmem>>
        %dma_start3A_378 = arith.constant 256 : i32
        %dma_start3A_379 = tpu.memref_slice %arg9[%dma_start3A_373, %dma_start3A_378] : memref<8x512xi32, #tpu.memory_space<vmem>> -> memref<1x128xi32, #tpu.memory_space<vmem>>
        %dma_start3A_380 = tpu.memref_squeeze %dma_start3A_379 : memref<1x128xi32, #tpu.memory_space<vmem>> -> memref<128xi32, #tpu.memory_space<vmem>>
        %dma_start3A_381 = arith.constant 0 : i32
        %dma_start3A_382 = tpu.memref_slice %arg5[%dma_start3A_381] : memref<1000000xf32, #tpu.memory_space<vmem_shared>> -> memref<1000000xf32, #tpu.memory_space<vmem_shared>>
        tpu.enqueue_indirect_dma source(%dma_start3A_382 : memref<1000000xf32, #tpu.memory_space<vmem_shared>>) target(%dma_start3A_377 : memref<128xf32, #tpu.memory_space<vmem>>) offsets(%dma_start3A_380 : memref<128xi32, #tpu.memory_space<vmem>>) semaphore(%arg12 : memref<!tpu.dma_semaphore, #tpu.memory_space<semaphore_mem>>)
        %dma_start3A_383 = arith.constant 0 : i32
        %dma_start3A_384 = arith.constant 0 : i32
        %dma_start3A_385 = arith.constant 384 : i32
        %dma_start3A_386 = tpu.memref_slice %arg11[%dma_start3A_384, %dma_start3A_385] : memref<8x512xf32, #tpu.memory_space<vmem>> -> memref<1x128xf32, #tpu.memory_space<vmem>>
        %dma_start3A_387 = tpu.memref_squeeze %dma_start3A_386 : memref<1x128xf32, #tpu.memory_space<vmem>> -> memref<128xf32, #tpu.memory_space<vmem>>
        %dma_start3A_388 = arith.constant 384 : i32
        %dma_start3A_389 = tpu.memref_slice %arg9[%dma_start3A_383, %dma_start3A_388] : memref<8x512xi32, #tpu.memory_space<vmem>> -> memref<1x128xi32, #tpu.memory_space<vmem>>
        %dma_start3A_390 = tpu.memref_squeeze %dma_start3A_389 : memref<1x128xi32, #tpu.memory_space<vmem>> -> memref<128xi32, #tpu.memory_space<vmem>>
        %dma_start3A_391 = arith.constant 0 : i32
        %dma_start3A_392 = tpu.memref_slice %arg5[%dma_start3A_391] : memref<1000000xf32, #tpu.memory_space<vmem_shared>> -> memref<1000000xf32, #tpu.memory_space<vmem_shared>>
        tpu.enqueue_indirect_dma source(%dma_start3A_392 : memref<1000000xf32, #tpu.memory_space<vmem_shared>>) target(%dma_start3A_387 : memref<128xf32, #tpu.memory_space<vmem>>) offsets(%dma_start3A_390 : memref<128xi32, #tpu.memory_space<vmem>>) semaphore(%arg12 : memref<!tpu.dma_semaphore, #tpu.memory_space<semaphore_mem>>)
        %dma_start3A_393 = arith.constant 1 : i32
        %dma_start3A_394 = arith.constant 1 : i32
        %dma_start3A_395 = arith.constant 0 : i32
        %dma_start3A_396 = tpu.memref_slice %arg11[%dma_start3A_394, %dma_start3A_395] : memref<8x512xf32, #tpu.memory_space<vmem>> -> memref<1x128xf32, #tpu.memory_space<vmem>>
        %dma_start3A_397 = tpu.memref_squeeze %dma_start3A_396 : memref<1x128xf32, #tpu.memory_space<vmem>> -> memref<128xf32, #tpu.memory_space<vmem>>
        %dma_start3A_398 = arith.constant 0 : i32
        %dma_start3A_399 = tpu.memref_slice %arg9[%dma_start3A_393, %dma_start3A_398] : memref<8x512xi32, #tpu.memory_space<vmem>> -> memref<1x128xi32, #tpu.memory_space<vmem>>
        %dma_start3A_400 = tpu.memref_squeeze %dma_start3A_399 : memref<1x128xi32, #tpu.memory_space<vmem>> -> memref<128xi32, #tpu.memory_space<vmem>>
        %dma_start3A_401 = arith.constant 0 : i32
        %dma_start3A_402 = tpu.memref_slice %arg5[%dma_start3A_401] : memref<1000000xf32, #tpu.memory_space<vmem_shared>> -> memref<1000000xf32, #tpu.memory_space<vmem_shared>>
        tpu.enqueue_indirect_dma source(%dma_start3A_402 : memref<1000000xf32, #tpu.memory_space<vmem_shared>>) target(%dma_start3A_397 : memref<128xf32, #tpu.memory_space<vmem>>) offsets(%dma_start3A_400 : memref<128xi32, #tpu.memory_space<vmem>>) semaphore(%arg12 : memref<!tpu.dma_semaphore, #tpu.memory_space<semaphore_mem>>)
        %dma_start3A_403 = arith.constant 1 : i32
        %dma_start3A_404 = arith.constant 1 : i32
        %dma_start3A_405 = arith.constant 128 : i32
        %dma_start3A_406 = tpu.memref_slice %arg11[%dma_start3A_404, %dma_start3A_405] : memref<8x512xf32, #tpu.memory_space<vmem>> -> memref<1x128xf32, #tpu.memory_space<vmem>>
        %dma_start3A_407 = tpu.memref_squeeze %dma_start3A_406 : memref<1x128xf32, #tpu.memory_space<vmem>> -> memref<128xf32, #tpu.memory_space<vmem>>
        %dma_start3A_408 = arith.constant 128 : i32
        %dma_start3A_409 = tpu.memref_slice %arg9[%dma_start3A_403, %dma_start3A_408] : memref<8x512xi32, #tpu.memory_space<vmem>> -> memref<1x128xi32, #tpu.memory_space<vmem>>
        %dma_start3A_410 = tpu.memref_squeeze %dma_start3A_409 : memref<1x128xi32, #tpu.memory_space<vmem>> -> memref<128xi32, #tpu.memory_space<vmem>>
        %dma_start3A_411 = arith.constant 0 : i32
        %dma_start3A_412 = tpu.memref_slice %arg5[%dma_start3A_411] : memref<1000000xf32, #tpu.memory_space<vmem_shared>> -> memref<1000000xf32, #tpu.memory_space<vmem_shared>>
        tpu.enqueue_indirect_dma source(%dma_start3A_412 : memref<1000000xf32, #tpu.memory_space<vmem_shared>>) target(%dma_start3A_407 : memref<128xf32, #tpu.memory_space<vmem>>) offsets(%dma_start3A_410 : memref<128xi32, #tpu.memory_space<vmem>>) semaphore(%arg12 : memref<!tpu.dma_semaphore, #tpu.memory_space<semaphore_mem>>)
        %dma_start3A_413 = arith.constant 1 : i32
        %dma_start3A_414 = arith.constant 1 : i32
        %dma_start3A_415 = arith.constant 256 : i32
        %dma_start3A_416 = tpu.memref_slice %arg11[%dma_start3A_414, %dma_start3A_415] : memref<8x512xf32, #tpu.memory_space<vmem>> -> memref<1x128xf32, #tpu.memory_space<vmem>>
        %dma_start3A_417 = tpu.memref_squeeze %dma_start3A_416 : memref<1x128xf32, #tpu.memory_space<vmem>> -> memref<128xf32, #tpu.memory_space<vmem>>
        %dma_start3A_418 = arith.constant 256 : i32
        %dma_start3A_419 = tpu.memref_slice %arg9[%dma_start3A_413, %dma_start3A_418] : memref<8x512xi32, #tpu.memory_space<vmem>> -> memref<1x128xi32, #tpu.memory_space<vmem>>
        %dma_start3A_420 = tpu.memref_squeeze %dma_start3A_419 : memref<1x128xi32, #tpu.memory_space<vmem>> -> memref<128xi32, #tpu.memory_space<vmem>>
        %dma_start3A_421 = arith.constant 0 : i32
        %dma_start3A_422 = tpu.memref_slice %arg5[%dma_start3A_421] : memref<1000000xf32, #tpu.memory_space<vmem_shared>> -> memref<1000000xf32, #tpu.memory_space<vmem_shared>>
        tpu.enqueue_indirect_dma source(%dma_start3A_422 : memref<1000000xf32, #tpu.memory_space<vmem_shared>>) target(%dma_start3A_417 : memref<128xf32, #tpu.memory_space<vmem>>) offsets(%dma_start3A_420 : memref<128xi32, #tpu.memory_space<vmem>>) semaphore(%arg12 : memref<!tpu.dma_semaphore, #tpu.memory_space<semaphore_mem>>)
        %dma_start3A_423 = arith.constant 1 : i32
        %dma_start3A_424 = arith.constant 1 : i32
        %dma_start3A_425 = arith.constant 384 : i32
        %dma_start3A_426 = tpu.memref_slice %arg11[%dma_start3A_424, %dma_start3A_425] : memref<8x512xf32, #tpu.memory_space<vmem>> -> memref<1x128xf32, #tpu.memory_space<vmem>>
        %dma_start3A_427 = tpu.memref_squeeze %dma_start3A_426 : memref<1x128xf32, #tpu.memory_space<vmem>> -> memref<128xf32, #tpu.memory_space<vmem>>
        %dma_start3A_428 = arith.constant 384 : i32
        %dma_start3A_429 = tpu.memref_slice %arg9[%dma_start3A_423, %dma_start3A_428] : memref<8x512xi32, #tpu.memory_space<vmem>> -> memref<1x128xi32, #tpu.memory_space<vmem>>
        %dma_start3A_430 = tpu.memref_squeeze %dma_start3A_429 : memref<1x128xi32, #tpu.memory_space<vmem>> -> memref<128xi32, #tpu.memory_space<vmem>>
        %dma_start3A_431 = arith.constant 0 : i32
        %dma_start3A_432 = tpu.memref_slice %arg5[%dma_start3A_431] : memref<1000000xf32, #tpu.memory_space<vmem_shared>> -> memref<1000000xf32, #tpu.memory_space<vmem_shared>>
        tpu.enqueue_indirect_dma source(%dma_start3A_432 : memref<1000000xf32, #tpu.memory_space<vmem_shared>>) target(%dma_start3A_427 : memref<128xf32, #tpu.memory_space<vmem>>) offsets(%dma_start3A_430 : memref<128xi32, #tpu.memory_space<vmem>>) semaphore(%arg12 : memref<!tpu.dma_semaphore, #tpu.memory_space<semaphore_mem>>)
        %dma_start3A_433 = arith.constant 2 : i32
        %dma_start3A_434 = arith.constant 2 : i32
        %dma_start3A_435 = arith.constant 0 : i32
        %dma_start3A_436 = tpu.memref_slice %arg11[%dma_start3A_434, %dma_start3A_435] : memref<8x512xf32, #tpu.memory_space<vmem>> -> memref<1x128xf32, #tpu.memory_space<vmem>>
        %dma_start3A_437 = tpu.memref_squeeze %dma_start3A_436 : memref<1x128xf32, #tpu.memory_space<vmem>> -> memref<128xf32, #tpu.memory_space<vmem>>
        %dma_start3A_438 = arith.constant 0 : i32
        %dma_start3A_439 = tpu.memref_slice %arg9[%dma_start3A_433, %dma_start3A_438] : memref<8x512xi32, #tpu.memory_space<vmem>> -> memref<1x128xi32, #tpu.memory_space<vmem>>
        %dma_start3A_440 = tpu.memref_squeeze %dma_start3A_439 : memref<1x128xi32, #tpu.memory_space<vmem>> -> memref<128xi32, #tpu.memory_space<vmem>>
        %dma_start3A_441 = arith.constant 0 : i32
        %dma_start3A_442 = tpu.memref_slice %arg5[%dma_start3A_441] : memref<1000000xf32, #tpu.memory_space<vmem_shared>> -> memref<1000000xf32, #tpu.memory_space<vmem_shared>>
        tpu.enqueue_indirect_dma source(%dma_start3A_442 : memref<1000000xf32, #tpu.memory_space<vmem_shared>>) target(%dma_start3A_437 : memref<128xf32, #tpu.memory_space<vmem>>) offsets(%dma_start3A_440 : memref<128xi32, #tpu.memory_space<vmem>>) semaphore(%arg12 : memref<!tpu.dma_semaphore, #tpu.memory_space<semaphore_mem>>)
        %dma_start3A_443 = arith.constant 2 : i32
        %dma_start3A_444 = arith.constant 2 : i32
        %dma_start3A_445 = arith.constant 128 : i32
        %dma_start3A_446 = tpu.memref_slice %arg11[%dma_start3A_444, %dma_start3A_445] : memref<8x512xf32, #tpu.memory_space<vmem>> -> memref<1x128xf32, #tpu.memory_space<vmem>>
        %dma_start3A_447 = tpu.memref_squeeze %dma_start3A_446 : memref<1x128xf32, #tpu.memory_space<vmem>> -> memref<128xf32, #tpu.memory_space<vmem>>
        %dma_start3A_448 = arith.constant 128 : i32
        %dma_start3A_449 = tpu.memref_slice %arg9[%dma_start3A_443, %dma_start3A_448] : memref<8x512xi32, #tpu.memory_space<vmem>> -> memref<1x128xi32, #tpu.memory_space<vmem>>
        %dma_start3A_450 = tpu.memref_squeeze %dma_start3A_449 : memref<1x128xi32, #tpu.memory_space<vmem>> -> memref<128xi32, #tpu.memory_space<vmem>>
        %dma_start3A_451 = arith.constant 0 : i32
        %dma_start3A_452 = tpu.memref_slice %arg5[%dma_start3A_451] : memref<1000000xf32, #tpu.memory_space<vmem_shared>> -> memref<1000000xf32, #tpu.memory_space<vmem_shared>>
        tpu.enqueue_indirect_dma source(%dma_start3A_452 : memref<1000000xf32, #tpu.memory_space<vmem_shared>>) target(%dma_start3A_447 : memref<128xf32, #tpu.memory_space<vmem>>) offsets(%dma_start3A_450 : memref<128xi32, #tpu.memory_space<vmem>>) semaphore(%arg12 : memref<!tpu.dma_semaphore, #tpu.memory_space<semaphore_mem>>)
        %dma_start3A_453 = arith.constant 2 : i32
        %dma_start3A_454 = arith.constant 2 : i32
        %dma_start3A_455 = arith.constant 256 : i32
        %dma_start3A_456 = tpu.memref_slice %arg11[%dma_start3A_454, %dma_start3A_455] : memref<8x512xf32, #tpu.memory_space<vmem>> -> memref<1x128xf32, #tpu.memory_space<vmem>>
        %dma_start3A_457 = tpu.memref_squeeze %dma_start3A_456 : memref<1x128xf32, #tpu.memory_space<vmem>> -> memref<128xf32, #tpu.memory_space<vmem>>
        %dma_start3A_458 = arith.constant 256 : i32
        %dma_start3A_459 = tpu.memref_slice %arg9[%dma_start3A_453, %dma_start3A_458] : memref<8x512xi32, #tpu.memory_space<vmem>> -> memref<1x128xi32, #tpu.memory_space<vmem>>
        %dma_start3A_460 = tpu.memref_squeeze %dma_start3A_459 : memref<1x128xi32, #tpu.memory_space<vmem>> -> memref<128xi32, #tpu.memory_space<vmem>>
        %dma_start3A_461 = arith.constant 0 : i32
        %dma_start3A_462 = tpu.memref_slice %arg5[%dma_start3A_461] : memref<1000000xf32, #tpu.memory_space<vmem_shared>> -> memref<1000000xf32, #tpu.memory_space<vmem_shared>>
        tpu.enqueue_indirect_dma source(%dma_start3A_462 : memref<1000000xf32, #tpu.memory_space<vmem_shared>>) target(%dma_start3A_457 : memref<128xf32, #tpu.memory_space<vmem>>) offsets(%dma_start3A_460 : memref<128xi32, #tpu.memory_space<vmem>>) semaphore(%arg12 : memref<!tpu.dma_semaphore, #tpu.memory_space<semaphore_mem>>)
        %dma_start3A_463 = arith.constant 2 : i32
        %dma_start3A_464 = arith.constant 2 : i32
        %dma_start3A_465 = arith.constant 384 : i32
        %dma_start3A_466 = tpu.memref_slice %arg11[%dma_start3A_464, %dma_start3A_465] : memref<8x512xf32, #tpu.memory_space<vmem>> -> memref<1x128xf32, #tpu.memory_space<vmem>>
        %dma_start3A_467 = tpu.memref_squeeze %dma_start3A_466 : memref<1x128xf32, #tpu.memory_space<vmem>> -> memref<128xf32, #tpu.memory_space<vmem>>
        %dma_start3A_468 = arith.constant 384 : i32
        %dma_start3A_469 = tpu.memref_slice %arg9[%dma_start3A_463, %dma_start3A_468] : memref<8x512xi32, #tpu.memory_space<vmem>> -> memref<1x128xi32, #tpu.memory_space<vmem>>
        %dma_start3A_470 = tpu.memref_squeeze %dma_start3A_469 : memref<1x128xi32, #tpu.memory_space<vmem>> -> memref<128xi32, #tpu.memory_space<vmem>>
        %dma_start3A_471 = arith.constant 0 : i32
        %dma_start3A_472 = tpu.memref_slice %arg5[%dma_start3A_471] : memref<1000000xf32, #tpu.memory_space<vmem_shared>> -> memref<1000000xf32, #tpu.memory_space<vmem_shared>>
        tpu.enqueue_indirect_dma source(%dma_start3A_472 : memref<1000000xf32, #tpu.memory_space<vmem_shared>>) target(%dma_start3A_467 : memref<128xf32, #tpu.memory_space<vmem>>) offsets(%dma_start3A_470 : memref<128xi32, #tpu.memory_space<vmem>>) semaphore(%arg12 : memref<!tpu.dma_semaphore, #tpu.memory_space<semaphore_mem>>)
        %dma_start3A_473 = arith.constant 3 : i32
        %dma_start3A_474 = arith.constant 3 : i32
        %dma_start3A_475 = arith.constant 0 : i32
        %dma_start3A_476 = tpu.memref_slice %arg11[%dma_start3A_474, %dma_start3A_475] : memref<8x512xf32, #tpu.memory_space<vmem>> -> memref<1x128xf32, #tpu.memory_space<vmem>>
        %dma_start3A_477 = tpu.memref_squeeze %dma_start3A_476 : memref<1x128xf32, #tpu.memory_space<vmem>> -> memref<128xf32, #tpu.memory_space<vmem>>
        %dma_start3A_478 = arith.constant 0 : i32
        %dma_start3A_479 = tpu.memref_slice %arg9[%dma_start3A_473, %dma_start3A_478] : memref<8x512xi32, #tpu.memory_space<vmem>> -> memref<1x128xi32, #tpu.memory_space<vmem>>
        %dma_start3A_480 = tpu.memref_squeeze %dma_start3A_479 : memref<1x128xi32, #tpu.memory_space<vmem>> -> memref<128xi32, #tpu.memory_space<vmem>>
        %dma_start3A_481 = arith.constant 0 : i32
        %dma_start3A_482 = tpu.memref_slice %arg5[%dma_start3A_481] : memref<1000000xf32, #tpu.memory_space<vmem_shared>> -> memref<1000000xf32, #tpu.memory_space<vmem_shared>>
        tpu.enqueue_indirect_dma source(%dma_start3A_482 : memref<1000000xf32, #tpu.memory_space<vmem_shared>>) target(%dma_start3A_477 : memref<128xf32, #tpu.memory_space<vmem>>) offsets(%dma_start3A_480 : memref<128xi32, #tpu.memory_space<vmem>>) semaphore(%arg12 : memref<!tpu.dma_semaphore, #tpu.memory_space<semaphore_mem>>)
        %dma_start3A_483 = arith.constant 3 : i32
        %dma_start3A_484 = arith.constant 3 : i32
        %dma_start3A_485 = arith.constant 128 : i32
        %dma_start3A_486 = tpu.memref_slice %arg11[%dma_start3A_484, %dma_start3A_485] : memref<8x512xf32, #tpu.memory_space<vmem>> -> memref<1x128xf32, #tpu.memory_space<vmem>>
        %dma_start3A_487 = tpu.memref_squeeze %dma_start3A_486 : memref<1x128xf32, #tpu.memory_space<vmem>> -> memref<128xf32, #tpu.memory_space<vmem>>
        %dma_start3A_488 = arith.constant 128 : i32
        %dma_start3A_489 = tpu.memref_slice %arg9[%dma_start3A_483, %dma_start3A_488] : memref<8x512xi32, #tpu.memory_space<vmem>> -> memref<1x128xi32, #tpu.memory_space<vmem>>
        %dma_start3A_490 = tpu.memref_squeeze %dma_start3A_489 : memref<1x128xi32, #tpu.memory_space<vmem>> -> memref<128xi32, #tpu.memory_space<vmem>>
        %dma_start3A_491 = arith.constant 0 : i32
        %dma_start3A_492 = tpu.memref_slice %arg5[%dma_start3A_491] : memref<1000000xf32, #tpu.memory_space<vmem_shared>> -> memref<1000000xf32, #tpu.memory_space<vmem_shared>>
        tpu.enqueue_indirect_dma source(%dma_start3A_492 : memref<1000000xf32, #tpu.memory_space<vmem_shared>>) target(%dma_start3A_487 : memref<128xf32, #tpu.memory_space<vmem>>) offsets(%dma_start3A_490 : memref<128xi32, #tpu.memory_space<vmem>>) semaphore(%arg12 : memref<!tpu.dma_semaphore, #tpu.memory_space<semaphore_mem>>)
        %dma_start3A_493 = arith.constant 3 : i32
        %dma_start3A_494 = arith.constant 3 : i32
        %dma_start3A_495 = arith.constant 256 : i32
        %dma_start3A_496 = tpu.memref_slice %arg11[%dma_start3A_494, %dma_start3A_495] : memref<8x512xf32, #tpu.memory_space<vmem>> -> memref<1x128xf32, #tpu.memory_space<vmem>>
        %dma_start3A_497 = tpu.memref_squeeze %dma_start3A_496 : memref<1x128xf32, #tpu.memory_space<vmem>> -> memref<128xf32, #tpu.memory_space<vmem>>
        %dma_start3A_498 = arith.constant 256 : i32
        %dma_start3A_499 = tpu.memref_slice %arg9[%dma_start3A_493, %dma_start3A_498] : memref<8x512xi32, #tpu.memory_space<vmem>> -> memref<1x128xi32, #tpu.memory_space<vmem>>
        %dma_start3A_500 = tpu.memref_squeeze %dma_start3A_499 : memref<1x128xi32, #tpu.memory_space<vmem>> -> memref<128xi32, #tpu.memory_space<vmem>>
        %dma_start3A_501 = arith.constant 0 : i32
        %dma_start3A_502 = tpu.memref_slice %arg5[%dma_start3A_501] : memref<1000000xf32, #tpu.memory_space<vmem_shared>> -> memref<1000000xf32, #tpu.memory_space<vmem_shared>>
        tpu.enqueue_indirect_dma source(%dma_start3A_502 : memref<1000000xf32, #tpu.memory_space<vmem_shared>>) target(%dma_start3A_497 : memref<128xf32, #tpu.memory_space<vmem>>) offsets(%dma_start3A_500 : memref<128xi32, #tpu.memory_space<vmem>>) semaphore(%arg12 : memref<!tpu.dma_semaphore, #tpu.memory_space<semaphore_mem>>)
        %dma_start3A_503 = arith.constant 3 : i32
        %dma_start3A_504 = arith.constant 3 : i32
        %dma_start3A_505 = arith.constant 384 : i32
        %dma_start3A_506 = tpu.memref_slice %arg11[%dma_start3A_504, %dma_start3A_505] : memref<8x512xf32, #tpu.memory_space<vmem>> -> memref<1x128xf32, #tpu.memory_space<vmem>>
        %dma_start3A_507 = tpu.memref_squeeze %dma_start3A_506 : memref<1x128xf32, #tpu.memory_space<vmem>> -> memref<128xf32, #tpu.memory_space<vmem>>
        %dma_start3A_508 = arith.constant 384 : i32
        %dma_start3A_509 = tpu.memref_slice %arg9[%dma_start3A_503, %dma_start3A_508] : memref<8x512xi32, #tpu.memory_space<vmem>> -> memref<1x128xi32, #tpu.memory_space<vmem>>
        %dma_start3A_510 = tpu.memref_squeeze %dma_start3A_509 : memref<1x128xi32, #tpu.memory_space<vmem>> -> memref<128xi32, #tpu.memory_space<vmem>>
        %dma_start3A_511 = arith.constant 0 : i32
        %dma_start3A_512 = tpu.memref_slice %arg5[%dma_start3A_511] : memref<1000000xf32, #tpu.memory_space<vmem_shared>> -> memref<1000000xf32, #tpu.memory_space<vmem_shared>>
        tpu.enqueue_indirect_dma source(%dma_start3A_512 : memref<1000000xf32, #tpu.memory_space<vmem_shared>>) target(%dma_start3A_507 : memref<128xf32, #tpu.memory_space<vmem>>) offsets(%dma_start3A_510 : memref<128xi32, #tpu.memory_space<vmem>>) semaphore(%arg12 : memref<!tpu.dma_semaphore, #tpu.memory_space<semaphore_mem>>)
        %dma_start3A_513 = arith.constant 4 : i32
        %dma_start3A_514 = arith.constant 4 : i32
        %dma_start3A_515 = arith.constant 0 : i32
        %dma_start3A_516 = tpu.memref_slice %arg11[%dma_start3A_514, %dma_start3A_515] : memref<8x512xf32, #tpu.memory_space<vmem>> -> memref<1x128xf32, #tpu.memory_space<vmem>>
        %dma_start3A_517 = tpu.memref_squeeze %dma_start3A_516 : memref<1x128xf32, #tpu.memory_space<vmem>> -> memref<128xf32, #tpu.memory_space<vmem>>
        %dma_start3A_518 = arith.constant 0 : i32
        %dma_start3A_519 = tpu.memref_slice %arg9[%dma_start3A_513, %dma_start3A_518] : memref<8x512xi32, #tpu.memory_space<vmem>> -> memref<1x128xi32, #tpu.memory_space<vmem>>
        %dma_start3A_520 = tpu.memref_squeeze %dma_start3A_519 : memref<1x128xi32, #tpu.memory_space<vmem>> -> memref<128xi32, #tpu.memory_space<vmem>>
        %dma_start3A_521 = arith.constant 0 : i32
        %dma_start3A_522 = tpu.memref_slice %arg5[%dma_start3A_521] : memref<1000000xf32, #tpu.memory_space<vmem_shared>> -> memref<1000000xf32, #tpu.memory_space<vmem_shared>>
        tpu.enqueue_indirect_dma source(%dma_start3A_522 : memref<1000000xf32, #tpu.memory_space<vmem_shared>>) target(%dma_start3A_517 : memref<128xf32, #tpu.memory_space<vmem>>) offsets(%dma_start3A_520 : memref<128xi32, #tpu.memory_space<vmem>>) semaphore(%arg12 : memref<!tpu.dma_semaphore, #tpu.memory_space<semaphore_mem>>)
        %dma_start3A_523 = arith.constant 4 : i32
        %dma_start3A_524 = arith.constant 4 : i32
        %dma_start3A_525 = arith.constant 128 : i32
        %dma_start3A_526 = tpu.memref_slice %arg11[%dma_start3A_524, %dma_start3A_525] : memref<8x512xf32, #tpu.memory_space<vmem>> -> memref<1x128xf32, #tpu.memory_space<vmem>>
        %dma_start3A_527 = tpu.memref_squeeze %dma_start3A_526 : memref<1x128xf32, #tpu.memory_space<vmem>> -> memref<128xf32, #tpu.memory_space<vmem>>
        %dma_start3A_528 = arith.constant 128 : i32
        %dma_start3A_529 = tpu.memref_slice %arg9[%dma_start3A_523, %dma_start3A_528] : memref<8x512xi32, #tpu.memory_space<vmem>> -> memref<1x128xi32, #tpu.memory_space<vmem>>
        %dma_start3A_530 = tpu.memref_squeeze %dma_start3A_529 : memref<1x128xi32, #tpu.memory_space<vmem>> -> memref<128xi32, #tpu.memory_space<vmem>>
        %dma_start3A_531 = arith.constant 0 : i32
        %dma_start3A_532 = tpu.memref_slice %arg5[%dma_start3A_531] : memref<1000000xf32, #tpu.memory_space<vmem_shared>> -> memref<1000000xf32, #tpu.memory_space<vmem_shared>>
        tpu.enqueue_indirect_dma source(%dma_start3A_532 : memref<1000000xf32, #tpu.memory_space<vmem_shared>>) target(%dma_start3A_527 : memref<128xf32, #tpu.memory_space<vmem>>) offsets(%dma_start3A_530 : memref<128xi32, #tpu.memory_space<vmem>>) semaphore(%arg12 : memref<!tpu.dma_semaphore, #tpu.memory_space<semaphore_mem>>)
        %dma_start3A_533 = arith.constant 4 : i32
        %dma_start3A_534 = arith.constant 4 : i32
        %dma_start3A_535 = arith.constant 256 : i32
        %dma_start3A_536 = tpu.memref_slice %arg11[%dma_start3A_534, %dma_start3A_535] : memref<8x512xf32, #tpu.memory_space<vmem>> -> memref<1x128xf32, #tpu.memory_space<vmem>>
        %dma_start3A_537 = tpu.memref_squeeze %dma_start3A_536 : memref<1x128xf32, #tpu.memory_space<vmem>> -> memref<128xf32, #tpu.memory_space<vmem>>
        %dma_start3A_538 = arith.constant 256 : i32
        %dma_start3A_539 = tpu.memref_slice %arg9[%dma_start3A_533, %dma_start3A_538] : memref<8x512xi32, #tpu.memory_space<vmem>> -> memref<1x128xi32, #tpu.memory_space<vmem>>
        %dma_start3A_540 = tpu.memref_squeeze %dma_start3A_539 : memref<1x128xi32, #tpu.memory_space<vmem>> -> memref<128xi32, #tpu.memory_space<vmem>>
        %dma_start3A_541 = arith.constant 0 : i32
        %dma_start3A_542 = tpu.memref_slice %arg5[%dma_start3A_541] : memref<1000000xf32, #tpu.memory_space<vmem_shared>> -> memref<1000000xf32, #tpu.memory_space<vmem_shared>>
        tpu.enqueue_indirect_dma source(%dma_start3A_542 : memref<1000000xf32, #tpu.memory_space<vmem_shared>>) target(%dma_start3A_537 : memref<128xf32, #tpu.memory_space<vmem>>) offsets(%dma_start3A_540 : memref<128xi32, #tpu.memory_space<vmem>>) semaphore(%arg12 : memref<!tpu.dma_semaphore, #tpu.memory_space<semaphore_mem>>)
        %dma_start3A_543 = arith.constant 4 : i32
        %dma_start3A_544 = arith.constant 4 : i32
        %dma_start3A_545 = arith.constant 384 : i32
        %dma_start3A_546 = tpu.memref_slice %arg11[%dma_start3A_544, %dma_start3A_545] : memref<8x512xf32, #tpu.memory_space<vmem>> -> memref<1x128xf32, #tpu.memory_space<vmem>>
        %dma_start3A_547 = tpu.memref_squeeze %dma_start3A_546 : memref<1x128xf32, #tpu.memory_space<vmem>> -> memref<128xf32, #tpu.memory_space<vmem>>
        %dma_start3A_548 = arith.constant 384 : i32
        %dma_start3A_549 = tpu.memref_slice %arg9[%dma_start3A_543, %dma_start3A_548] : memref<8x512xi32, #tpu.memory_space<vmem>> -> memref<1x128xi32, #tpu.memory_space<vmem>>
        %dma_start3A_550 = tpu.memref_squeeze %dma_start3A_549 : memref<1x128xi32, #tpu.memory_space<vmem>> -> memref<128xi32, #tpu.memory_space<vmem>>
        %dma_start3A_551 = arith.constant 0 : i32
        %dma_start3A_552 = tpu.memref_slice %arg5[%dma_start3A_551] : memref<1000000xf32, #tpu.memory_space<vmem_shared>> -> memref<1000000xf32, #tpu.memory_space<vmem_shared>>
        tpu.enqueue_indirect_dma source(%dma_start3A_552 : memref<1000000xf32, #tpu.memory_space<vmem_shared>>) target(%dma_start3A_547 : memref<128xf32, #tpu.memory_space<vmem>>) offsets(%dma_start3A_550 : memref<128xi32, #tpu.memory_space<vmem>>) semaphore(%arg12 : memref<!tpu.dma_semaphore, #tpu.memory_space<semaphore_mem>>)
        %dma_start3A_553 = arith.constant 5 : i32
        %dma_start3A_554 = arith.constant 5 : i32
        %dma_start3A_555 = arith.constant 0 : i32
        %dma_start3A_556 = tpu.memref_slice %arg11[%dma_start3A_554, %dma_start3A_555] : memref<8x512xf32, #tpu.memory_space<vmem>> -> memref<1x128xf32, #tpu.memory_space<vmem>>
        %dma_start3A_557 = tpu.memref_squeeze %dma_start3A_556 : memref<1x128xf32, #tpu.memory_space<vmem>> -> memref<128xf32, #tpu.memory_space<vmem>>
        %dma_start3A_558 = arith.constant 0 : i32
        %dma_start3A_559 = tpu.memref_slice %arg9[%dma_start3A_553, %dma_start3A_558] : memref<8x512xi32, #tpu.memory_space<vmem>> -> memref<1x128xi32, #tpu.memory_space<vmem>>
        %dma_start3A_560 = tpu.memref_squeeze %dma_start3A_559 : memref<1x128xi32, #tpu.memory_space<vmem>> -> memref<128xi32, #tpu.memory_space<vmem>>
        %dma_start3A_561 = arith.constant 0 : i32
        %dma_start3A_562 = tpu.memref_slice %arg5[%dma_start3A_561] : memref<1000000xf32, #tpu.memory_space<vmem_shared>> -> memref<1000000xf32, #tpu.memory_space<vmem_shared>>
        tpu.enqueue_indirect_dma source(%dma_start3A_562 : memref<1000000xf32, #tpu.memory_space<vmem_shared>>) target(%dma_start3A_557 : memref<128xf32, #tpu.memory_space<vmem>>) offsets(%dma_start3A_560 : memref<128xi32, #tpu.memory_space<vmem>>) semaphore(%arg12 : memref<!tpu.dma_semaphore, #tpu.memory_space<semaphore_mem>>)
        %dma_start3A_563 = arith.constant 5 : i32
        %dma_start3A_564 = arith.constant 5 : i32
        %dma_start3A_565 = arith.constant 128 : i32
        %dma_start3A_566 = tpu.memref_slice %arg11[%dma_start3A_564, %dma_start3A_565] : memref<8x512xf32, #tpu.memory_space<vmem>> -> memref<1x128xf32, #tpu.memory_space<vmem>>
        %dma_start3A_567 = tpu.memref_squeeze %dma_start3A_566 : memref<1x128xf32, #tpu.memory_space<vmem>> -> memref<128xf32, #tpu.memory_space<vmem>>
        %dma_start3A_568 = arith.constant 128 : i32
        %dma_start3A_569 = tpu.memref_slice %arg9[%dma_start3A_563, %dma_start3A_568] : memref<8x512xi32, #tpu.memory_space<vmem>> -> memref<1x128xi32, #tpu.memory_space<vmem>>
        %dma_start3A_570 = tpu.memref_squeeze %dma_start3A_569 : memref<1x128xi32, #tpu.memory_space<vmem>> -> memref<128xi32, #tpu.memory_space<vmem>>
        %dma_start3A_571 = arith.constant 0 : i32
        %dma_start3A_572 = tpu.memref_slice %arg5[%dma_start3A_571] : memref<1000000xf32, #tpu.memory_space<vmem_shared>> -> memref<1000000xf32, #tpu.memory_space<vmem_shared>>
        tpu.enqueue_indirect_dma source(%dma_start3A_572 : memref<1000000xf32, #tpu.memory_space<vmem_shared>>) target(%dma_start3A_567 : memref<128xf32, #tpu.memory_space<vmem>>) offsets(%dma_start3A_570 : memref<128xi32, #tpu.memory_space<vmem>>) semaphore(%arg12 : memref<!tpu.dma_semaphore, #tpu.memory_space<semaphore_mem>>)
        %dma_start3A_573 = arith.constant 5 : i32
        %dma_start3A_574 = arith.constant 5 : i32
        %dma_start3A_575 = arith.constant 256 : i32
        %dma_start3A_576 = tpu.memref_slice %arg11[%dma_start3A_574, %dma_start3A_575] : memref<8x512xf32, #tpu.memory_space<vmem>> -> memref<1x128xf32, #tpu.memory_space<vmem>>
        %dma_start3A_577 = tpu.memref_squeeze %dma_start3A_576 : memref<1x128xf32, #tpu.memory_space<vmem>> -> memref<128xf32, #tpu.memory_space<vmem>>
        %dma_start3A_578 = arith.constant 256 : i32
        %dma_start3A_579 = tpu.memref_slice %arg9[%dma_start3A_573, %dma_start3A_578] : memref<8x512xi32, #tpu.memory_space<vmem>> -> memref<1x128xi32, #tpu.memory_space<vmem>>
        %dma_start3A_580 = tpu.memref_squeeze %dma_start3A_579 : memref<1x128xi32, #tpu.memory_space<vmem>> -> memref<128xi32, #tpu.memory_space<vmem>>
        %dma_start3A_581 = arith.constant 0 : i32
        %dma_start3A_582 = tpu.memref_slice %arg5[%dma_start3A_581] : memref<1000000xf32, #tpu.memory_space<vmem_shared>> -> memref<1000000xf32, #tpu.memory_space<vmem_shared>>
        tpu.enqueue_indirect_dma source(%dma_start3A_582 : memref<1000000xf32, #tpu.memory_space<vmem_shared>>) target(%dma_start3A_577 : memref<128xf32, #tpu.memory_space<vmem>>) offsets(%dma_start3A_580 : memref<128xi32, #tpu.memory_space<vmem>>) semaphore(%arg12 : memref<!tpu.dma_semaphore, #tpu.memory_space<semaphore_mem>>)
        %dma_start3A_583 = arith.constant 5 : i32
        %dma_start3A_584 = arith.constant 5 : i32
        %dma_start3A_585 = arith.constant 384 : i32
        %dma_start3A_586 = tpu.memref_slice %arg11[%dma_start3A_584, %dma_start3A_585] : memref<8x512xf32, #tpu.memory_space<vmem>> -> memref<1x128xf32, #tpu.memory_space<vmem>>
        %dma_start3A_587 = tpu.memref_squeeze %dma_start3A_586 : memref<1x128xf32, #tpu.memory_space<vmem>> -> memref<128xf32, #tpu.memory_space<vmem>>
        %dma_start3A_588 = arith.constant 384 : i32
        %dma_start3A_589 = tpu.memref_slice %arg9[%dma_start3A_583, %dma_start3A_588] : memref<8x512xi32, #tpu.memory_space<vmem>> -> memref<1x128xi32, #tpu.memory_space<vmem>>
        %dma_start3A_590 = tpu.memref_squeeze %dma_start3A_589 : memref<1x128xi32, #tpu.memory_space<vmem>> -> memref<128xi32, #tpu.memory_space<vmem>>
        %dma_start3A_591 = arith.constant 0 : i32
        %dma_start3A_592 = tpu.memref_slice %arg5[%dma_start3A_591] : memref<1000000xf32, #tpu.memory_space<vmem_shared>> -> memref<1000000xf32, #tpu.memory_space<vmem_shared>>
        tpu.enqueue_indirect_dma source(%dma_start3A_592 : memref<1000000xf32, #tpu.memory_space<vmem_shared>>) target(%dma_start3A_587 : memref<128xf32, #tpu.memory_space<vmem>>) offsets(%dma_start3A_590 : memref<128xi32, #tpu.memory_space<vmem>>) semaphore(%arg12 : memref<!tpu.dma_semaphore, #tpu.memory_space<semaphore_mem>>)
        %dma_start3A_593 = arith.constant 6 : i32
        %dma_start3A_594 = arith.constant 6 : i32
        %dma_start3A_595 = arith.constant 0 : i32
        %dma_start3A_596 = tpu.memref_slice %arg11[%dma_start3A_594, %dma_start3A_595] : memref<8x512xf32, #tpu.memory_space<vmem>> -> memref<1x128xf32, #tpu.memory_space<vmem>>
        %dma_start3A_597 = tpu.memref_squeeze %dma_start3A_596 : memref<1x128xf32, #tpu.memory_space<vmem>> -> memref<128xf32, #tpu.memory_space<vmem>>
        %dma_start3A_598 = arith.constant 0 : i32
        %dma_start3A_599 = tpu.memref_slice %arg9[%dma_start3A_593, %dma_start3A_598] : memref<8x512xi32, #tpu.memory_space<vmem>> -> memref<1x128xi32, #tpu.memory_space<vmem>>
        %dma_start3A_600 = tpu.memref_squeeze %dma_start3A_599 : memref<1x128xi32, #tpu.memory_space<vmem>> -> memref<128xi32, #tpu.memory_space<vmem>>
        %dma_start3A_601 = arith.constant 0 : i32
        %dma_start3A_602 = tpu.memref_slice %arg5[%dma_start3A_601] : memref<1000000xf32, #tpu.memory_space<vmem_shared>> -> memref<1000000xf32, #tpu.memory_space<vmem_shared>>
        tpu.enqueue_indirect_dma source(%dma_start3A_602 : memref<1000000xf32, #tpu.memory_space<vmem_shared>>) target(%dma_start3A_597 : memref<128xf32, #tpu.memory_space<vmem>>) offsets(%dma_start3A_600 : memref<128xi32, #tpu.memory_space<vmem>>) semaphore(%arg12 : memref<!tpu.dma_semaphore, #tpu.memory_space<semaphore_mem>>)
        %dma_start3A_603 = arith.constant 6 : i32
        %dma_start3A_604 = arith.constant 6 : i32
        %dma_start3A_605 = arith.constant 128 : i32
        %dma_start3A_606 = tpu.memref_slice %arg11[%dma_start3A_604, %dma_start3A_605] : memref<8x512xf32, #tpu.memory_space<vmem>> -> memref<1x128xf32, #tpu.memory_space<vmem>>
        %dma_start3A_607 = tpu.memref_squeeze %dma_start3A_606 : memref<1x128xf32, #tpu.memory_space<vmem>> -> memref<128xf32, #tpu.memory_space<vmem>>
        %dma_start3A_608 = arith.constant 128 : i32
        %dma_start3A_609 = tpu.memref_slice %arg9[%dma_start3A_603, %dma_start3A_608] : memref<8x512xi32, #tpu.memory_space<vmem>> -> memref<1x128xi32, #tpu.memory_space<vmem>>
        %dma_start3A_610 = tpu.memref_squeeze %dma_start3A_609 : memref<1x128xi32, #tpu.memory_space<vmem>> -> memref<128xi32, #tpu.memory_space<vmem>>
        %dma_start3A_611 = arith.constant 0 : i32
        %dma_start3A_612 = tpu.memref_slice %arg5[%dma_start3A_611] : memref<1000000xf32, #tpu.memory_space<vmem_shared>> -> memref<1000000xf32, #tpu.memory_space<vmem_shared>>
        tpu.enqueue_indirect_dma source(%dma_start3A_612 : memref<1000000xf32, #tpu.memory_space<vmem_shared>>) target(%dma_start3A_607 : memref<128xf32, #tpu.memory_space<vmem>>) offsets(%dma_start3A_610 : memref<128xi32, #tpu.memory_space<vmem>>) semaphore(%arg12 : memref<!tpu.dma_semaphore, #tpu.memory_space<semaphore_mem>>)
        %dma_start3A_613 = arith.constant 6 : i32
        %dma_start3A_614 = arith.constant 6 : i32
        %dma_start3A_615 = arith.constant 256 : i32
        %dma_start3A_616 = tpu.memref_slice %arg11[%dma_start3A_614, %dma_start3A_615] : memref<8x512xf32, #tpu.memory_space<vmem>> -> memref<1x128xf32, #tpu.memory_space<vmem>>
        %dma_start3A_617 = tpu.memref_squeeze %dma_start3A_616 : memref<1x128xf32, #tpu.memory_space<vmem>> -> memref<128xf32, #tpu.memory_space<vmem>>
        %dma_start3A_618 = arith.constant 256 : i32
        %dma_start3A_619 = tpu.memref_slice %arg9[%dma_start3A_613, %dma_start3A_618] : memref<8x512xi32, #tpu.memory_space<vmem>> -> memref<1x128xi32, #tpu.memory_space<vmem>>
        %dma_start3A_620 = tpu.memref_squeeze %dma_start3A_619 : memref<1x128xi32, #tpu.memory_space<vmem>> -> memref<128xi32, #tpu.memory_space<vmem>>
        %dma_start3A_621 = arith.constant 0 : i32
        %dma_start3A_622 = tpu.memref_slice %arg5[%dma_start3A_621] : memref<1000000xf32, #tpu.memory_space<vmem_shared>> -> memref<1000000xf32, #tpu.memory_space<vmem_shared>>
        tpu.enqueue_indirect_dma source(%dma_start3A_622 : memref<1000000xf32, #tpu.memory_space<vmem_shared>>) target(%dma_start3A_617 : memref<128xf32, #tpu.memory_space<vmem>>) offsets(%dma_start3A_620 : memref<128xi32, #tpu.memory_space<vmem>>) semaphore(%arg12 : memref<!tpu.dma_semaphore, #tpu.memory_space<semaphore_mem>>)
        %dma_start3A_623 = arith.constant 6 : i32
        %dma_start3A_624 = arith.constant 6 : i32
        %dma_start3A_625 = arith.constant 384 : i32
        %dma_start3A_626 = tpu.memref_slice %arg11[%dma_start3A_624, %dma_start3A_625] : memref<8x512xf32, #tpu.memory_space<vmem>> -> memref<1x128xf32, #tpu.memory_space<vmem>>
        %dma_start3A_627 = tpu.memref_squeeze %dma_start3A_626 : memref<1x128xf32, #tpu.memory_space<vmem>> -> memref<128xf32, #tpu.memory_space<vmem>>
        %dma_start3A_628 = arith.constant 384 : i32
        %dma_start3A_629 = tpu.memref_slice %arg9[%dma_start3A_623, %dma_start3A_628] : memref<8x512xi32, #tpu.memory_space<vmem>> -> memref<1x128xi32, #tpu.memory_space<vmem>>
        %dma_start3A_630 = tpu.memref_squeeze %dma_start3A_629 : memref<1x128xi32, #tpu.memory_space<vmem>> -> memref<128xi32, #tpu.memory_space<vmem>>
        %dma_start3A_631 = arith.constant 0 : i32
        %dma_start3A_632 = tpu.memref_slice %arg5[%dma_start3A_631] : memref<1000000xf32, #tpu.memory_space<vmem_shared>> -> memref<1000000xf32, #tpu.memory_space<vmem_shared>>
        tpu.enqueue_indirect_dma source(%dma_start3A_632 : memref<1000000xf32, #tpu.memory_space<vmem_shared>>) target(%dma_start3A_627 : memref<128xf32, #tpu.memory_space<vmem>>) offsets(%dma_start3A_630 : memref<128xi32, #tpu.memory_space<vmem>>) semaphore(%arg12 : memref<!tpu.dma_semaphore, #tpu.memory_space<semaphore_mem>>)
        %dma_start3A_633 = arith.constant 7 : i32
        %dma_start3A_634 = arith.constant 7 : i32
        %dma_start3A_635 = arith.constant 0 : i32
        %dma_start3A_636 = tpu.memref_slice %arg11[%dma_start3A_634, %dma_start3A_635] : memref<8x512xf32, #tpu.memory_space<vmem>> -> memref<1x128xf32, #tpu.memory_space<vmem>>
        %dma_start3A_637 = tpu.memref_squeeze %dma_start3A_636 : memref<1x128xf32, #tpu.memory_space<vmem>> -> memref<128xf32, #tpu.memory_space<vmem>>
        %dma_start3A_638 = arith.constant 0 : i32
        %dma_start3A_639 = tpu.memref_slice %arg9[%dma_start3A_633, %dma_start3A_638] : memref<8x512xi32, #tpu.memory_space<vmem>> -> memref<1x128xi32, #tpu.memory_space<vmem>>
        %dma_start3A_640 = tpu.memref_squeeze %dma_start3A_639 : memref<1x128xi32, #tpu.memory_space<vmem>> -> memref<128xi32, #tpu.memory_space<vmem>>
        %dma_start3A_641 = arith.constant 0 : i32
        %dma_start3A_642 = tpu.memref_slice %arg5[%dma_start3A_641] : memref<1000000xf32, #tpu.memory_space<vmem_shared>> -> memref<1000000xf32, #tpu.memory_space<vmem_shared>>
        tpu.enqueue_indirect_dma source(%dma_start3A_642 : memref<1000000xf32, #tpu.memory_space<vmem_shared>>) target(%dma_start3A_637 : memref<128xf32, #tpu.memory_space<vmem>>) offsets(%dma_start3A_640 : memref<128xi32, #tpu.memory_space<vmem>>) semaphore(%arg12 : memref<!tpu.dma_semaphore, #tpu.memory_space<semaphore_mem>>)
        %dma_start3A_643 = arith.constant 7 : i32
        %dma_start3A_644 = arith.constant 7 : i32
        %dma_start3A_645 = arith.constant 128 : i32
        %dma_start3A_646 = tpu.memref_slice %arg11[%dma_start3A_644, %dma_start3A_645] : memref<8x512xf32, #tpu.memory_space<vmem>> -> memref<1x128xf32, #tpu.memory_space<vmem>>
        %dma_start3A_647 = tpu.memref_squeeze %dma_start3A_646 : memref<1x128xf32, #tpu.memory_space<vmem>> -> memref<128xf32, #tpu.memory_space<vmem>>
        %dma_start3A_648 = arith.constant 128 : i32
        %dma_start3A_649 = tpu.memref_slice %arg9[%dma_start3A_643, %dma_start3A_648] : memref<8x512xi32, #tpu.memory_space<vmem>> -> memref<1x128xi32, #tpu.memory_space<vmem>>
        %dma_start3A_650 = tpu.memref_squeeze %dma_start3A_649 : memref<1x128xi32, #tpu.memory_space<vmem>> -> memref<128xi32, #tpu.memory_space<vmem>>
        %dma_start3A_651 = arith.constant 0 : i32
        %dma_start3A_652 = tpu.memref_slice %arg5[%dma_start3A_651] : memref<1000000xf32, #tpu.memory_space<vmem_shared>> -> memref<1000000xf32, #tpu.memory_space<vmem_shared>>
        tpu.enqueue_indirect_dma source(%dma_start3A_652 : memref<1000000xf32, #tpu.memory_space<vmem_shared>>) target(%dma_start3A_647 : memref<128xf32, #tpu.memory_space<vmem>>) offsets(%dma_start3A_650 : memref<128xi32, #tpu.memory_space<vmem>>) semaphore(%arg12 : memref<!tpu.dma_semaphore, #tpu.memory_space<semaphore_mem>>)
        %dma_start3A_653 = arith.constant 7 : i32
        %dma_start3A_654 = arith.constant 7 : i32
        %dma_start3A_655 = arith.constant 256 : i32
        %dma_start3A_656 = tpu.memref_slice %arg11[%dma_start3A_654, %dma_start3A_655] : memref<8x512xf32, #tpu.memory_space<vmem>> -> memref<1x128xf32, #tpu.memory_space<vmem>>
        %dma_start3A_657 = tpu.memref_squeeze %dma_start3A_656 : memref<1x128xf32, #tpu.memory_space<vmem>> -> memref<128xf32, #tpu.memory_space<vmem>>
        %dma_start3A_658 = arith.constant 256 : i32
        %dma_start3A_659 = tpu.memref_slice %arg9[%dma_start3A_653, %dma_start3A_658] : memref<8x512xi32, #tpu.memory_space<vmem>> -> memref<1x128xi32, #tpu.memory_space<vmem>>
        %dma_start3A_660 = tpu.memref_squeeze %dma_start3A_659 : memref<1x128xi32, #tpu.memory_space<vmem>> -> memref<128xi32, #tpu.memory_space<vmem>>
        %dma_start3A_661 = arith.constant 0 : i32
        %dma_start3A_662 = tpu.memref_slice %arg5[%dma_start3A_661] : memref<1000000xf32, #tpu.memory_space<vmem_shared>> -> memref<1000000xf32, #tpu.memory_space<vmem_shared>>
        tpu.enqueue_indirect_dma source(%dma_start3A_662 : memref<1000000xf32, #tpu.memory_space<vmem_shared>>) target(%dma_start3A_657 : memref<128xf32, #tpu.memory_space<vmem>>) offsets(%dma_start3A_660 : memref<128xi32, #tpu.memory_space<vmem>>) semaphore(%arg12 : memref<!tpu.dma_semaphore, #tpu.memory_space<semaphore_mem>>)
        %dma_start3A_663 = arith.constant 7 : i32
        %dma_start3A_664 = arith.constant 7 : i32
        %dma_start3A_665 = arith.constant 384 : i32
        %dma_start3A_666 = tpu.memref_slice %arg11[%dma_start3A_664, %dma_start3A_665] : memref<8x512xf32, #tpu.memory_space<vmem>> -> memref<1x128xf32, #tpu.memory_space<vmem>>
        %dma_start3A_667 = tpu.memref_squeeze %dma_start3A_666 : memref<1x128xf32, #tpu.memory_space<vmem>> -> memref<128xf32, #tpu.memory_space<vmem>>
        %dma_start3A_668 = arith.constant 384 : i32
        %dma_start3A_669 = tpu.memref_slice %arg9[%dma_start3A_663, %dma_start3A_668] : memref<8x512xi32, #tpu.memory_space<vmem>> -> memref<1x128xi32, #tpu.memory_space<vmem>>
        %dma_start3A_670 = tpu.memref_squeeze %dma_start3A_669 : memref<1x128xi32, #tpu.memory_space<vmem>> -> memref<128xi32, #tpu.memory_space<vmem>>
        %dma_start3A_671 = arith.constant 0 : i32
        %dma_start3A_672 = tpu.memref_slice %arg5[%dma_start3A_671] : memref<1000000xf32, #tpu.memory_space<vmem_shared>> -> memref<1000000xf32, #tpu.memory_space<vmem_shared>>
        tpu.enqueue_indirect_dma source(%dma_start3A_672 : memref<1000000xf32, #tpu.memory_space<vmem_shared>>) target(%dma_start3A_667 : memref<128xf32, #tpu.memory_space<vmem>>) offsets(%dma_start3A_670 : memref<128xi32, #tpu.memory_space<vmem>>) semaphore(%arg12 : memref<!tpu.dma_semaphore, #tpu.memory_space<semaphore_mem>>)
        %dma_wait3A_673 = arith.constant 0 : i32
        %dma_wait3A_674 = arith.constant 0 : i32
        %dma_wait3A_675 = arith.constant 0 : i32
        %dma_wait3A_676 = tpu.memref_slice %arg11[%dma_wait3A_674, %dma_wait3A_675] : memref<8x512xf32, #tpu.memory_space<vmem>> -> memref<1x128xf32, #tpu.memory_space<vmem>>
        %dma_wait3A_677 = tpu.memref_squeeze %dma_wait3A_676 : memref<1x128xf32, #tpu.memory_space<vmem>> -> memref<128xf32, #tpu.memory_space<vmem>>
        %dma_wait3A_678 = arith.constant 0 : i32
        %dma_wait3A_679 = tpu.memref_slice %arg9[%dma_wait3A_673, %dma_wait3A_678] : memref<8x512xi32, #tpu.memory_space<vmem>> -> memref<1x128xi32, #tpu.memory_space<vmem>>
        %dma_wait3A_680 = tpu.memref_squeeze %dma_wait3A_679 : memref<1x128xi32, #tpu.memory_space<vmem>> -> memref<128xi32, #tpu.memory_space<vmem>>
        %dma_wait3A_681 = arith.constant 0 : i32
        %dma_wait3A_682 = tpu.memref_slice %arg5[%dma_wait3A_681] : memref<1000000xf32, #tpu.memory_space<vmem_shared>> -> memref<1000000xf32, #tpu.memory_space<vmem_shared>>
        tpu.wait_indirect_dma semaphore(%arg12 : memref<!tpu.dma_semaphore, #tpu.memory_space<semaphore_mem>>) src(%dma_wait3A_682 : memref<1000000xf32, #tpu.memory_space<vmem_shared>>) dst(%dma_wait3A_677 : memref<128xf32, #tpu.memory_space<vmem>>)
        %dma_wait3A_683 = arith.constant 0 : i32
        %dma_wait3A_684 = arith.constant 0 : i32
        %dma_wait3A_685 = arith.constant 128 : i32
        %dma_wait3A_686 = tpu.memref_slice %arg11[%dma_wait3A_684, %dma_wait3A_685] : memref<8x512xf32, #tpu.memory_space<vmem>> -> memref<1x128xf32, #tpu.memory_space<vmem>>
        %dma_wait3A_687 = tpu.memref_squeeze %dma_wait3A_686 : memref<1x128xf32, #tpu.memory_space<vmem>> -> memref<128xf32, #tpu.memory_space<vmem>>
        %dma_wait3A_688 = arith.constant 128 : i32
        %dma_wait3A_689 = tpu.memref_slice %arg9[%dma_wait3A_683, %dma_wait3A_688] : memref<8x512xi32, #tpu.memory_space<vmem>> -> memref<1x128xi32, #tpu.memory_space<vmem>>
        %dma_wait3A_690 = tpu.memref_squeeze %dma_wait3A_689 : memref<1x128xi32, #tpu.memory_space<vmem>> -> memref<128xi32, #tpu.memory_space<vmem>>
        %dma_wait3A_691 = arith.constant 0 : i32
        %dma_wait3A_692 = tpu.memref_slice %arg5[%dma_wait3A_691] : memref<1000000xf32, #tpu.memory_space<vmem_shared>> -> memref<1000000xf32, #tpu.memory_space<vmem_shared>>
        tpu.wait_indirect_dma semaphore(%arg12 : memref<!tpu.dma_semaphore, #tpu.memory_space<semaphore_mem>>) src(%dma_wait3A_692 : memref<1000000xf32, #tpu.memory_space<vmem_shared>>) dst(%dma_wait3A_687 : memref<128xf32, #tpu.memory_space<vmem>>)
        %dma_wait3A_693 = arith.constant 0 : i32
        %dma_wait3A_694 = arith.constant 0 : i32
        %dma_wait3A_695 = arith.constant 256 : i32
        %dma_wait3A_696 = tpu.memref_slice %arg11[%dma_wait3A_694, %dma_wait3A_695] : memref<8x512xf32, #tpu.memory_space<vmem>> -> memref<1x128xf32, #tpu.memory_space<vmem>>
        %dma_wait3A_697 = tpu.memref_squeeze %dma_wait3A_696 : memref<1x128xf32, #tpu.memory_space<vmem>> -> memref<128xf32, #tpu.memory_space<vmem>>
        %dma_wait3A_698 = arith.constant 256 : i32
        %dma_wait3A_699 = tpu.memref_slice %arg9[%dma_wait3A_693, %dma_wait3A_698] : memref<8x512xi32, #tpu.memory_space<vmem>> -> memref<1x128xi32, #tpu.memory_space<vmem>>
        %dma_wait3A_700 = tpu.memref_squeeze %dma_wait3A_699 : memref<1x128xi32, #tpu.memory_space<vmem>> -> memref<128xi32, #tpu.memory_space<vmem>>
        %dma_wait3A_701 = arith.constant 0 : i32
        %dma_wait3A_702 = tpu.memref_slice %arg5[%dma_wait3A_701] : memref<1000000xf32, #tpu.memory_space<vmem_shared>> -> memref<1000000xf32, #tpu.memory_space<vmem_shared>>
        tpu.wait_indirect_dma semaphore(%arg12 : memref<!tpu.dma_semaphore, #tpu.memory_space<semaphore_mem>>) src(%dma_wait3A_702 : memref<1000000xf32, #tpu.memory_space<vmem_shared>>) dst(%dma_wait3A_697 : memref<128xf32, #tpu.memory_space<vmem>>)
        %dma_wait3A_703 = arith.constant 0 : i32
        %dma_wait3A_704 = arith.constant 0 : i32
        %dma_wait3A_705 = arith.constant 384 : i32
        %dma_wait3A_706 = tpu.memref_slice %arg11[%dma_wait3A_704, %dma_wait3A_705] : memref<8x512xf32, #tpu.memory_space<vmem>> -> memref<1x128xf32, #tpu.memory_space<vmem>>
        %dma_wait3A_707 = tpu.memref_squeeze %dma_wait3A_706 : memref<1x128xf32, #tpu.memory_space<vmem>> -> memref<128xf32, #tpu.memory_space<vmem>>
        %dma_wait3A_708 = arith.constant 384 : i32
        %dma_wait3A_709 = tpu.memref_slice %arg9[%dma_wait3A_703, %dma_wait3A_708] : memref<8x512xi32, #tpu.memory_space<vmem>> -> memref<1x128xi32, #tpu.memory_space<vmem>>
        %dma_wait3A_710 = tpu.memref_squeeze %dma_wait3A_709 : memref<1x128xi32, #tpu.memory_space<vmem>> -> memref<128xi32, #tpu.memory_space<vmem>>
        %dma_wait3A_711 = arith.constant 0 : i32
        %dma_wait3A_712 = tpu.memref_slice %arg5[%dma_wait3A_711] : memref<1000000xf32, #tpu.memory_space<vmem_shared>> -> memref<1000000xf32, #tpu.memory_space<vmem_shared>>
        tpu.wait_indirect_dma semaphore(%arg12 : memref<!tpu.dma_semaphore, #tpu.memory_space<semaphore_mem>>) src(%dma_wait3A_712 : memref<1000000xf32, #tpu.memory_space<vmem_shared>>) dst(%dma_wait3A_707 : memref<128xf32, #tpu.memory_space<vmem>>)
        %dma_wait3A_713 = arith.constant 1 : i32
        %dma_wait3A_714 = arith.constant 1 : i32
        %dma_wait3A_715 = arith.constant 0 : i32
        %dma_wait3A_716 = tpu.memref_slice %arg11[%dma_wait3A_714, %dma_wait3A_715] : memref<8x512xf32, #tpu.memory_space<vmem>> -> memref<1x128xf32, #tpu.memory_space<vmem>>
        %dma_wait3A_717 = tpu.memref_squeeze %dma_wait3A_716 : memref<1x128xf32, #tpu.memory_space<vmem>> -> memref<128xf32, #tpu.memory_space<vmem>>
        %dma_wait3A_718 = arith.constant 0 : i32
        %dma_wait3A_719 = tpu.memref_slice %arg9[%dma_wait3A_713, %dma_wait3A_718] : memref<8x512xi32, #tpu.memory_space<vmem>> -> memref<1x128xi32, #tpu.memory_space<vmem>>
        %dma_wait3A_720 = tpu.memref_squeeze %dma_wait3A_719 : memref<1x128xi32, #tpu.memory_space<vmem>> -> memref<128xi32, #tpu.memory_space<vmem>>
        %dma_wait3A_721 = arith.constant 0 : i32
        %dma_wait3A_722 = tpu.memref_slice %arg5[%dma_wait3A_721] : memref<1000000xf32, #tpu.memory_space<vmem_shared>> -> memref<1000000xf32, #tpu.memory_space<vmem_shared>>
        tpu.wait_indirect_dma semaphore(%arg12 : memref<!tpu.dma_semaphore, #tpu.memory_space<semaphore_mem>>) src(%dma_wait3A_722 : memref<1000000xf32, #tpu.memory_space<vmem_shared>>) dst(%dma_wait3A_717 : memref<128xf32, #tpu.memory_space<vmem>>)
        %dma_wait3A_723 = arith.constant 1 : i32
        %dma_wait3A_724 = arith.constant 1 : i32
        %dma_wait3A_725 = arith.constant 128 : i32
        %dma_wait3A_726 = tpu.memref_slice %arg11[%dma_wait3A_724, %dma_wait3A_725] : memref<8x512xf32, #tpu.memory_space<vmem>> -> memref<1x128xf32, #tpu.memory_space<vmem>>
        %dma_wait3A_727 = tpu.memref_squeeze %dma_wait3A_726 : memref<1x128xf32, #tpu.memory_space<vmem>> -> memref<128xf32, #tpu.memory_space<vmem>>
        %dma_wait3A_728 = arith.constant 128 : i32
        %dma_wait3A_729 = tpu.memref_slice %arg9[%dma_wait3A_723, %dma_wait3A_728] : memref<8x512xi32, #tpu.memory_space<vmem>> -> memref<1x128xi32, #tpu.memory_space<vmem>>
        %dma_wait3A_730 = tpu.memref_squeeze %dma_wait3A_729 : memref<1x128xi32, #tpu.memory_space<vmem>> -> memref<128xi32, #tpu.memory_space<vmem>>
        %dma_wait3A_731 = arith.constant 0 : i32
        %dma_wait3A_732 = tpu.memref_slice %arg5[%dma_wait3A_731] : memref<1000000xf32, #tpu.memory_space<vmem_shared>> -> memref<1000000xf32, #tpu.memory_space<vmem_shared>>
        tpu.wait_indirect_dma semaphore(%arg12 : memref<!tpu.dma_semaphore, #tpu.memory_space<semaphore_mem>>) src(%dma_wait3A_732 : memref<1000000xf32, #tpu.memory_space<vmem_shared>>) dst(%dma_wait3A_727 : memref<128xf32, #tpu.memory_space<vmem>>)
        %dma_wait3A_733 = arith.constant 1 : i32
        %dma_wait3A_734 = arith.constant 1 : i32
        %dma_wait3A_735 = arith.constant 256 : i32
        %dma_wait3A_736 = tpu.memref_slice %arg11[%dma_wait3A_734, %dma_wait3A_735] : memref<8x512xf32, #tpu.memory_space<vmem>> -> memref<1x128xf32, #tpu.memory_space<vmem>>
        %dma_wait3A_737 = tpu.memref_squeeze %dma_wait3A_736 : memref<1x128xf32, #tpu.memory_space<vmem>> -> memref<128xf32, #tpu.memory_space<vmem>>
        %dma_wait3A_738 = arith.constant 256 : i32
        %dma_wait3A_739 = tpu.memref_slice %arg9[%dma_wait3A_733, %dma_wait3A_738] : memref<8x512xi32, #tpu.memory_space<vmem>> -> memref<1x128xi32, #tpu.memory_space<vmem>>
        %dma_wait3A_740 = tpu.memref_squeeze %dma_wait3A_739 : memref<1x128xi32, #tpu.memory_space<vmem>> -> memref<128xi32, #tpu.memory_space<vmem>>
        %dma_wait3A_741 = arith.constant 0 : i32
        %dma_wait3A_742 = tpu.memref_slice %arg5[%dma_wait3A_741] : memref<1000000xf32, #tpu.memory_space<vmem_shared>> -> memref<1000000xf32, #tpu.memory_space<vmem_shared>>
        tpu.wait_indirect_dma semaphore(%arg12 : memref<!tpu.dma_semaphore, #tpu.memory_space<semaphore_mem>>) src(%dma_wait3A_742 : memref<1000000xf32, #tpu.memory_space<vmem_shared>>) dst(%dma_wait3A_737 : memref<128xf32, #tpu.memory_space<vmem>>)
        %dma_wait3A_743 = arith.constant 1 : i32
        %dma_wait3A_744 = arith.constant 1 : i32
        %dma_wait3A_745 = arith.constant 384 : i32
        %dma_wait3A_746 = tpu.memref_slice %arg11[%dma_wait3A_744, %dma_wait3A_745] : memref<8x512xf32, #tpu.memory_space<vmem>> -> memref<1x128xf32, #tpu.memory_space<vmem>>
        %dma_wait3A_747 = tpu.memref_squeeze %dma_wait3A_746 : memref<1x128xf32, #tpu.memory_space<vmem>> -> memref<128xf32, #tpu.memory_space<vmem>>
        %dma_wait3A_748 = arith.constant 384 : i32
        %dma_wait3A_749 = tpu.memref_slice %arg9[%dma_wait3A_743, %dma_wait3A_748] : memref<8x512xi32, #tpu.memory_space<vmem>> -> memref<1x128xi32, #tpu.memory_space<vmem>>
        %dma_wait3A_750 = tpu.memref_squeeze %dma_wait3A_749 : memref<1x128xi32, #tpu.memory_space<vmem>> -> memref<128xi32, #tpu.memory_space<vmem>>
        %dma_wait3A_751 = arith.constant 0 : i32
        %dma_wait3A_752 = tpu.memref_slice %arg5[%dma_wait3A_751] : memref<1000000xf32, #tpu.memory_space<vmem_shared>> -> memref<1000000xf32, #tpu.memory_space<vmem_shared>>
        tpu.wait_indirect_dma semaphore(%arg12 : memref<!tpu.dma_semaphore, #tpu.memory_space<semaphore_mem>>) src(%dma_wait3A_752 : memref<1000000xf32, #tpu.memory_space<vmem_shared>>) dst(%dma_wait3A_747 : memref<128xf32, #tpu.memory_space<vmem>>)
        %dma_wait3A_753 = arith.constant 2 : i32
        %dma_wait3A_754 = arith.constant 2 : i32
        %dma_wait3A_755 = arith.constant 0 : i32
        %dma_wait3A_756 = tpu.memref_slice %arg11[%dma_wait3A_754, %dma_wait3A_755] : memref<8x512xf32, #tpu.memory_space<vmem>> -> memref<1x128xf32, #tpu.memory_space<vmem>>
        %dma_wait3A_757 = tpu.memref_squeeze %dma_wait3A_756 : memref<1x128xf32, #tpu.memory_space<vmem>> -> memref<128xf32, #tpu.memory_space<vmem>>
        %dma_wait3A_758 = arith.constant 0 : i32
        %dma_wait3A_759 = tpu.memref_slice %arg9[%dma_wait3A_753, %dma_wait3A_758] : memref<8x512xi32, #tpu.memory_space<vmem>> -> memref<1x128xi32, #tpu.memory_space<vmem>>
        %dma_wait3A_760 = tpu.memref_squeeze %dma_wait3A_759 : memref<1x128xi32, #tpu.memory_space<vmem>> -> memref<128xi32, #tpu.memory_space<vmem>>
        %dma_wait3A_761 = arith.constant 0 : i32
        %dma_wait3A_762 = tpu.memref_slice %arg5[%dma_wait3A_761] : memref<1000000xf32, #tpu.memory_space<vmem_shared>> -> memref<1000000xf32, #tpu.memory_space<vmem_shared>>
        tpu.wait_indirect_dma semaphore(%arg12 : memref<!tpu.dma_semaphore, #tpu.memory_space<semaphore_mem>>) src(%dma_wait3A_762 : memref<1000000xf32, #tpu.memory_space<vmem_shared>>) dst(%dma_wait3A_757 : memref<128xf32, #tpu.memory_space<vmem>>)
        %dma_wait3A_763 = arith.constant 2 : i32
        %dma_wait3A_764 = arith.constant 2 : i32
        %dma_wait3A_765 = arith.constant 128 : i32
        %dma_wait3A_766 = tpu.memref_slice %arg11[%dma_wait3A_764, %dma_wait3A_765] : memref<8x512xf32, #tpu.memory_space<vmem>> -> memref<1x128xf32, #tpu.memory_space<vmem>>
        %dma_wait3A_767 = tpu.memref_squeeze %dma_wait3A_766 : memref<1x128xf32, #tpu.memory_space<vmem>> -> memref<128xf32, #tpu.memory_space<vmem>>
        %dma_wait3A_768 = arith.constant 128 : i32
        %dma_wait3A_769 = tpu.memref_slice %arg9[%dma_wait3A_763, %dma_wait3A_768] : memref<8x512xi32, #tpu.memory_space<vmem>> -> memref<1x128xi32, #tpu.memory_space<vmem>>
        %dma_wait3A_770 = tpu.memref_squeeze %dma_wait3A_769 : memref<1x128xi32, #tpu.memory_space<vmem>> -> memref<128xi32, #tpu.memory_space<vmem>>
        %dma_wait3A_771 = arith.constant 0 : i32
        %dma_wait3A_772 = tpu.memref_slice %arg5[%dma_wait3A_771] : memref<1000000xf32, #tpu.memory_space<vmem_shared>> -> memref<1000000xf32, #tpu.memory_space<vmem_shared>>
        tpu.wait_indirect_dma semaphore(%arg12 : memref<!tpu.dma_semaphore, #tpu.memory_space<semaphore_mem>>) src(%dma_wait3A_772 : memref<1000000xf32, #tpu.memory_space<vmem_shared>>) dst(%dma_wait3A_767 : memref<128xf32, #tpu.memory_space<vmem>>)
        %dma_wait3A_773 = arith.constant 2 : i32
        %dma_wait3A_774 = arith.constant 2 : i32
        %dma_wait3A_775 = arith.constant 256 : i32
        %dma_wait3A_776 = tpu.memref_slice %arg11[%dma_wait3A_774, %dma_wait3A_775] : memref<8x512xf32, #tpu.memory_space<vmem>> -> memref<1x128xf32, #tpu.memory_space<vmem>>
        %dma_wait3A_777 = tpu.memref_squeeze %dma_wait3A_776 : memref<1x128xf32, #tpu.memory_space<vmem>> -> memref<128xf32, #tpu.memory_space<vmem>>
        %dma_wait3A_778 = arith.constant 256 : i32
        %dma_wait3A_779 = tpu.memref_slice %arg9[%dma_wait3A_773, %dma_wait3A_778] : memref<8x512xi32, #tpu.memory_space<vmem>> -> memref<1x128xi32, #tpu.memory_space<vmem>>
        %dma_wait3A_780 = tpu.memref_squeeze %dma_wait3A_779 : memref<1x128xi32, #tpu.memory_space<vmem>> -> memref<128xi32, #tpu.memory_space<vmem>>
        %dma_wait3A_781 = arith.constant 0 : i32
        %dma_wait3A_782 = tpu.memref_slice %arg5[%dma_wait3A_781] : memref<1000000xf32, #tpu.memory_space<vmem_shared>> -> memref<1000000xf32, #tpu.memory_space<vmem_shared>>
        tpu.wait_indirect_dma semaphore(%arg12 : memref<!tpu.dma_semaphore, #tpu.memory_space<semaphore_mem>>) src(%dma_wait3A_782 : memref<1000000xf32, #tpu.memory_space<vmem_shared>>) dst(%dma_wait3A_777 : memref<128xf32, #tpu.memory_space<vmem>>)
        %dma_wait3A_783 = arith.constant 2 : i32
        %dma_wait3A_784 = arith.constant 2 : i32
        %dma_wait3A_785 = arith.constant 384 : i32
        %dma_wait3A_786 = tpu.memref_slice %arg11[%dma_wait3A_784, %dma_wait3A_785] : memref<8x512xf32, #tpu.memory_space<vmem>> -> memref<1x128xf32, #tpu.memory_space<vmem>>
        %dma_wait3A_787 = tpu.memref_squeeze %dma_wait3A_786 : memref<1x128xf32, #tpu.memory_space<vmem>> -> memref<128xf32, #tpu.memory_space<vmem>>
        %dma_wait3A_788 = arith.constant 384 : i32
        %dma_wait3A_789 = tpu.memref_slice %arg9[%dma_wait3A_783, %dma_wait3A_788] : memref<8x512xi32, #tpu.memory_space<vmem>> -> memref<1x128xi32, #tpu.memory_space<vmem>>
        %dma_wait3A_790 = tpu.memref_squeeze %dma_wait3A_789 : memref<1x128xi32, #tpu.memory_space<vmem>> -> memref<128xi32, #tpu.memory_space<vmem>>
        %dma_wait3A_791 = arith.constant 0 : i32
        %dma_wait3A_792 = tpu.memref_slice %arg5[%dma_wait3A_791] : memref<1000000xf32, #tpu.memory_space<vmem_shared>> -> memref<1000000xf32, #tpu.memory_space<vmem_shared>>
        tpu.wait_indirect_dma semaphore(%arg12 : memref<!tpu.dma_semaphore, #tpu.memory_space<semaphore_mem>>) src(%dma_wait3A_792 : memref<1000000xf32, #tpu.memory_space<vmem_shared>>) dst(%dma_wait3A_787 : memref<128xf32, #tpu.memory_space<vmem>>)
        %dma_wait3A_793 = arith.constant 3 : i32
        %dma_wait3A_794 = arith.constant 3 : i32
        %dma_wait3A_795 = arith.constant 0 : i32
        %dma_wait3A_796 = tpu.memref_slice %arg11[%dma_wait3A_794, %dma_wait3A_795] : memref<8x512xf32, #tpu.memory_space<vmem>> -> memref<1x128xf32, #tpu.memory_space<vmem>>
        %dma_wait3A_797 = tpu.memref_squeeze %dma_wait3A_796 : memref<1x128xf32, #tpu.memory_space<vmem>> -> memref<128xf32, #tpu.memory_space<vmem>>
        %dma_wait3A_798 = arith.constant 0 : i32
        %dma_wait3A_799 = tpu.memref_slice %arg9[%dma_wait3A_793, %dma_wait3A_798] : memref<8x512xi32, #tpu.memory_space<vmem>> -> memref<1x128xi32, #tpu.memory_space<vmem>>
        %dma_wait3A_800 = tpu.memref_squeeze %dma_wait3A_799 : memref<1x128xi32, #tpu.memory_space<vmem>> -> memref<128xi32, #tpu.memory_space<vmem>>
        %dma_wait3A_801 = arith.constant 0 : i32
        %dma_wait3A_802 = tpu.memref_slice %arg5[%dma_wait3A_801] : memref<1000000xf32, #tpu.memory_space<vmem_shared>> -> memref<1000000xf32, #tpu.memory_space<vmem_shared>>
        tpu.wait_indirect_dma semaphore(%arg12 : memref<!tpu.dma_semaphore, #tpu.memory_space<semaphore_mem>>) src(%dma_wait3A_802 : memref<1000000xf32, #tpu.memory_space<vmem_shared>>) dst(%dma_wait3A_797 : memref<128xf32, #tpu.memory_space<vmem>>)
        %dma_wait3A_803 = arith.constant 3 : i32
        %dma_wait3A_804 = arith.constant 3 : i32
        %dma_wait3A_805 = arith.constant 128 : i32
        %dma_wait3A_806 = tpu.memref_slice %arg11[%dma_wait3A_804, %dma_wait3A_805] : memref<8x512xf32, #tpu.memory_space<vmem>> -> memref<1x128xf32, #tpu.memory_space<vmem>>
        %dma_wait3A_807 = tpu.memref_squeeze %dma_wait3A_806 : memref<1x128xf32, #tpu.memory_space<vmem>> -> memref<128xf32, #tpu.memory_space<vmem>>
        %dma_wait3A_808 = arith.constant 128 : i32
        %dma_wait3A_809 = tpu.memref_slice %arg9[%dma_wait3A_803, %dma_wait3A_808] : memref<8x512xi32, #tpu.memory_space<vmem>> -> memref<1x128xi32, #tpu.memory_space<vmem>>
        %dma_wait3A_810 = tpu.memref_squeeze %dma_wait3A_809 : memref<1x128xi32, #tpu.memory_space<vmem>> -> memref<128xi32, #tpu.memory_space<vmem>>
        %dma_wait3A_811 = arith.constant 0 : i32
        %dma_wait3A_812 = tpu.memref_slice %arg5[%dma_wait3A_811] : memref<1000000xf32, #tpu.memory_space<vmem_shared>> -> memref<1000000xf32, #tpu.memory_space<vmem_shared>>
        tpu.wait_indirect_dma semaphore(%arg12 : memref<!tpu.dma_semaphore, #tpu.memory_space<semaphore_mem>>) src(%dma_wait3A_812 : memref<1000000xf32, #tpu.memory_space<vmem_shared>>) dst(%dma_wait3A_807 : memref<128xf32, #tpu.memory_space<vmem>>)
        %dma_wait3A_813 = arith.constant 3 : i32
        %dma_wait3A_814 = arith.constant 3 : i32
        %dma_wait3A_815 = arith.constant 256 : i32
        %dma_wait3A_816 = tpu.memref_slice %arg11[%dma_wait3A_814, %dma_wait3A_815] : memref<8x512xf32, #tpu.memory_space<vmem>> -> memref<1x128xf32, #tpu.memory_space<vmem>>
        %dma_wait3A_817 = tpu.memref_squeeze %dma_wait3A_816 : memref<1x128xf32, #tpu.memory_space<vmem>> -> memref<128xf32, #tpu.memory_space<vmem>>
        %dma_wait3A_818 = arith.constant 256 : i32
        %dma_wait3A_819 = tpu.memref_slice %arg9[%dma_wait3A_813, %dma_wait3A_818] : memref<8x512xi32, #tpu.memory_space<vmem>> -> memref<1x128xi32, #tpu.memory_space<vmem>>
        %dma_wait3A_820 = tpu.memref_squeeze %dma_wait3A_819 : memref<1x128xi32, #tpu.memory_space<vmem>> -> memref<128xi32, #tpu.memory_space<vmem>>
        %dma_wait3A_821 = arith.constant 0 : i32
        %dma_wait3A_822 = tpu.memref_slice %arg5[%dma_wait3A_821] : memref<1000000xf32, #tpu.memory_space<vmem_shared>> -> memref<1000000xf32, #tpu.memory_space<vmem_shared>>
        tpu.wait_indirect_dma semaphore(%arg12 : memref<!tpu.dma_semaphore, #tpu.memory_space<semaphore_mem>>) src(%dma_wait3A_822 : memref<1000000xf32, #tpu.memory_space<vmem_shared>>) dst(%dma_wait3A_817 : memref<128xf32, #tpu.memory_space<vmem>>)
        %dma_wait3A_823 = arith.constant 3 : i32
        %dma_wait3A_824 = arith.constant 3 : i32
        %dma_wait3A_825 = arith.constant 384 : i32
        %dma_wait3A_826 = tpu.memref_slice %arg11[%dma_wait3A_824, %dma_wait3A_825] : memref<8x512xf32, #tpu.memory_space<vmem>> -> memref<1x128xf32, #tpu.memory_space<vmem>>
        %dma_wait3A_827 = tpu.memref_squeeze %dma_wait3A_826 : memref<1x128xf32, #tpu.memory_space<vmem>> -> memref<128xf32, #tpu.memory_space<vmem>>
        %dma_wait3A_828 = arith.constant 384 : i32
        %dma_wait3A_829 = tpu.memref_slice %arg9[%dma_wait3A_823, %dma_wait3A_828] : memref<8x512xi32, #tpu.memory_space<vmem>> -> memref<1x128xi32, #tpu.memory_space<vmem>>
        %dma_wait3A_830 = tpu.memref_squeeze %dma_wait3A_829 : memref<1x128xi32, #tpu.memory_space<vmem>> -> memref<128xi32, #tpu.memory_space<vmem>>
        %dma_wait3A_831 = arith.constant 0 : i32
        %dma_wait3A_832 = tpu.memref_slice %arg5[%dma_wait3A_831] : memref<1000000xf32, #tpu.memory_space<vmem_shared>> -> memref<1000000xf32, #tpu.memory_space<vmem_shared>>
        tpu.wait_indirect_dma semaphore(%arg12 : memref<!tpu.dma_semaphore, #tpu.memory_space<semaphore_mem>>) src(%dma_wait3A_832 : memref<1000000xf32, #tpu.memory_space<vmem_shared>>) dst(%dma_wait3A_827 : memref<128xf32, #tpu.memory_space<vmem>>)
        %dma_wait3A_833 = arith.constant 4 : i32
        %dma_wait3A_834 = arith.constant 4 : i32
        %dma_wait3A_835 = arith.constant 0 : i32
        %dma_wait3A_836 = tpu.memref_slice %arg11[%dma_wait3A_834, %dma_wait3A_835] : memref<8x512xf32, #tpu.memory_space<vmem>> -> memref<1x128xf32, #tpu.memory_space<vmem>>
        %dma_wait3A_837 = tpu.memref_squeeze %dma_wait3A_836 : memref<1x128xf32, #tpu.memory_space<vmem>> -> memref<128xf32, #tpu.memory_space<vmem>>
        %dma_wait3A_838 = arith.constant 0 : i32
        %dma_wait3A_839 = tpu.memref_slice %arg9[%dma_wait3A_833, %dma_wait3A_838] : memref<8x512xi32, #tpu.memory_space<vmem>> -> memref<1x128xi32, #tpu.memory_space<vmem>>
        %dma_wait3A_840 = tpu.memref_squeeze %dma_wait3A_839 : memref<1x128xi32, #tpu.memory_space<vmem>> -> memref<128xi32, #tpu.memory_space<vmem>>
        %dma_wait3A_841 = arith.constant 0 : i32
        %dma_wait3A_842 = tpu.memref_slice %arg5[%dma_wait3A_841] : memref<1000000xf32, #tpu.memory_space<vmem_shared>> -> memref<1000000xf32, #tpu.memory_space<vmem_shared>>
        tpu.wait_indirect_dma semaphore(%arg12 : memref<!tpu.dma_semaphore, #tpu.memory_space<semaphore_mem>>) src(%dma_wait3A_842 : memref<1000000xf32, #tpu.memory_space<vmem_shared>>) dst(%dma_wait3A_837 : memref<128xf32, #tpu.memory_space<vmem>>)
        %dma_wait3A_843 = arith.constant 4 : i32
        %dma_wait3A_844 = arith.constant 4 : i32
        %dma_wait3A_845 = arith.constant 128 : i32
        %dma_wait3A_846 = tpu.memref_slice %arg11[%dma_wait3A_844, %dma_wait3A_845] : memref<8x512xf32, #tpu.memory_space<vmem>> -> memref<1x128xf32, #tpu.memory_space<vmem>>
        %dma_wait3A_847 = tpu.memref_squeeze %dma_wait3A_846 : memref<1x128xf32, #tpu.memory_space<vmem>> -> memref<128xf32, #tpu.memory_space<vmem>>
        %dma_wait3A_848 = arith.constant 128 : i32
        %dma_wait3A_849 = tpu.memref_slice %arg9[%dma_wait3A_843, %dma_wait3A_848] : memref<8x512xi32, #tpu.memory_space<vmem>> -> memref<1x128xi32, #tpu.memory_space<vmem>>
        %dma_wait3A_850 = tpu.memref_squeeze %dma_wait3A_849 : memref<1x128xi32, #tpu.memory_space<vmem>> -> memref<128xi32, #tpu.memory_space<vmem>>
        %dma_wait3A_851 = arith.constant 0 : i32
        %dma_wait3A_852 = tpu.memref_slice %arg5[%dma_wait3A_851] : memref<1000000xf32, #tpu.memory_space<vmem_shared>> -> memref<1000000xf32, #tpu.memory_space<vmem_shared>>
        tpu.wait_indirect_dma semaphore(%arg12 : memref<!tpu.dma_semaphore, #tpu.memory_space<semaphore_mem>>) src(%dma_wait3A_852 : memref<1000000xf32, #tpu.memory_space<vmem_shared>>) dst(%dma_wait3A_847 : memref<128xf32, #tpu.memory_space<vmem>>)
        %dma_wait3A_853 = arith.constant 4 : i32
        %dma_wait3A_854 = arith.constant 4 : i32
        %dma_wait3A_855 = arith.constant 256 : i32
        %dma_wait3A_856 = tpu.memref_slice %arg11[%dma_wait3A_854, %dma_wait3A_855] : memref<8x512xf32, #tpu.memory_space<vmem>> -> memref<1x128xf32, #tpu.memory_space<vmem>>
        %dma_wait3A_857 = tpu.memref_squeeze %dma_wait3A_856 : memref<1x128xf32, #tpu.memory_space<vmem>> -> memref<128xf32, #tpu.memory_space<vmem>>
        %dma_wait3A_858 = arith.constant 256 : i32
        %dma_wait3A_859 = tpu.memref_slice %arg9[%dma_wait3A_853, %dma_wait3A_858] : memref<8x512xi32, #tpu.memory_space<vmem>> -> memref<1x128xi32, #tpu.memory_space<vmem>>
        %dma_wait3A_860 = tpu.memref_squeeze %dma_wait3A_859 : memref<1x128xi32, #tpu.memory_space<vmem>> -> memref<128xi32, #tpu.memory_space<vmem>>
        %dma_wait3A_861 = arith.constant 0 : i32
        %dma_wait3A_862 = tpu.memref_slice %arg5[%dma_wait3A_861] : memref<1000000xf32, #tpu.memory_space<vmem_shared>> -> memref<1000000xf32, #tpu.memory_space<vmem_shared>>
        tpu.wait_indirect_dma semaphore(%arg12 : memref<!tpu.dma_semaphore, #tpu.memory_space<semaphore_mem>>) src(%dma_wait3A_862 : memref<1000000xf32, #tpu.memory_space<vmem_shared>>) dst(%dma_wait3A_857 : memref<128xf32, #tpu.memory_space<vmem>>)
        %dma_wait3A_863 = arith.constant 4 : i32
        %dma_wait3A_864 = arith.constant 4 : i32
        %dma_wait3A_865 = arith.constant 384 : i32
        %dma_wait3A_866 = tpu.memref_slice %arg11[%dma_wait3A_864, %dma_wait3A_865] : memref<8x512xf32, #tpu.memory_space<vmem>> -> memref<1x128xf32, #tpu.memory_space<vmem>>
        %dma_wait3A_867 = tpu.memref_squeeze %dma_wait3A_866 : memref<1x128xf32, #tpu.memory_space<vmem>> -> memref<128xf32, #tpu.memory_space<vmem>>
        %dma_wait3A_868 = arith.constant 384 : i32
        %dma_wait3A_869 = tpu.memref_slice %arg9[%dma_wait3A_863, %dma_wait3A_868] : memref<8x512xi32, #tpu.memory_space<vmem>> -> memref<1x128xi32, #tpu.memory_space<vmem>>
        %dma_wait3A_870 = tpu.memref_squeeze %dma_wait3A_869 : memref<1x128xi32, #tpu.memory_space<vmem>> -> memref<128xi32, #tpu.memory_space<vmem>>
        %dma_wait3A_871 = arith.constant 0 : i32
        %dma_wait3A_872 = tpu.memref_slice %arg5[%dma_wait3A_871] : memref<1000000xf32, #tpu.memory_space<vmem_shared>> -> memref<1000000xf32, #tpu.memory_space<vmem_shared>>
        tpu.wait_indirect_dma semaphore(%arg12 : memref<!tpu.dma_semaphore, #tpu.memory_space<semaphore_mem>>) src(%dma_wait3A_872 : memref<1000000xf32, #tpu.memory_space<vmem_shared>>) dst(%dma_wait3A_867 : memref<128xf32, #tpu.memory_space<vmem>>)
        %dma_wait3A_873 = arith.constant 5 : i32
        %dma_wait3A_874 = arith.constant 5 : i32
        %dma_wait3A_875 = arith.constant 0 : i32
        %dma_wait3A_876 = tpu.memref_slice %arg11[%dma_wait3A_874, %dma_wait3A_875] : memref<8x512xf32, #tpu.memory_space<vmem>> -> memref<1x128xf32, #tpu.memory_space<vmem>>
        %dma_wait3A_877 = tpu.memref_squeeze %dma_wait3A_876 : memref<1x128xf32, #tpu.memory_space<vmem>> -> memref<128xf32, #tpu.memory_space<vmem>>
        %dma_wait3A_878 = arith.constant 0 : i32
        %dma_wait3A_879 = tpu.memref_slice %arg9[%dma_wait3A_873, %dma_wait3A_878] : memref<8x512xi32, #tpu.memory_space<vmem>> -> memref<1x128xi32, #tpu.memory_space<vmem>>
        %dma_wait3A_880 = tpu.memref_squeeze %dma_wait3A_879 : memref<1x128xi32, #tpu.memory_space<vmem>> -> memref<128xi32, #tpu.memory_space<vmem>>
        %dma_wait3A_881 = arith.constant 0 : i32
        %dma_wait3A_882 = tpu.memref_slice %arg5[%dma_wait3A_881] : memref<1000000xf32, #tpu.memory_space<vmem_shared>> -> memref<1000000xf32, #tpu.memory_space<vmem_shared>>
        tpu.wait_indirect_dma semaphore(%arg12 : memref<!tpu.dma_semaphore, #tpu.memory_space<semaphore_mem>>) src(%dma_wait3A_882 : memref<1000000xf32, #tpu.memory_space<vmem_shared>>) dst(%dma_wait3A_877 : memref<128xf32, #tpu.memory_space<vmem>>)
        %dma_wait3A_883 = arith.constant 5 : i32
        %dma_wait3A_884 = arith.constant 5 : i32
        %dma_wait3A_885 = arith.constant 128 : i32
        %dma_wait3A_886 = tpu.memref_slice %arg11[%dma_wait3A_884, %dma_wait3A_885] : memref<8x512xf32, #tpu.memory_space<vmem>> -> memref<1x128xf32, #tpu.memory_space<vmem>>
        %dma_wait3A_887 = tpu.memref_squeeze %dma_wait3A_886 : memref<1x128xf32, #tpu.memory_space<vmem>> -> memref<128xf32, #tpu.memory_space<vmem>>
        %dma_wait3A_888 = arith.constant 128 : i32
        %dma_wait3A_889 = tpu.memref_slice %arg9[%dma_wait3A_883, %dma_wait3A_888] : memref<8x512xi32, #tpu.memory_space<vmem>> -> memref<1x128xi32, #tpu.memory_space<vmem>>
        %dma_wait3A_890 = tpu.memref_squeeze %dma_wait3A_889 : memref<1x128xi32, #tpu.memory_space<vmem>> -> memref<128xi32, #tpu.memory_space<vmem>>
        %dma_wait3A_891 = arith.constant 0 : i32
        %dma_wait3A_892 = tpu.memref_slice %arg5[%dma_wait3A_891] : memref<1000000xf32, #tpu.memory_space<vmem_shared>> -> memref<1000000xf32, #tpu.memory_space<vmem_shared>>
        tpu.wait_indirect_dma semaphore(%arg12 : memref<!tpu.dma_semaphore, #tpu.memory_space<semaphore_mem>>) src(%dma_wait3A_892 : memref<1000000xf32, #tpu.memory_space<vmem_shared>>) dst(%dma_wait3A_887 : memref<128xf32, #tpu.memory_space<vmem>>)
        %dma_wait3A_893 = arith.constant 5 : i32
        %dma_wait3A_894 = arith.constant 5 : i32
        %dma_wait3A_895 = arith.constant 256 : i32
        %dma_wait3A_896 = tpu.memref_slice %arg11[%dma_wait3A_894, %dma_wait3A_895] : memref<8x512xf32, #tpu.memory_space<vmem>> -> memref<1x128xf32, #tpu.memory_space<vmem>>
        %dma_wait3A_897 = tpu.memref_squeeze %dma_wait3A_896 : memref<1x128xf32, #tpu.memory_space<vmem>> -> memref<128xf32, #tpu.memory_space<vmem>>
        %dma_wait3A_898 = arith.constant 256 : i32
        %dma_wait3A_899 = tpu.memref_slice %arg9[%dma_wait3A_893, %dma_wait3A_898] : memref<8x512xi32, #tpu.memory_space<vmem>> -> memref<1x128xi32, #tpu.memory_space<vmem>>
        %dma_wait3A_900 = tpu.memref_squeeze %dma_wait3A_899 : memref<1x128xi32, #tpu.memory_space<vmem>> -> memref<128xi32, #tpu.memory_space<vmem>>
        %dma_wait3A_901 = arith.constant 0 : i32
        %dma_wait3A_902 = tpu.memref_slice %arg5[%dma_wait3A_901] : memref<1000000xf32, #tpu.memory_space<vmem_shared>> -> memref<1000000xf32, #tpu.memory_space<vmem_shared>>
        tpu.wait_indirect_dma semaphore(%arg12 : memref<!tpu.dma_semaphore, #tpu.memory_space<semaphore_mem>>) src(%dma_wait3A_902 : memref<1000000xf32, #tpu.memory_space<vmem_shared>>) dst(%dma_wait3A_897 : memref<128xf32, #tpu.memory_space<vmem>>)
        %dma_wait3A_903 = arith.constant 5 : i32
        %dma_wait3A_904 = arith.constant 5 : i32
        %dma_wait3A_905 = arith.constant 384 : i32
        %dma_wait3A_906 = tpu.memref_slice %arg11[%dma_wait3A_904, %dma_wait3A_905] : memref<8x512xf32, #tpu.memory_space<vmem>> -> memref<1x128xf32, #tpu.memory_space<vmem>>
        %dma_wait3A_907 = tpu.memref_squeeze %dma_wait3A_906 : memref<1x128xf32, #tpu.memory_space<vmem>> -> memref<128xf32, #tpu.memory_space<vmem>>
        %dma_wait3A_908 = arith.constant 384 : i32
        %dma_wait3A_909 = tpu.memref_slice %arg9[%dma_wait3A_903, %dma_wait3A_908] : memref<8x512xi32, #tpu.memory_space<vmem>> -> memref<1x128xi32, #tpu.memory_space<vmem>>
        %dma_wait3A_910 = tpu.memref_squeeze %dma_wait3A_909 : memref<1x128xi32, #tpu.memory_space<vmem>> -> memref<128xi32, #tpu.memory_space<vmem>>
        %dma_wait3A_911 = arith.constant 0 : i32
        %dma_wait3A_912 = tpu.memref_slice %arg5[%dma_wait3A_911] : memref<1000000xf32, #tpu.memory_space<vmem_shared>> -> memref<1000000xf32, #tpu.memory_space<vmem_shared>>
        tpu.wait_indirect_dma semaphore(%arg12 : memref<!tpu.dma_semaphore, #tpu.memory_space<semaphore_mem>>) src(%dma_wait3A_912 : memref<1000000xf32, #tpu.memory_space<vmem_shared>>) dst(%dma_wait3A_907 : memref<128xf32, #tpu.memory_space<vmem>>)
        %dma_wait3A_913 = arith.constant 6 : i32
        %dma_wait3A_914 = arith.constant 6 : i32
        %dma_wait3A_915 = arith.constant 0 : i32
        %dma_wait3A_916 = tpu.memref_slice %arg11[%dma_wait3A_914, %dma_wait3A_915] : memref<8x512xf32, #tpu.memory_space<vmem>> -> memref<1x128xf32, #tpu.memory_space<vmem>>
        %dma_wait3A_917 = tpu.memref_squeeze %dma_wait3A_916 : memref<1x128xf32, #tpu.memory_space<vmem>> -> memref<128xf32, #tpu.memory_space<vmem>>
        %dma_wait3A_918 = arith.constant 0 : i32
        %dma_wait3A_919 = tpu.memref_slice %arg9[%dma_wait3A_913, %dma_wait3A_918] : memref<8x512xi32, #tpu.memory_space<vmem>> -> memref<1x128xi32, #tpu.memory_space<vmem>>
        %dma_wait3A_920 = tpu.memref_squeeze %dma_wait3A_919 : memref<1x128xi32, #tpu.memory_space<vmem>> -> memref<128xi32, #tpu.memory_space<vmem>>
        %dma_wait3A_921 = arith.constant 0 : i32
        %dma_wait3A_922 = tpu.memref_slice %arg5[%dma_wait3A_921] : memref<1000000xf32, #tpu.memory_space<vmem_shared>> -> memref<1000000xf32, #tpu.memory_space<vmem_shared>>
        tpu.wait_indirect_dma semaphore(%arg12 : memref<!tpu.dma_semaphore, #tpu.memory_space<semaphore_mem>>) src(%dma_wait3A_922 : memref<1000000xf32, #tpu.memory_space<vmem_shared>>) dst(%dma_wait3A_917 : memref<128xf32, #tpu.memory_space<vmem>>)
        %dma_wait3A_923 = arith.constant 6 : i32
        %dma_wait3A_924 = arith.constant 6 : i32
        %dma_wait3A_925 = arith.constant 128 : i32
        %dma_wait3A_926 = tpu.memref_slice %arg11[%dma_wait3A_924, %dma_wait3A_925] : memref<8x512xf32, #tpu.memory_space<vmem>> -> memref<1x128xf32, #tpu.memory_space<vmem>>
        %dma_wait3A_927 = tpu.memref_squeeze %dma_wait3A_926 : memref<1x128xf32, #tpu.memory_space<vmem>> -> memref<128xf32, #tpu.memory_space<vmem>>
        %dma_wait3A_928 = arith.constant 128 : i32
        %dma_wait3A_929 = tpu.memref_slice %arg9[%dma_wait3A_923, %dma_wait3A_928] : memref<8x512xi32, #tpu.memory_space<vmem>> -> memref<1x128xi32, #tpu.memory_space<vmem>>
        %dma_wait3A_930 = tpu.memref_squeeze %dma_wait3A_929 : memref<1x128xi32, #tpu.memory_space<vmem>> -> memref<128xi32, #tpu.memory_space<vmem>>
        %dma_wait3A_931 = arith.constant 0 : i32
        %dma_wait3A_932 = tpu.memref_slice %arg5[%dma_wait3A_931] : memref<1000000xf32, #tpu.memory_space<vmem_shared>> -> memref<1000000xf32, #tpu.memory_space<vmem_shared>>
        tpu.wait_indirect_dma semaphore(%arg12 : memref<!tpu.dma_semaphore, #tpu.memory_space<semaphore_mem>>) src(%dma_wait3A_932 : memref<1000000xf32, #tpu.memory_space<vmem_shared>>) dst(%dma_wait3A_927 : memref<128xf32, #tpu.memory_space<vmem>>)
        %dma_wait3A_933 = arith.constant 6 : i32
        %dma_wait3A_934 = arith.constant 6 : i32
        %dma_wait3A_935 = arith.constant 256 : i32
        %dma_wait3A_936 = tpu.memref_slice %arg11[%dma_wait3A_934, %dma_wait3A_935] : memref<8x512xf32, #tpu.memory_space<vmem>> -> memref<1x128xf32, #tpu.memory_space<vmem>>
        %dma_wait3A_937 = tpu.memref_squeeze %dma_wait3A_936 : memref<1x128xf32, #tpu.memory_space<vmem>> -> memref<128xf32, #tpu.memory_space<vmem>>
        %dma_wait3A_938 = arith.constant 256 : i32
        %dma_wait3A_939 = tpu.memref_slice %arg9[%dma_wait3A_933, %dma_wait3A_938] : memref<8x512xi32, #tpu.memory_space<vmem>> -> memref<1x128xi32, #tpu.memory_space<vmem>>
        %dma_wait3A_940 = tpu.memref_squeeze %dma_wait3A_939 : memref<1x128xi32, #tpu.memory_space<vmem>> -> memref<128xi32, #tpu.memory_space<vmem>>
        %dma_wait3A_941 = arith.constant 0 : i32
        %dma_wait3A_942 = tpu.memref_slice %arg5[%dma_wait3A_941] : memref<1000000xf32, #tpu.memory_space<vmem_shared>> -> memref<1000000xf32, #tpu.memory_space<vmem_shared>>
        tpu.wait_indirect_dma semaphore(%arg12 : memref<!tpu.dma_semaphore, #tpu.memory_space<semaphore_mem>>) src(%dma_wait3A_942 : memref<1000000xf32, #tpu.memory_space<vmem_shared>>) dst(%dma_wait3A_937 : memref<128xf32, #tpu.memory_space<vmem>>)
        %dma_wait3A_943 = arith.constant 6 : i32
        %dma_wait3A_944 = arith.constant 6 : i32
        %dma_wait3A_945 = arith.constant 384 : i32
        %dma_wait3A_946 = tpu.memref_slice %arg11[%dma_wait3A_944, %dma_wait3A_945] : memref<8x512xf32, #tpu.memory_space<vmem>> -> memref<1x128xf32, #tpu.memory_space<vmem>>
        %dma_wait3A_947 = tpu.memref_squeeze %dma_wait3A_946 : memref<1x128xf32, #tpu.memory_space<vmem>> -> memref<128xf32, #tpu.memory_space<vmem>>
        %dma_wait3A_948 = arith.constant 384 : i32
        %dma_wait3A_949 = tpu.memref_slice %arg9[%dma_wait3A_943, %dma_wait3A_948] : memref<8x512xi32, #tpu.memory_space<vmem>> -> memref<1x128xi32, #tpu.memory_space<vmem>>
        %dma_wait3A_950 = tpu.memref_squeeze %dma_wait3A_949 : memref<1x128xi32, #tpu.memory_space<vmem>> -> memref<128xi32, #tpu.memory_space<vmem>>
        %dma_wait3A_951 = arith.constant 0 : i32
        %dma_wait3A_952 = tpu.memref_slice %arg5[%dma_wait3A_951] : memref<1000000xf32, #tpu.memory_space<vmem_shared>> -> memref<1000000xf32, #tpu.memory_space<vmem_shared>>
        tpu.wait_indirect_dma semaphore(%arg12 : memref<!tpu.dma_semaphore, #tpu.memory_space<semaphore_mem>>) src(%dma_wait3A_952 : memref<1000000xf32, #tpu.memory_space<vmem_shared>>) dst(%dma_wait3A_947 : memref<128xf32, #tpu.memory_space<vmem>>)
        %dma_wait3A_953 = arith.constant 7 : i32
        %dma_wait3A_954 = arith.constant 7 : i32
        %dma_wait3A_955 = arith.constant 0 : i32
        %dma_wait3A_956 = tpu.memref_slice %arg11[%dma_wait3A_954, %dma_wait3A_955] : memref<8x512xf32, #tpu.memory_space<vmem>> -> memref<1x128xf32, #tpu.memory_space<vmem>>
        %dma_wait3A_957 = tpu.memref_squeeze %dma_wait3A_956 : memref<1x128xf32, #tpu.memory_space<vmem>> -> memref<128xf32, #tpu.memory_space<vmem>>
        %dma_wait3A_958 = arith.constant 0 : i32
        %dma_wait3A_959 = tpu.memref_slice %arg9[%dma_wait3A_953, %dma_wait3A_958] : memref<8x512xi32, #tpu.memory_space<vmem>> -> memref<1x128xi32, #tpu.memory_space<vmem>>
        %dma_wait3A_960 = tpu.memref_squeeze %dma_wait3A_959 : memref<1x128xi32, #tpu.memory_space<vmem>> -> memref<128xi32, #tpu.memory_space<vmem>>
        %dma_wait3A_961 = arith.constant 0 : i32
        %dma_wait3A_962 = tpu.memref_slice %arg5[%dma_wait3A_961] : memref<1000000xf32, #tpu.memory_space<vmem_shared>> -> memref<1000000xf32, #tpu.memory_space<vmem_shared>>
        tpu.wait_indirect_dma semaphore(%arg12 : memref<!tpu.dma_semaphore, #tpu.memory_space<semaphore_mem>>) src(%dma_wait3A_962 : memref<1000000xf32, #tpu.memory_space<vmem_shared>>) dst(%dma_wait3A_957 : memref<128xf32, #tpu.memory_space<vmem>>)
        %dma_wait3A_963 = arith.constant 7 : i32
        %dma_wait3A_964 = arith.constant 7 : i32
        %dma_wait3A_965 = arith.constant 128 : i32
        %dma_wait3A_966 = tpu.memref_slice %arg11[%dma_wait3A_964, %dma_wait3A_965] : memref<8x512xf32, #tpu.memory_space<vmem>> -> memref<1x128xf32, #tpu.memory_space<vmem>>
        %dma_wait3A_967 = tpu.memref_squeeze %dma_wait3A_966 : memref<1x128xf32, #tpu.memory_space<vmem>> -> memref<128xf32, #tpu.memory_space<vmem>>
        %dma_wait3A_968 = arith.constant 128 : i32
        %dma_wait3A_969 = tpu.memref_slice %arg9[%dma_wait3A_963, %dma_wait3A_968] : memref<8x512xi32, #tpu.memory_space<vmem>> -> memref<1x128xi32, #tpu.memory_space<vmem>>
        %dma_wait3A_970 = tpu.memref_squeeze %dma_wait3A_969 : memref<1x128xi32, #tpu.memory_space<vmem>> -> memref<128xi32, #tpu.memory_space<vmem>>
        %dma_wait3A_971 = arith.constant 0 : i32
        %dma_wait3A_972 = tpu.memref_slice %arg5[%dma_wait3A_971] : memref<1000000xf32, #tpu.memory_space<vmem_shared>> -> memref<1000000xf32, #tpu.memory_space<vmem_shared>>
        tpu.wait_indirect_dma semaphore(%arg12 : memref<!tpu.dma_semaphore, #tpu.memory_space<semaphore_mem>>) src(%dma_wait3A_972 : memref<1000000xf32, #tpu.memory_space<vmem_shared>>) dst(%dma_wait3A_967 : memref<128xf32, #tpu.memory_space<vmem>>)
        %dma_wait3A_973 = arith.constant 7 : i32
        %dma_wait3A_974 = arith.constant 7 : i32
        %dma_wait3A_975 = arith.constant 256 : i32
        %dma_wait3A_976 = tpu.memref_slice %arg11[%dma_wait3A_974, %dma_wait3A_975] : memref<8x512xf32, #tpu.memory_space<vmem>> -> memref<1x128xf32, #tpu.memory_space<vmem>>
        %dma_wait3A_977 = tpu.memref_squeeze %dma_wait3A_976 : memref<1x128xf32, #tpu.memory_space<vmem>> -> memref<128xf32, #tpu.memory_space<vmem>>
        %dma_wait3A_978 = arith.constant 256 : i32
        %dma_wait3A_979 = tpu.memref_slice %arg9[%dma_wait3A_973, %dma_wait3A_978] : memref<8x512xi32, #tpu.memory_space<vmem>> -> memref<1x128xi32, #tpu.memory_space<vmem>>
        %dma_wait3A_980 = tpu.memref_squeeze %dma_wait3A_979 : memref<1x128xi32, #tpu.memory_space<vmem>> -> memref<128xi32, #tpu.memory_space<vmem>>
        %dma_wait3A_981 = arith.constant 0 : i32
        %dma_wait3A_982 = tpu.memref_slice %arg5[%dma_wait3A_981] : memref<1000000xf32, #tpu.memory_space<vmem_shared>> -> memref<1000000xf32, #tpu.memory_space<vmem_shared>>
        tpu.wait_indirect_dma semaphore(%arg12 : memref<!tpu.dma_semaphore, #tpu.memory_space<semaphore_mem>>) src(%dma_wait3A_982 : memref<1000000xf32, #tpu.memory_space<vmem_shared>>) dst(%dma_wait3A_977 : memref<128xf32, #tpu.memory_space<vmem>>)
        %dma_wait3A_983 = arith.constant 7 : i32
        %dma_wait3A_984 = arith.constant 7 : i32
        %dma_wait3A_985 = arith.constant 384 : i32
        %dma_wait3A_986 = tpu.memref_slice %arg11[%dma_wait3A_984, %dma_wait3A_985] : memref<8x512xf32, #tpu.memory_space<vmem>> -> memref<1x128xf32, #tpu.memory_space<vmem>>
        %dma_wait3A_987 = tpu.memref_squeeze %dma_wait3A_986 : memref<1x128xf32, #tpu.memory_space<vmem>> -> memref<128xf32, #tpu.memory_space<vmem>>
        %dma_wait3A_988 = arith.constant 384 : i32
        %dma_wait3A_989 = tpu.memref_slice %arg9[%dma_wait3A_983, %dma_wait3A_988] : memref<8x512xi32, #tpu.memory_space<vmem>> -> memref<1x128xi32, #tpu.memory_space<vmem>>
        %dma_wait3A_990 = tpu.memref_squeeze %dma_wait3A_989 : memref<1x128xi32, #tpu.memory_space<vmem>> -> memref<128xi32, #tpu.memory_space<vmem>>
        %dma_wait3A_991 = arith.constant 0 : i32
        %dma_wait3A_992 = tpu.memref_slice %arg5[%dma_wait3A_991] : memref<1000000xf32, #tpu.memory_space<vmem_shared>> -> memref<1000000xf32, #tpu.memory_space<vmem_shared>>
        tpu.wait_indirect_dma semaphore(%arg12 : memref<!tpu.dma_semaphore, #tpu.memory_space<semaphore_mem>>) src(%dma_wait3A_992 : memref<1000000xf32, #tpu.memory_space<vmem_shared>>) dst(%dma_wait3A_987 : memref<128xf32, #tpu.memory_space<vmem>>)
        %jit3A_993 = arith.constant 32 : i32
        %div3A_994 = arith.divsi %add3A_290, %jit3A_993 : i32
        %sign3A_995 = arith.constant 0 : i32
        %sign3A_996 = arith.cmpi sgt, %add3A_290, %sign3A_995 : i32
        %sign3A_997 = arith.extui %sign3A_996 : i1 to i32
        %sign3A_998 = arith.constant 0 : i32
        %sign3A_999 = arith.cmpi slt, %add3A_290, %sign3A_998 : i32
        %sign3A_1000 = arith.extui %sign3A_999 : i1 to i32
        %sign3A_1001 = arith.subi %sign3A_997, %sign3A_1000 : i32
        %sign3A_1002 = arith.constant 0 : i32
        %sign3A_1003 = arith.cmpi sgt, %jit3A_993, %sign3A_1002 : i32
        %sign3A_1004 = arith.extui %sign3A_1003 : i1 to i32
        %sign3A_1005 = arith.constant 0 : i32
        %sign3A_1006 = arith.cmpi slt, %jit3A_993, %sign3A_1005 : i32
        %sign3A_1007 = arith.extui %sign3A_1006 : i1 to i32
        %sign3A_1008 = arith.subi %sign3A_1004, %sign3A_1007 : i32
        %ne3A_1009 = arith.cmpi ne, %sign3A_1001, %sign3A_1008 : i32
        %rem3A_1010 = arith.remsi %add3A_290, %jit3A_993 : i32
        %ne3A_1011 = arith.constant 0 : i32
        %ne3A_1012 = arith.cmpi ne, %rem3A_1010, %ne3A_1011 : i32
        %and3A_1013 = arith.andi %ne3A_1009, %ne3A_1012 : i1
        %sub3A_1014 = arith.constant 1 : i32
        %sub3A_1015 = arith.subi %div3A_994, %sub3A_1014 : i32
        %select_n3A_1016 = arith.select %and3A_1013, %sub3A_1015, %div3A_994 : i32
        %jit3A_1017 = arith.constant 32 : i32
        %eq3A_1018 = arith.constant 0 : i32
        %eq3A_1019 = arith.cmpi eq, %jit3A_1017, %eq3A_1018 : i32
        %jit3A_1020 = arith.constant 1 : i32
        %select_n3A_1021 = arith.select %eq3A_1019, %jit3A_1020, %jit3A_1017 : i32
        %rem3A_1022 = arith.remsi %add3A_290, %select_n3A_1021 : i32
        %ne3A_1023 = arith.constant 0 : i32
        %ne3A_1024 = arith.cmpi ne, %rem3A_1022, %ne3A_1023 : i32
        %lt3A_1025 = arith.constant 0 : i32
        %lt3A_1026 = arith.cmpi slt, %rem3A_1022, %lt3A_1025 : i32
        %lt3A_1027 = arith.constant 0 : i32
        %lt3A_1028 = arith.cmpi slt, %select_n3A_1021, %lt3A_1027 : i32
        %ne3A_1029 = arith.xori %lt3A_1026, %lt3A_1028 : i1
        %and3A_1030 = arith.andi %ne3A_1029, %ne3A_1024 : i1
        %add3A_1031 = arith.addi %rem3A_1022, %select_n3A_1021 : i32
        %select_n3A_1032 = arith.select %and3A_1030, %add3A_1031, %rem3A_1022 : i32
        %mul3A_1033 = arith.constant 512 : i32
        %mul3A_1034 = arith.muli %select_n3A_1032, %mul3A_1033 : i32
        %dma_start3A_1035 = tpu.memref_reshape %arg4 : memref<200x16384xf32, #tpu.memory_space<hbm>> -> memref<25x8x16384xf32, #tpu.memory_space<hbm>>
        %dma_start3A_1036 = arith.constant 0 : i32
        %dma_start3A_1037 = tpu.memref_slice %dma_start3A_1035[%select_n3A_1016, %dma_start3A_1036, %mul3A_1034] : memref<25x8x16384xf32, #tpu.memory_space<hbm>> -> memref<1x8x512xf32, #tpu.memory_space<hbm>>
        %dma_start3A_1038 = tpu.memref_squeeze %dma_start3A_1037 : memref<1x8x512xf32, #tpu.memory_space<hbm>> -> memref<8x512xf32, #tpu.memory_space<hbm>>
        %dma_start3A_1039 = tpu.memref_reshape %arg4 : memref<200x16384xf32, #tpu.memory_space<hbm>> -> memref<25x8x16384xf32, #tpu.memory_space<hbm>>
        %dma_start3A_1040 = arith.constant 0 : i32
        %dma_start3A_1041 = tpu.memref_slice %dma_start3A_1039[%select_n3A_1016, %dma_start3A_1040, %mul3A_1034] : memref<25x8x16384xf32, #tpu.memory_space<hbm>> -> memref<1x8x512xf32, #tpu.memory_space<hbm>>
        %dma_start3A_1042 = tpu.memref_squeeze %dma_start3A_1041 : memref<1x8x512xf32, #tpu.memory_space<hbm>> -> memref<8x512xf32, #tpu.memory_space<hbm>>
        tpu.enqueue_dma source(%arg11 : memref<8x512xf32, #tpu.memory_space<vmem>>) target(%dma_start3A_1042 : memref<8x512xf32, #tpu.memory_space<hbm>>) target_semaphore(%arg16 : memref<!tpu.dma_semaphore, #tpu.memory_space<semaphore_mem>>)
      } else {
      }
    }
    %scan3A_169 = arith.constant 25 : i32
    %add3A_170 = arith.constant 25 : i32
    %add3A_171 = arith.addi %mul3A_164, %add3A_170 : i32
    %sub3A_172 = arith.constant 1 : i32
    %sub3A_173 = arith.subi %add3A_171, %sub3A_172 : i32
    %sub3A_174 = arith.constant 1 : i32
    %sub3A_175 = arith.subi %sub3A_173, %sub3A_174 : i32
    %jit3A_176 = arith.constant 32 : i32
    %div3A_177 = arith.divsi %sub3A_175, %jit3A_176 : i32
    %sign3A_178 = arith.constant 0 : i32
    %sign3A_179 = arith.cmpi sgt, %sub3A_175, %sign3A_178 : i32
    %sign3A_180 = arith.extui %sign3A_179 : i1 to i32
    %sign3A_181 = arith.constant 0 : i32
    %sign3A_182 = arith.cmpi slt, %sub3A_175, %sign3A_181 : i32
    %sign3A_183 = arith.extui %sign3A_182 : i1 to i32
    %sign3A_184 = arith.subi %sign3A_180, %sign3A_183 : i32
    %sign3A_185 = arith.constant 0 : i32
    %sign3A_186 = arith.cmpi sgt, %jit3A_176, %sign3A_185 : i32
    %sign3A_187 = arith.extui %sign3A_186 : i1 to i32
    %sign3A_188 = arith.constant 0 : i32
    %sign3A_189 = arith.cmpi slt, %jit3A_176, %sign3A_188 : i32
    %sign3A_190 = arith.extui %sign3A_189 : i1 to i32
    %sign3A_191 = arith.subi %sign3A_187, %sign3A_190 : i32
    %ne3A_192 = arith.cmpi ne, %sign3A_184, %sign3A_191 : i32
    %rem3A_193 = arith.remsi %sub3A_175, %jit3A_176 : i32
    %ne3A_194 = arith.constant 0 : i32
    %ne3A_195 = arith.cmpi ne, %rem3A_193, %ne3A_194 : i32
    %and3A_196 = arith.andi %ne3A_192, %ne3A_195 : i1
    %sub3A_197 = arith.constant 1 : i32
    %sub3A_198 = arith.subi %div3A_177, %sub3A_197 : i32
    %select_n3A_199 = arith.select %and3A_196, %sub3A_198, %div3A_177 : i32
    %jit3A_200 = arith.constant 32 : i32
    %eq3A_201 = arith.constant 0 : i32
    %eq3A_202 = arith.cmpi eq, %jit3A_200, %eq3A_201 : i32
    %jit3A_203 = arith.constant 1 : i32
    %select_n3A_204 = arith.select %eq3A_202, %jit3A_203, %jit3A_200 : i32
    %rem3A_205 = arith.remsi %sub3A_175, %select_n3A_204 : i32
    %ne3A_206 = arith.constant 0 : i32
    %ne3A_207 = arith.cmpi ne, %rem3A_205, %ne3A_206 : i32
    %lt3A_208 = arith.constant 0 : i32
    %lt3A_209 = arith.cmpi slt, %rem3A_205, %lt3A_208 : i32
    %lt3A_210 = arith.constant 0 : i32
    %lt3A_211 = arith.cmpi slt, %select_n3A_204, %lt3A_210 : i32
    %ne3A_212 = arith.xori %lt3A_209, %lt3A_211 : i1
    %and3A_213 = arith.andi %ne3A_212, %ne3A_207 : i1
    %add3A_214 = arith.addi %rem3A_205, %select_n3A_204 : i32
    %select_n3A_215 = arith.select %and3A_213, %add3A_214, %rem3A_205 : i32
    %mul3A_216 = arith.constant 512 : i32
    %mul3A_217 = arith.muli %select_n3A_215, %mul3A_216 : i32
    %dma_wait3A = tpu.memref_reshape %arg4 : memref<200x16384xf32, #tpu.memory_space<hbm>> -> memref<25x8x16384xf32, #tpu.memory_space<hbm>>
    %dma_wait3A_218 = arith.constant 0 : i32
    %dma_wait3A_219 = tpu.memref_slice %dma_wait3A[%select_n3A_199, %dma_wait3A_218, %mul3A_217] : memref<25x8x16384xf32, #tpu.memory_space<hbm>> -> memref<1x8x512xf32, #tpu.memory_space<hbm>>
    %dma_wait3A_220 = tpu.memref_squeeze %dma_wait3A_219 : memref<1x8x512xf32, #tpu.memory_space<hbm>> -> memref<8x512xf32, #tpu.memory_space<hbm>>
    %dma_wait3A_221 = tpu.memref_reshape %arg4 : memref<200x16384xf32, #tpu.memory_space<hbm>> -> memref<25x8x16384xf32, #tpu.memory_space<hbm>>
    %dma_wait3A_222 = arith.constant 0 : i32
    %dma_wait3A_223 = tpu.memref_slice %dma_wait3A_221[%select_n3A_199, %dma_wait3A_222, %mul3A_217] : memref<25x8x16384xf32, #tpu.memory_space<hbm>> -> memref<1x8x512xf32, #tpu.memory_space<hbm>>
    %dma_wait3A_224 = tpu.memref_squeeze %dma_wait3A_223 : memref<1x8x512xf32, #tpu.memory_space<hbm>> -> memref<8x512xf32, #tpu.memory_space<hbm>>
    tpu.wait_dma2 semaphore(%arg16 : memref<!tpu.dma_semaphore, #tpu.memory_space<semaphore_mem>>) src(%arg11 : memref<8x512xf32, #tpu.memory_space<vmem>>) dst(%dma_wait3A_224 : memref<8x512xf32, #tpu.memory_space<hbm>>)
    %jit3A_225 = arith.constant 32 : i32
    %div3A_226 = arith.divsi %sub3A_173, %jit3A_225 : i32
    %sign3A_227 = arith.constant 0 : i32
    %sign3A_228 = arith.cmpi sgt, %sub3A_173, %sign3A_227 : i32
    %sign3A_229 = arith.extui %sign3A_228 : i1 to i32
    %sign3A_230 = arith.constant 0 : i32
    %sign3A_231 = arith.cmpi slt, %sub3A_173, %sign3A_230 : i32
    %sign3A_232 = arith.extui %sign3A_231 : i1 to i32
    %sign3A_233 = arith.subi %sign3A_229, %sign3A_232 : i32
    %sign3A_234 = arith.constant 0 : i32
    %sign3A_235 = arith.cmpi sgt, %jit3A_225, %sign3A_234 : i32
    %sign3A_236 = arith.extui %sign3A_235 : i1 to i32
    %sign3A_237 = arith.constant 0 : i32
    %sign3A_238 = arith.cmpi slt, %jit3A_225, %sign3A_237 : i32
    %sign3A_239 = arith.extui %sign3A_238 : i1 to i32
    %sign3A_240 = arith.subi %sign3A_236, %sign3A_239 : i32
    %ne3A_241 = arith.cmpi ne, %sign3A_233, %sign3A_240 : i32
    %rem3A_242 = arith.remsi %sub3A_173, %jit3A_225 : i32
    %ne3A_243 = arith.constant 0 : i32
    %ne3A_244 = arith.cmpi ne, %rem3A_242, %ne3A_243 : i32
    %and3A_245 = arith.andi %ne3A_241, %ne3A_244 : i1
    %sub3A_246 = arith.constant 1 : i32
    %sub3A_247 = arith.subi %div3A_226, %sub3A_246 : i32
    %select_n3A_248 = arith.select %and3A_245, %sub3A_247, %div3A_226 : i32
    %jit3A_249 = arith.constant 32 : i32
    %eq3A_250 = arith.constant 0 : i32
    %eq3A_251 = arith.cmpi eq, %jit3A_249, %eq3A_250 : i32
    %jit3A_252 = arith.constant 1 : i32
    %select_n3A_253 = arith.select %eq3A_251, %jit3A_252, %jit3A_249 : i32
    %rem3A_254 = arith.remsi %sub3A_173, %select_n3A_253 : i32
    %ne3A_255 = arith.constant 0 : i32
    %ne3A_256 = arith.cmpi ne, %rem3A_254, %ne3A_255 : i32
    %lt3A_257 = arith.constant 0 : i32
    %lt3A_258 = arith.cmpi slt, %rem3A_254, %lt3A_257 : i32
    %lt3A_259 = arith.constant 0 : i32
    %lt3A_260 = arith.cmpi slt, %select_n3A_253, %lt3A_259 : i32
    %ne3A_261 = arith.xori %lt3A_258, %lt3A_260 : i1
    %and3A_262 = arith.andi %ne3A_261, %ne3A_256 : i1
    %add3A_263 = arith.addi %rem3A_254, %select_n3A_253 : i32
    %select_n3A_264 = arith.select %and3A_262, %add3A_263, %rem3A_254 : i32
    %mul3A_265 = arith.constant 512 : i32
    %mul3A_266 = arith.muli %select_n3A_264, %mul3A_265 : i32
    %dma_wait3A_267 = tpu.memref_reshape %arg4 : memref<200x16384xf32, #tpu.memory_space<hbm>> -> memref<25x8x16384xf32, #tpu.memory_space<hbm>>
    %dma_wait3A_268 = arith.constant 0 : i32
    %dma_wait3A_269 = tpu.memref_slice %dma_wait3A_267[%select_n3A_248, %dma_wait3A_268, %mul3A_266] : memref<25x8x16384xf32, #tpu.memory_space<hbm>> -> memref<1x8x512xf32, #tpu.memory_space<hbm>>
    %dma_wait3A_270 = tpu.memref_squeeze %dma_wait3A_269 : memref<1x8x512xf32, #tpu.memory_space<hbm>> -> memref<8x512xf32, #tpu.memory_space<hbm>>
    %dma_wait3A_271 = tpu.memref_reshape %arg4 : memref<200x16384xf32, #tpu.memory_space<hbm>> -> memref<25x8x16384xf32, #tpu.memory_space<hbm>>
    %dma_wait3A_272 = arith.constant 0 : i32
    %dma_wait3A_273 = tpu.memref_slice %dma_wait3A_271[%select_n3A_248, %dma_wait3A_272, %mul3A_266] : memref<25x8x16384xf32, #tpu.memory_space<hbm>> -> memref<1x8x512xf32, #tpu.memory_space<hbm>>
    %dma_wait3A_274 = tpu.memref_squeeze %dma_wait3A_273 : memref<1x8x512xf32, #tpu.memory_space<hbm>> -> memref<8x512xf32, #tpu.memory_space<hbm>>
    tpu.wait_dma2 semaphore(%arg15 : memref<!tpu.dma_semaphore, #tpu.memory_space<semaphore_mem>>) src(%arg10 : memref<8x512xf32, #tpu.memory_space<vmem>>) dst(%dma_wait3A_274 : memref<8x512xf32, #tpu.memory_space<hbm>>)
    return
  }
}

</mosaic_0001>

<sc_bundles>
// kernel: kernel.3.cloned.1.call-start
scs
__scs_entry_jumppad:
0x0: {  	(pc) =	sbr.rel $0x88, $3  }
0x1: {  	(tag) =	ssettag $0x0;
	lr =	simm.s32 $0x1  }
0x2: {  	[smem:$0x3F9F] =	sst lr;
	_ =	strace $0xD0000000  }
0x3: {  	_ = 	snop  }
0x4: {  	_ = 	snop  }
0x5: {  	_ = 	snop  }
0x6: {  	_ = 	snop  }
0x7: {  	_ = 	snop  }
__scs_overlays_trampoline_lowered:
0x8: {  	[smem:$0x3FAE] =	sst s0  }
0x9: {  	[smem:$0x3FAF] =	sst s1  }
0xa: {  	[smem:$0x3FB0] =	sst s2  }
0xb: {  	[smem:$0x3FB1] =	sst s3  }
0xc: {  	[smem:$0x3FB2] =	sst s4  }
0xd: {  	[smem:$0x3FB3] =	sst s5  }
0xe: {  	[smem:$0x3FB4] =	sst s6  }
0xf: {  	[smem:$0x3FB5] =	sst s7  }
0x10: {  	[smem:$0x3FB6] =	sst s8  }
0x11: {  	[smem:$0x3FB7] =	sst s9;
	s0 =	simm.s32 @!p0 $0x0  }
0x12: {  	s1 =	sld [smem:$0x3F9D];
	s0 =	simm.s32 @p0 $0x1  }
0x13: {  	[smem:$0x3FB8] =	sst s0;
	s0 =	simm.s32 @!p1 $0x0  }
0x14: {  	s2 =	sld [smem:$0x3F9C];
	s0 =	simm.s32 @p1 $0x1  }
0x15: {  	[smem:$0x3FB9] =	sst s0;
	s0 =	simm.s32 @!p2 $0x0  }
0x16: {  	s3 =	sld [smem:$0x3FDB];
	s0 =	simm.s32 @p2 $0x1  }
0x17: {  	s4 =	simm.s32 $0x1BF5;
	[smem:$0x3FBB] =	sst s0  }
0x18: {  	s0 =	sld [smem:$0x3F9E];
	_ =	swait.ge [sflag:s4], $0x0  }
0x19: {  	s7 =	sld [smem:$0x3F9F]  }
0x1a: {  	s8 =	sadd.s32 $0xFFFFE003, lr  }
0x1b: {  	s9 =	sadd.s32 $0xFFFFFEF7, lr;
	s5 =	simm.s32 $0xFFFFFFFF;
	p2 =	slt.u32 s8, $0xFFFFF086  }
0x1c: {  	p1 =	slt.u32 s9, $0xF7A;
	s5 =	simm.s32 @!p2 $0x0  }
0x1d: {  	s5 =	simm.s32 @p1 $0x1;
	p0 =	seq.s32 s7, s2  }
0x1e: {  	s7 =	smul.u32 @!p0 $0xF7A, s2;
	p2 =	seq.s32 @!p0 s5, $0x0  }
0x1f: {  	s9 =	smul.u32 $0xF7A, s1;
	s8 =	simm.s32 @!p0 $0x1BF5;
	p2 =	por !p2, p0  }
0x20: {  	[sflag:s8] =	ssyncset.s32 @!p0 $0xFFFFF086;
	s6 =	sadd.s32 @!p0 s3, s7;
	s7 =	simm.s32 @!p0 $0x108  }
0x21: {  	s3 =	sadd.s32 s3, s9;
	s6 =	sadd.s32 @!p0 $0x88, s6;
	s7 =	simm.s32 @p2 $0x1082  }
0x22: {  	[simem:s7], [sflag:s8] =	dma.local @!p0 [hbm:s6], $0xF7A  }
0x23: {  	s9 =	sor.u32 $0xD0000000, s2;
	s6 =	simm.s32 $0x108;
	_ =	swait.ge @!p0 [sflag:s8], $0x0  }
0x24: {  	s3 =	sadd.s32 $0x88, s3;
	s6 =	simm.s32 @!p1 $0x1082;
	[sflag:s4] =	ssyncset.s32 $0xFFFFF086  }
0x25: {  	[simem:s6], [sflag:s4] =	dma.local [hbm:s3], $0xF7A  }
0x26: {  	[smem:$0x3F9F] =	sst s1;
	(tag) =	ssettag s2;
	_ =	strace s9  }
0x27: {  	s1 =	sld [smem:$0x3FAF]  }
0x28: {  	s2 =	sld [smem:$0x3FB0]  }
0x29: {  	s4 =	sld [smem:$0x3FB2]  }
0x2a: {  	p0 =	seq.s32 s5, $0x0;
	s5 =	sld [smem:$0x3FB3]  }
0x2b: {  	s6 =	sld [smem:$0x3FB4]  }
0x2c: {  	s7 =	sld [smem:$0x3FB5]  }
0x2d: {  	s3 =	simm.s32 $0x108;
	s8 =	sld [smem:$0x3FB6]  }
0x2e: {  	s3 =	simm.s32 @!p0 $0x1082;
	s9 =	sld [smem:$0x3FB7]  }
0x2f: {  	lr =	sadd.s32 s0, s3;
	s0 =	sld [smem:$0x3FAE]  }
0x30: {  	s3 =	sld [smem:$0x3FB1]  }
0x31: {  	[smem:$0x3FBA] =	sst s10  }
0x32: {  	s10 =	sld [smem:$0x3FB8];
	_ =	sdelay $0x3  }
0x33: {  	p0 =	seq.s32 s10, $0x1;
	s10 =	sld [smem:$0x3FBA];
	_ =	sdelay $0x3  }
0x34: {  	[smem:$0x3FBA] =	sst s10  }
0x35: {  	s10 =	sld [smem:$0x3FB9];
	_ =	sdelay $0x3  }
0x36: {  	p1 =	seq.s32 s10, $0x1;
	s10 =	sld [smem:$0x3FBA];
	_ =	sdelay $0x3  }
0x37: {  	[smem:$0x3FBA] =	sst s10  }
0x38: {  	s10 =	sld [smem:$0x3FBB]  }
0x39: {  	_ = 	snop;
	(pc) =	sbr.ind lr, $3  }
0x3a: {  	_ = 	snop  }
0x3b: {  	_ = 	snop  }
0x3c: {  	p2 =	seq.s32 s10, $0x1;
	s10 =	sld [smem:$0x3FBA]  }
0x3d: {  	_ =	shalt  }
0x3e: {  	_ =	shalt  }
0x3f: {  	_ =	shalt  }
0x40: {  	_ =	shalt  }
0x41: {  	_ =	shalt  }
0x42: {  	_ =	shalt  }
0x43: {  	_ =	shalt  }
0x44: {  	_ =	shalt  }
0x45: {  	_ =	shalt  }
0x46: {  	_ =	shalt  }
0x47: {  	_ =	shalt  }
0x48: {  	_ =	shalt  }
0x49: {  	_ =	shalt  }
0x4a: {  	_ =	shalt  }
0x4b: {  	_ =	shalt  }
0x4c: {  	_ =	shalt  }
0x4d: {  	_ =	shalt  }
0x4e: {  	_ =	shalt  }
0x4f: {  	_ =	shalt  }
0x50: {  	_ =	shalt  }
0x51: {  	_ =	shalt  }
0x52: {  	_ =	shalt  }
0x53: {  	_ =	shalt  }
0x54: {  	_ =	shalt  }
0x55: {  	_ =	shalt  }
0x56: {  	_ =	shalt  }
0x57: {  	_ =	shalt  }
0x58: {  	_ =	shalt  }
0x59: {  	_ =	shalt  }
0x5a: {  	_ =	shalt  }
0x5b: {  	_ =	shalt  }
0x5c: {  	_ =	shalt  }
0x5d: {  	_ =	shalt  }
0x5e: {  	_ =	shalt  }
0x5f: {  	_ =	shalt  }
0x60: {  	_ =	shalt  }
0x61: {  	_ =	shalt  }
0x62: {  	_ =	shalt  }
0x63: {  	_ =	shalt  }
0x64: {  	_ =	shalt  }
0x65: {  	_ =	shalt  }
0x66: {  	_ =	shalt  }
0x67: {  	_ =	shalt  }
0x68: {  	_ =	shalt  }
0x69: {  	_ =	shalt  }
0x6a: {  	_ =	shalt  }
0x6b: {  	_ =	shalt  }
0x6c: {  	_ =	shalt  }
0x6d: {  	_ =	shalt  }
0x6e: {  	_ =	shalt  }
0x6f: {  	_ =	shalt  }
0x70: {  	_ =	shalt  }
0x71: {  	_ =	shalt  }
0x72: {  	_ =	shalt  }
0x73: {  	_ =	shalt  }
0x74: {  	_ =	shalt  }
0x75: {  	_ =	shalt  }
0x76: {  	_ =	shalt  }
0x77: {  	_ =	shalt  }
0x78: {  	_ =	shalt  }
0x79: {  	_ =	shalt  }
0x7a: {  	_ =	shalt  }
0x7b: {  	_ =	shalt  }
0x7c: {  	_ =	shalt  }
0x7d: {  	_ =	shalt  }
0x7e: {  	_ =	shalt  }
0x7f: {  	_ =	shalt  }
0x80: {  	_ =	shalt  }
0x81: {  	_ =	shalt  }
0x82: {  	_ =	shalt  }
0x83: {  	_ =	shalt  }
0x84: {  	_ =	shalt  }
0x85: {  	_ =	shalt  }
0x86: {  	_ =	shalt  }
0x87: {  	_ =	shalt  }
.Lfunc_end0:
.L_simem_size_0:
called_computation_lowered:
.L_overlay_start_0:
0x88: {  	s2 =	sld [smem:$0x3FD9]  }
0x89: {  	s3 =	sld [smem:$0x3FFE];
	_ =	sdelay $0x1  }
0x8a: {  	s1 =	srdreg.scid  }
0x8b: {  	s0 =	sand.u32 $0x1, s1  }
0x8c: {  	s18 =	sshll.u32 s0, $0xA;
	s2 =	sadd.s32 s3, s2  }
0x8d: {  	s2 =	sadd.s32 s2, s18  }
0x8e: {  	[smem:$0x3FC6] =	sst s2  }
0x8f: {  	_ = 	snop  }
0x90: {  	s2 =	sld [smem:$0x3FC9]  }
0x91: {  	s19 =	sld [smem:$0x3FC8]  }
0x92: {  	s4 =	sld [smem:$0x3FD0];
	(tm) =	ssettm $0x1  }
0x93: {  	s5 =	sld [smem:$0x3FFB];
	_ =	sdelay $0x3  }
0x94: {  	_ =	strace s5  }
0x95: {  	s5 =	sld [smem:$0x3FFC];
	_ =	sdelay $0x3  }
0x96: {  	_ =	strace s5  }
0x97: {  	s5 =	sld [smem:$0x3FFD];
	_ =	sdelay $0x3  }
0x98: {  	_ =	strace s5  }
0x99: {  	_ =	strace $0x8FFFFFFF  }
0x9a: {  	s20 =	sld [smem:$0x3FDB];
	_ =	sdelay $0x1  }
0x9b: {  	s6 =	simm.s32 $_scs_section_size  }
0x9c: {  	s7 =	simm.s32 $_size__tile_overlayer_lowered;
	s8 =	simm.s32 $_tile_overlayer_lowered  }
0x9d: {  	s23 =	simm.s32 $0x1BFF;
	s22 =	sshll.u32 s8, $0x1;
	s5 =	sadd.s32 s6, s20  }
0x9e: {  	s9 =	simm.s32 $0x0;
	s21 =	sshll.u32 s7, $0x1;
	s7 =	sadd.s32 s22, s5  }
0x9f: {  	[timem:s9], [sflag:s23] =	dma.local [hbm:s7], s21  }
0xa0: {  	_ =	swait.ge [sflag:s23], s21  }
0xa1: {  	s6 =	ssub.s32 $0x0, s21;
	[sflag:s23] =	ssyncset.done $0x0  }
0xa2: {  	[sflag:s23] =	ssyncadd.s32 s6;
	_ =	sdelay $0x1  }
0xa3: {  	s24 =	simm.s32 $0x1B8B  }
0xa4: {  	_ =	swait.ge [sflag:s24], $0x1  }
0xa5: {  	[sflag:s24] =	ssyncset.done $0x0  }
0xa6: {  	s25 =	simm.s32 $0x1B8E;
	[sflag:s24] =	ssyncadd.s32 $0xFFFFFFFF  }
0xa7: {  	s26 =	simm.s32 $execute0_lowered;
	[smem:$0x3FD2] =	sst s25  }
0xa8: {  	s6 =	sshll.u32 s26, $0x1;
	_ =	strace $0x80000046;
	[dreg:$0x1] =	wrdreg $0xFFFFFFFF  }
0xa9: {  	s28 =	simm.s32 $_size_execute0_lowered;
	s5 =	sadd.s32 s5, s6;
	[dreg:$0x0] =	wrdreg $0x0  }
0xaa: {  	s6 =	sshll.u32 s28, $0x1;
	[dreg:$0x2] =	wrdreg s5  }
0xab: {  	[dreg:$0x3] =	wrdreg s6  }
0xac: {  	[dreg:$0x4] =	wrdreg $0xC0  }
0xad: {  	_ =	task [dreg:s9], $0x5FFFF  }
0xae: {  	[dreg:$0x1] =	wrdreg $0xFFFFFFFF  }
0xaf: {  	[dreg:$0x0] =	wrdreg $0x60  }
0xb0: {  	[dreg:$0x2] =	wrdreg s2  }
0xb1: {  	[dreg:$0x3] =	wrdreg s19  }
0xb2: {  	[dreg:$0x4] =	wrdreg s4  }
0xb3: {  	[dreg:$0x5] =	wrdreg $0x0  }
0xb4: {  	[dreg:$0x6] =	wrdreg $0x9  }
0xb5: {  	_ =	task.clear_ibuf [dreg:s9], $0x7FFFF;
	_ =	strace $0x90000046  }
0xb6: {  	s29 =	simm.s32 $0x9;
	_ =	strace $0x80000048  }
0xb7: {  	_ =	swait.ge [sflag:s29], $0x1  }
0xb8: {  	[sflag:s29] =	ssyncadd.s32 $0xFFFFFFFF  }
0xb9: {  	_ =	strace $0x90000048  }
0xba: {  	_ =	sfence  }
0xbb: {  	s30 =	sld [smem:$0x0];
	_ =	sdelay $0x2  }
0xbc: {  	s31 =	sshll.u32 s1, $0xD;
	s1 =	sshrl.u32 s1, $0x2  }
0xbd: {  	s3 =	sand.u32 $0x4000, s31;
	s1 =	sadd.s32 s1, s30  }
0xbe: {  	s0 =	sor.u32 s3, s0;
	s1 =	sshll.u32 s1, $0x11  }
0xbf: {  	s0 =	sor.u32 s1, s0  }
0xc0: {  	s0 =	sadd.s32 $0x8F2B, s0  }
0xc1: {  	[sflag:s0] =	ssyncadd.remote.s32 $0x1  }
0xc2: {  	_ =	sfence.sel $0xFFFF  }
0xc3: {  	[dreg:$0x0] =	wrdreg $0xFFFFFFFF;
	(pc) =	sbr.abs _section_cstart, $3  }
0xc4: {  	[dreg:$0x1] =	wrdreg $0xFFFFFFFF  }
0xc5: {  	_ =	task.clear_ibuf [dreg:s9], $0x2FFFF;
	_ =	strace $0x9FFFFFFF  }
0xc6: {  	(tm) =	ssettm $0x7FFFFFFF  }
0xc7: {  	_ =	shalt  }
tec
execute0_lowered:
.L_overlay_start_1:
0x0: {  	(tag) =	ssettag $0x1  }
0x1: {  	s14 =	stileid.u32  }
0x2: {  	s4 =	rddreg [dreg:$0x0];
	s7 =	smul.u32 $0x3E8, s14  }
0x3: {  	s0 =	rddreg [dreg:$0x1];
	s8 =	sor.u32 $0x10, s14;
	s12 =	smul.u32 $0x7D00, s14  }
0x4: {  	s2 =	srdreg.scid;
	s13 =	sor.u32 $0x20, s14;
	s10 =	smul.u32 $0x3E8, s8  }
0x5: {  	s1 =	rddreg [dreg:$0x2];
	s31 =	simm.s32 $0x13A28;
	s22 =	smul.u32 $0x3E8, s13  }
0x6: {  	s28 =	simm.s32 $0x13E28;
	s24 =	sor.u32 $0x30, s14;
	s23 =	smul.u32 $0x7D00, s8  }
0x7: {  	s29 =	simm.s32 $0x15E28;
	s30 =	simm.s32 $0x14228;
	s26 =	smul.u32 $0x3E8, s24  }
0x8: {  	s5 =	sand.u32 $0x1, s2;
	s16 =	sor.u32 $0x40, s14;
	s15 =	smul.u32 $0x7D00, s13  }
0x9: {  	s3 =	sshll.u32 s14, $0x1;
	s2 =	rddreg [dreg:$0x3];
	s18 =	smul.u32 $0x3E8, s16  }
0xa: {  	s19 =	sor.u32 $0x50, s14;
	p0 =	sgt.u32 s14, $0xC;
	s8 =	smul.u32 $0x7D00, s24  }
0xb: {  	s3 =	sor.u32 s5, s3;
	s9 =	ssub.s32 $0x2, s5;
	s21 =	smul.u32 $0x3E8, s19  }
0xc: {  	s24 =	sor.u32 $0x60, s14;
	s5 =	smul.u32 $0x3200, s5;
	s13 =	simm.s32 $0x162A8  }
0xd: {  	s6 =	smul.u32 $0x3200, s3;
	s3 =	simm.s32 $0x0;
	s11 =	sshrl.u32 s9, $0x1  }
0xe: {  	s7 =	sadd.s32 s4, s7;
	s12 =	sshrl.u32 s12, $0x2;
	[smem:$0x7FF] =	sst s3  }
0xf: {  	s9 =	ssub.s32 s9, s11;
	s25 =	sadd.s32 s4, s10;
	s10 =	sadd.s32 s12, s2  }
0x10: {  	s17 =	sadd.s32 s4, s22;
	_ =	strace $0x80000047;
	[dreg:$0x6] =	wrdreg s7  }
0x11: {  	s20 =	sadd.s32 s4, s26;
	s26 =	smul.u32 $0x3E8, s24;
	[dreg:$0x7] =	wrdreg s25  }
0x12: {  	s22 =	sshrl.u32 s15, $0x2;
	s15 =	smul.u32 $0x7D00, s19;
	[dreg:$0x8] =	wrdreg s10  }
0x13: {  	s11 =	simm.s32 $0x15EA8;
	s12 =	simm.s32 $0x142A8;
	[dreg:$0x9] =	wrdreg s17  }
0x14: {  	s6 =	sadd.s32 s0, s6;
	[dreg:$0xb] =	wrdreg s20;
	s7 =	sadd.s32 s22, s2  }
0x15: {  	s25 =	sshrl.u32 s8, $0x2;
	s10 =	sadd.s32 s4, s18;
	s17 =	smul.u32 $0x7D00, s24  }
0x16: {  	s18 =	sor.u32 $0x70, s14;
	s22 =	smul.u32 $0x6400, s14;
	[dreg:$0x5] =	wrdreg s6  }
0x17: {  	s6 =	sshrl.u32 s23, $0x2;
	s23 =	smul.u32 $0x7D00, s16;
	[dreg:$0xc] =	wrdreg s7  }
0x18: {  	[dreg:$0xd] =	wrdreg s10;
	s7 =	sadd.s32 s25, s2;
	s20 =	smul.u32 $0x3E8, s18  }
0x19: {  	s8 =	sadd.s32 s4, s26;
	s26 =	smax.u32 s9, $0x1;
	s9 =	simm.s32 $0x15AA8  }
0x1a: {  	s10 =	simm.s32 $0x13EA8;
	s6 =	sadd.s32 s6, s2;
	[dreg:$0xe] =	wrdreg s7  }
0x1b: {  	[dreg:$0x11] =	wrdreg s8;
	s7 =	sshrl.u32 s15, $0x2;
	s0 =	sadd.s32 s22, s0  }
0x1c: {  	[dreg:$0x16] =	wrdreg s26;
	s1 =	sadd.s32 s22, s1;
	s26 =	simm.s32 $0x15628  }
0x1d: {  	s8 =	simm.s32 $0x13AA8;
	[dreg:$0xa] =	wrdreg s6;
	s16 =	sshrl.u32 s23, $0x2  }
0x1e: {  	s6 =	sadd.s32 s4, s21;
	s21 =	smul.u32 $0x7D00, s18;
	s7 =	sadd.s32 s7, s2  }
0x1f: {  	s4 =	sadd.s32 s4, s20;
	s23 =	sshrl.u32 s17, $0x2;
	s0 =	sadd.s32 s5, s0  }
0x20: {  	s1 =	sadd.s32 s5, s1;
	s5 =	simm.s32 $0x16328;
	[dreg:$0xf] =	wrdreg s6  }
0x21: {  	s18 =	simm.s32 $0x1;
	s20 =	simm.s32 $0x2;
	[dreg:$0x12] =	wrdreg s7  }
0x22: {  	s19 =	sadd.s32 s16, s2;
	[dreg:$0x13] =	wrdreg s4;
	s6 =	sadd.s32 s23, s2  }
0x23: {  	[dreg:$0x17] =	wrdreg s1;
	s0 =	sadd.s32 $0x200, s0;
	s1 =	simm.s32 $0x3  }
.Ltmp0:
0x24: {  	s4 =	simm.s32 $0x16228;
	[dreg:$0x10] =	wrdreg s19;
	(pc) =	sbr.rel .LBB2_1-.Ltmp0, $4  }
0x25: {  	s7 =	simm.s32 $0x156A8;
	s16 =	simm.s32 $0x0;
	[dreg:$0x14] =	wrdreg s6  }
0x26: {  	s24 =	sshrl.u32 s21, $0x2;
	[dreg:$0x18] =	wrdreg s0;
	s0 =	simm.s32 $0x80  }
0x27: {  	s21 =	simm.s32 $0x15328;
	s6 =	simm.s32 $0x136A8;
	s25 =	sadd.s32 s24, s2  }
0x28: {  	s24 =	simm.s32 $0x13328;
	[dreg:$0x15] =	wrdreg s25;
	s25 =	simm.s32 $0x15A28  }
.LBB2_6:
0x29: {  	s14 =	simm.s32 $0x5  }
0x2a: {  	_ =	swait.ge [sflag:s14], $0x1000  }
0x2b: {  	[sflag:s14] =	ssyncset.done $0x0  }
0x2c: {  	s15 =	simm.s32 $0x4;
	[sflag:s14] =	ssyncadd.s32 $0xFFFFF000  }
0x2d: {  	_ =	swait.ge [sflag:s15], $0x1000  }
0x2e: {  	s16 =	rddreg [dreg:$0x19]  }
0x2f: {  	s23 =	rddreg [dreg:$0x16];
	s16 =	sadd.s32 $0x1, s16  }
0x30: {  	p1 =	sne.s32 s16, s23  }
.Ltmp1:
0x31: {  	_ = 	snop;
	(pc) =	sbr.rel @!p1 .LBB2_7-.Ltmp1, $3  }
0x32: {  	_ =	sdelay $0x1  }
0x33: {  	[sflag:s15] =	ssyncset.done $0x0  }
0x34: {  	[sflag:s15] =	ssyncadd.s32 $0xFFFFF000  }
.LBB2_1:
0x35: {  	[dreg:$0x19] =	wrdreg s16  }
0x36: {  	s14 =	rddreg [dreg:$0x5]  }
0x37: {  	[tilespmem:s24], [sflag:$0x2] =	stream.linear.gather [hbm4b:s14+s3], $0x1000, $0x38;
	[tilespmem:$0x17328] =	vst v63  }
0x38: {  	s17 =	rddreg [dreg:$0x6];
	s15 =	simm.s32 $0xF428  }
0x39: {  	[tilespmem:s15], [sflag:$0x6] =	stream.linear.gather [hbm4b:s17+s3], $0x1F40, $0x38;
	[tilespmem:$0x17328] =	vst v63  }
0x3a: {  	s19 =	rddreg [dreg:$0x7];
	s16 =	simm.s32 $0x113A8;
	s17 =	simm.s32 $0x6  }
0x3b: {  	[tilespmem:s16], [sflag:$0x7] =	stream.linear.gather [hbm4b:s19+s3], $0x1F40, $0x38;
	[tilespmem:$0x17328] =	vst v63  }
0x3c: {  	_ =	swait.ge [sflag:s17], $0x1F40  }
0x3d: {  	[sflag:s17] =	ssyncset.done $0x0  }
0x3e: {  	s22 =	rddreg [dreg:$0x8];
	[sflag:s17] =	ssyncadd.s32 $0xFFFFE0C0  }
0x3f: {  	[spmem:s22] =	stream.linear.scatter [tilespmem:s15], [sflag:$0x8], $0x1F40, $0x38;
	[tilespmem:$0x17328] =	vst v63  }
0x40: {  	s22 =	simm.s32 $0x8  }
0x41: {  	_ =	swait.ge [sflag:s22], $0x1F40  }
0x42: {  	[sflag:s22] =	ssyncset.done $0x0  }
0x43: {  	s23 =	rddreg [dreg:$0x9];
	[sflag:s22] =	ssyncadd.s32 $0xFFFFE0C0  }
0x44: {  	[tilespmem:s15], [sflag:$0x6] =	stream.linear.gather [hbm4b:s23+s3], $0x1F40, $0x38;
	[tilespmem:$0x17328] =	vst v63  }
0x45: {  	s23 =	simm.s32 $0x7  }
0x46: {  	_ =	swait.ge [sflag:s23], $0x1F40  }
0x47: {  	[sflag:s23] =	ssyncset.done $0x0  }
0x48: {  	s19 =	rddreg [dreg:$0xa];
	[sflag:s23] =	ssyncadd.s32 $0xFFFFE0C0  }
0x49: {  	[spmem:s19] =	stream.linear.scatter [tilespmem:s16], [sflag:$0x9], $0x1F40, $0x38;
	[tilespmem:$0x17328] =	vst v63  }
0x4a: {  	s19 =	simm.s32 $0x9  }
0x4b: {  	_ =	swait.ge [sflag:s19], $0x1F40  }
0x4c: {  	[sflag:s19] =	ssyncset.done $0x0  }
0x4d: {  	s14 =	rddreg [dreg:$0xb];
	[sflag:s19] =	ssyncadd.s32 $0xFFFFE0C0  }
0x4e: {  	[tilespmem:s16], [sflag:$0x7] =	stream.linear.gather [hbm4b:s14+s3], $0x1F40, $0x38;
	[tilespmem:$0x17328] =	vst v63  }
0x4f: {  	_ =	swait.ge [sflag:s17], $0x1F40  }
0x50: {  	[sflag:s17] =	ssyncset.done $0x0  }
0x51: {  	s14 =	rddreg [dreg:$0xc];
	[sflag:s17] =	ssyncadd.s32 $0xFFFFE0C0  }
0x52: {  	[spmem:s14] =	stream.linear.scatter [tilespmem:s15], [sflag:$0x8], $0x1F40, $0x38;
	[tilespmem:$0x17328] =	vst v63  }
0x53: {  	_ =	swait.ge [sflag:s22], $0x1F40  }
0x54: {  	[sflag:s22] =	ssyncset.done $0x0  }
0x55: {  	s14 =	rddreg [dreg:$0xd];
	[sflag:s22] =	ssyncadd.s32 $0xFFFFE0C0  }
0x56: {  	[tilespmem:s15], [sflag:$0x6] =	stream.linear.gather [hbm4b:s14+s3], $0x1F40, $0x38;
	[tilespmem:$0x17328] =	vst v63  }
0x57: {  	_ =	swait.ge [sflag:s23], $0x1F40  }
0x58: {  	[sflag:s23] =	ssyncset.done $0x0  }
0x59: {  	s14 =	rddreg [dreg:$0xe];
	[sflag:s23] =	ssyncadd.s32 $0xFFFFE0C0  }
0x5a: {  	[spmem:s14] =	stream.linear.scatter [tilespmem:s16], [sflag:$0x9], $0x1F40, $0x38;
	[tilespmem:$0x17328] =	vst v63  }
0x5b: {  	_ =	swait.ge [sflag:s19], $0x1F40  }
0x5c: {  	[sflag:s19] =	ssyncset.done $0x0  }
0x5d: {  	s14 =	rddreg [dreg:$0xf];
	[sflag:s19] =	ssyncadd.s32 $0xFFFFE0C0  }
0x5e: {  	[tilespmem:s16], [sflag:$0x7] =	stream.linear.gather [hbm4b:s14+s3], $0x1F40, $0x38;
	[tilespmem:$0x17328] =	vst v63  }
0x5f: {  	_ =	swait.ge [sflag:s17], $0x1F40  }
0x60: {  	[sflag:s17] =	ssyncset.done $0x0  }
0x61: {  	[sflag:s17] =	ssyncadd.s32 $0xFFFFE0C0;
	s17 =	rddreg [dreg:$0x10]  }
0x62: {  	[spmem:s17] =	stream.linear.scatter [tilespmem:s15], [sflag:$0x8], $0x1F40, $0x38;
	[tilespmem:$0x17328] =	vst v63  }
0x63: {  	_ =	swait.ge [sflag:s22], $0x1F40  }
0x64: {  	[sflag:s22] =	ssyncset.done $0x0  }
0x65: {  	s17 =	rddreg [dreg:$0x11];
	[sflag:s22] =	ssyncadd.s32 $0xFFFFE0C0  }
0x66: {  	[tilespmem:s15], [sflag:$0x6] =	stream.linear.gather [hbm4b:s17+s3], $0x1F40, $0x38;
	[tilespmem:$0x17328] =	vst v63  }
0x67: {  	_ =	swait.ge [sflag:s23], $0x1F40  }
0x68: {  	[sflag:s23] =	ssyncset.done $0x0  }
0x69: {  	s14 =	simm.s32 @p0 $0x6;
	s22 =	rddreg [dreg:$0x12];
	[sflag:s23] =	ssyncadd.s32 $0xFFFFE0C0  }
0x6a: {  	[spmem:s22] =	stream.linear.scatter [tilespmem:s16], [sflag:$0x9], $0x1F40, $0x38;
	[tilespmem:$0x17328] =	vst v63  }
0x6b: {  	_ =	swait.ge @p0 [sflag:s14], $0x1F40  }
0x6c: {  	[sflag:s14] =	ssyncset.done @p0 $0x0  }
0x6d: {  	s22 =	rddreg [dreg:$0x14];
	[sflag:s14] =	ssyncadd.s32 @p0 $0xFFFFE0C0;
	s14 =	simm.s32 @p0 $0xF428  }
0x6e: {  	[spmem:s22] =	stream.linear.scatter @p0 [tilespmem:s14], [sflag:$0x8], $0x1F40, $0x38;
	[tilespmem:$0x17328] =	vst v63  }
0x6f: {  	s14 =	simm.s32 @!p0 $0x9  }
0x70: {  	_ =	swait.ge @!p0 [sflag:s14], $0x1F40  }
0x71: {  	s15 =	simm.s32 @!p0 $0x0;
	[sflag:s14] =	ssyncset.done @!p0 $0x0  }
0x72: {  	s16 =	simm.s32 @!p0 $0x113A8;
	s17 =	rddreg [dreg:$0x13];
	[sflag:s14] =	ssyncadd.s32 @!p0 $0xFFFFE0C0  }
0x73: {  	[tilespmem:s16], [sflag:$0x7] =	stream.linear.gather @!p0 [hbm4b:s17+s15], $0x1F40, $0x38;
	[tilespmem:$0x17328] =	vst v63  }
0x74: {  	s15 =	simm.s32 @!p0 $0x6  }
0x75: {  	_ =	swait.ge @!p0 [sflag:s15], $0x1F40  }
0x76: {  	[sflag:s15] =	ssyncset.done @!p0 $0x0  }
0x77: {  	[sflag:s15] =	ssyncadd.s32 @!p0 $0xFFFFE0C0;
	s15 =	simm.s32 @!p0 $0xF428  }
0x78: {  	[spmem:s22] =	stream.linear.scatter @!p0 [tilespmem:s15], [sflag:$0x8], $0x1F40, $0x38;
	[tilespmem:$0x17328] =	vst v63  }
0x79: {  	s15 =	simm.s32 @!p0 $0x7  }
0x7a: {  	_ =	swait.ge @!p0 [sflag:s15], $0x1F40  }
0x7b: {  	[sflag:s15] =	ssyncset.done @!p0 $0x0  }
0x7c: {  	[sflag:s15] =	ssyncadd.s32 @!p0 $0xFFFFE0C0;
	s15 =	rddreg [dreg:$0x15]  }
0x7d: {  	[spmem:s15] =	stream.linear.scatter @!p0 [tilespmem:s16], [sflag:$0x9], $0x1F40, $0x38;
	[tilespmem:$0x17328] =	vst v63  }
0x7e: {  	s15 =	simm.s32 @!p0 $0x8  }
0x7f: {  	s15 =	simm.s32 @p0 $0x9  }
0x80: {  	_ =	swait.ge [sflag:s15], $0x1F40  }
0x81: {  	[sflag:s15] =	ssyncset.done $0x0  }
0x82: {  	s14 =	simm.s32 @p0 $0x8;
	[sflag:s15] =	ssyncadd.s32 $0xFFFFE0C0  }
0x83: {  	_ =	swait.ge [sflag:s14], $0x1F40  }
.Ltmp2:
0x84: {  	[sflag:s14] =	ssyncset.done $0x0;
	(pc) =	sbr.rel .LBB2_2-.Ltmp2, $4  }
0x85: {  	[sflag:s14] =	ssyncadd.s32 $0xFFFFE0C0  }
0x86: {  	[bflag:$0x0] =	sbarrier.arrive $0xFFFF  }
0x87: {  	s19 =	simm.s32 $0x14328;
	s14 =	rddreg [dreg:$0x18]  }
0x88: {  	s23 =	simm.s32 $0x14728;
	s16 =	simm.s32 $0x0;
	s15 =	rddreg [dreg:$0x17]  }
.LBB2_4:
0x89: {  	[tilespmem:s24], [sflag:$0x2] =	stream.linear.gather [hbm4b:s14+s3], $0x1000, $0x38;
	[tilespmem:$0x17328] =	vst v63  }
0x8a: {  	_ =	swait.ge [sflag:s1], $0x1000  }
0x8b: {  	p1 =	slt.u32 s16, $0x2;
	[sflag:s1] =	ssyncset.done $0x0  }
0x8c: {  	s17 =	simm.s32 @!p1 $0x5;
	[sflag:s1] =	ssyncadd.s32 $0xFFFFF000  }
0x8d: {  	_ =	swait.ge @!p1 [sflag:s17], $0x1000  }
0x8e: {  	[sflag:s17] =	ssyncset.done @!p1 $0x0  }
0x8f: {  	[sflag:s17] =	ssyncadd.s32 @!p1 $0xFFFFF000  }
0x90: {  	[tilespmem:s5], [sflag:$0x1] =	stream.indirect.gather [spmem:s2], $0x1, s19, s0, $0xb8;
	[tilespmem:$0x17328] =	vst v63  }
0x91: {  	s22 =	simm.s32 $0x16728  }
0x92: {  	[tilespmem:s22], [sflag:$0x1] =	stream.indirect.gather [spmem:s2], $0x1, s23, s0, $0xb8;
	[tilespmem:$0x17328] =	vst v63  }
0x93: {  	s17 =	simm.s32 $0x14B28;
	s22 =	simm.s32 $0x16B28  }
0x94: {  	[tilespmem:s22], [sflag:$0x1] =	stream.indirect.gather [spmem:s2], $0x1, s17, s0, $0xb8;
	[tilespmem:$0x17328] =	vst v63  }
0x95: {  	s17 =	simm.s32 $0x14F28;
	s22 =	simm.s32 $0x16F28  }
0x96: {  	[tilespmem:s22], [sflag:$0x1] =	stream.indirect.gather [spmem:s2], $0x1, s17, s0, $0xb8;
	[tilespmem:$0x17328] =	vst v63  }
0x97: {  	s17 =	simm.s32 $0x143A8;
	s22 =	simm.s32 $0x163A8  }
0x98: {  	[tilespmem:s22], [sflag:$0x1] =	stream.indirect.gather [spmem:s2], $0x1, s17, s0, $0xb8;
	[tilespmem:$0x17328] =	vst v63  }
0x99: {  	s17 =	simm.s32 $0x147A8;
	s22 =	simm.s32 $0x167A8  }
0x9a: {  	[tilespmem:s22], [sflag:$0x1] =	stream.indirect.gather [spmem:s2], $0x1, s17, s0, $0xb8;
	[tilespmem:$0x17328] =	vst v63  }
0x9b: {  	s17 =	simm.s32 $0x14BA8;
	s22 =	simm.s32 $0x16BA8  }
0x9c: {  	[tilespmem:s22], [sflag:$0x1] =	stream.indirect.gather [spmem:s2], $0x1, s17, s0, $0xb8;
	[tilespmem:$0x17328] =	vst v63  }
0x9d: {  	s17 =	simm.s32 $0x14FA8;
	s22 =	simm.s32 $0x16FA8  }
0x9e: {  	[tilespmem:s22], [sflag:$0x1] =	stream.indirect.gather [spmem:s2], $0x1, s17, s0, $0xb8;
	[tilespmem:$0x17328] =	vst v63  }
0x9f: {  	s17 =	simm.s32 $0x14428;
	s22 =	simm.s32 $0x16428  }
0xa0: {  	[tilespmem:s22], [sflag:$0x1] =	stream.indirect.gather [spmem:s2], $0x1, s17, s0, $0xb8;
	[tilespmem:$0x17328] =	vst v63  }
0xa1: {  	s17 =	simm.s32 $0x14828;
	s22 =	simm.s32 $0x16828  }
0xa2: {  	[tilespmem:s22], [sflag:$0x1] =	stream.indirect.gather [spmem:s2], $0x1, s17, s0, $0xb8;
	[tilespmem:$0x17328] =	vst v63  }
0xa3: {  	s17 =	simm.s32 $0x14C28;
	s22 =	simm.s32 $0x16C28  }
0xa4: {  	[tilespmem:s22], [sflag:$0x1] =	stream.indirect.gather [spmem:s2], $0x1, s17, s0, $0xb8;
	[tilespmem:$0x17328] =	vst v63  }
0xa5: {  	s17 =	simm.s32 $0x15028;
	s22 =	simm.s32 $0x17028  }
0xa6: {  	[tilespmem:s22], [sflag:$0x1] =	stream.indirect.gather [spmem:s2], $0x1, s17, s0, $0xb8;
	[tilespmem:$0x17328] =	vst v63  }
0xa7: {  	s17 =	simm.s32 $0x144A8;
	s22 =	simm.s32 $0x164A8  }
0xa8: {  	[tilespmem:s22], [sflag:$0x1] =	stream.indirect.gather [spmem:s2], $0x1, s17, s0, $0xb8;
	[tilespmem:$0x17328] =	vst v63  }
0xa9: {  	s17 =	simm.s32 $0x148A8;
	s22 =	simm.s32 $0x168A8  }
0xaa: {  	[tilespmem:s22], [sflag:$0x1] =	stream.indirect.gather [spmem:s2], $0x1, s17, s0, $0xb8;
	[tilespmem:$0x17328] =	vst v63  }
0xab: {  	s17 =	simm.s32 $0x14CA8;
	s22 =	simm.s32 $0x16CA8  }
0xac: {  	[tilespmem:s22], [sflag:$0x1] =	stream.indirect.gather [spmem:s2], $0x1, s17, s0, $0xb8;
	[tilespmem:$0x17328] =	vst v63  }
0xad: {  	s17 =	simm.s32 $0x150A8;
	s22 =	simm.s32 $0x170A8  }
0xae: {  	[tilespmem:s22], [sflag:$0x1] =	stream.indirect.gather [spmem:s2], $0x1, s17, s0, $0xb8;
	[tilespmem:$0x17328] =	vst v63  }
0xaf: {  	s17 =	simm.s32 $0x14528;
	s22 =	simm.s32 $0x16528  }
0xb0: {  	[tilespmem:s22], [sflag:$0x1] =	stream.indirect.gather [spmem:s2], $0x1, s17, s0, $0xb8;
	[tilespmem:$0x17328] =	vst v63  }
0xb1: {  	s17 =	simm.s32 $0x14928;
	s22 =	simm.s32 $0x16928  }
0xb2: {  	[tilespmem:s22], [sflag:$0x1] =	stream.indirect.gather [spmem:s2], $0x1, s17, s0, $0xb8;
	[tilespmem:$0x17328] =	vst v63  }
0xb3: {  	s17 =	simm.s32 $0x14D28;
	s22 =	simm.s32 $0x16D28  }
0xb4: {  	[tilespmem:s22], [sflag:$0x1] =	stream.indirect.gather [spmem:s2], $0x1, s17, s0, $0xb8;
	[tilespmem:$0x17328] =	vst v63  }
0xb5: {  	s17 =	simm.s32 $0x15128;
	s22 =	simm.s32 $0x17128  }
0xb6: {  	[tilespmem:s22], [sflag:$0x1] =	stream.indirect.gather [spmem:s2], $0x1, s17, s0, $0xb8;
	[tilespmem:$0x17328] =	vst v63  }
0xb7: {  	s17 =	simm.s32 $0x145A8;
	s22 =	simm.s32 $0x165A8  }
0xb8: {  	[tilespmem:s22], [sflag:$0x1] =	stream.indirect.gather [spmem:s2], $0x1, s17, s0, $0xb8;
	[tilespmem:$0x17328] =	vst v63  }
0xb9: {  	s17 =	simm.s32 $0x149A8;
	s22 =	simm.s32 $0x169A8  }
0xba: {  	[tilespmem:s22], [sflag:$0x1] =	stream.indirect.gather [spmem:s2], $0x1, s17, s0, $0xb8;
	[tilespmem:$0x17328] =	vst v63  }
0xbb: {  	s17 =	simm.s32 $0x14DA8;
	s22 =	simm.s32 $0x16DA8  }
0xbc: {  	[tilespmem:s22], [sflag:$0x1] =	stream.indirect.gather [spmem:s2], $0x1, s17, s0, $0xb8;
	[tilespmem:$0x17328] =	vst v63  }
0xbd: {  	s17 =	simm.s32 $0x151A8;
	s22 =	simm.s32 $0x171A8  }
0xbe: {  	[tilespmem:s22], [sflag:$0x1] =	stream.indirect.gather [spmem:s2], $0x1, s17, s0, $0xb8;
	[tilespmem:$0x17328] =	vst v63  }
0xbf: {  	s17 =	simm.s32 $0x14628;
	s22 =	simm.s32 $0x16628  }
0xc0: {  	[tilespmem:s22], [sflag:$0x1] =	stream.indirect.gather [spmem:s2], $0x1, s17, s0, $0xb8;
	[tilespmem:$0x17328] =	vst v63  }
0xc1: {  	s17 =	simm.s32 $0x14A28;
	s22 =	simm.s32 $0x16A28  }
0xc2: {  	[tilespmem:s22], [sflag:$0x1] =	stream.indirect.gather [spmem:s2], $0x1, s17, s0, $0xb8;
	[tilespmem:$0x17328] =	vst v63  }
0xc3: {  	s17 =	simm.s32 $0x14E28;
	s22 =	simm.s32 $0x16E28  }
0xc4: {  	[tilespmem:s22], [sflag:$0x1] =	stream.indirect.gather [spmem:s2], $0x1, s17, s0, $0xb8;
	[tilespmem:$0x17328] =	vst v63  }
0xc5: {  	s17 =	simm.s32 $0x15228;
	s22 =	simm.s32 $0x17228  }
0xc6: {  	[tilespmem:s22], [sflag:$0x1] =	stream.indirect.gather [spmem:s2], $0x1, s17, s0, $0xb8;
	[tilespmem:$0x17328] =	vst v63  }
0xc7: {  	s17 =	simm.s32 $0x146A8;
	s22 =	simm.s32 $0x166A8  }
0xc8: {  	[tilespmem:s22], [sflag:$0x1] =	stream.indirect.gather [spmem:s2], $0x1, s17, s0, $0xb8;
	[tilespmem:$0x17328] =	vst v63  }
0xc9: {  	s17 =	simm.s32 $0x14AA8;
	s22 =	simm.s32 $0x16AA8  }
0xca: {  	[tilespmem:s22], [sflag:$0x1] =	stream.indirect.gather [spmem:s2], $0x1, s17, s0, $0xb8;
	[tilespmem:$0x17328] =	vst v63  }
0xcb: {  	s17 =	simm.s32 $0x14EA8;
	s22 =	simm.s32 $0x16EA8  }
0xcc: {  	[tilespmem:s22], [sflag:$0x1] =	stream.indirect.gather [spmem:s2], $0x1, s17, s0, $0xb8;
	[tilespmem:$0x17328] =	vst v63  }
0xcd: {  	s17 =	simm.s32 $0x152A8;
	s22 =	simm.s32 $0x172A8  }
0xce: {  	[tilespmem:s22], [sflag:$0x1] =	stream.indirect.gather [spmem:s2], $0x1, s17, s0, $0xb8;
	[tilespmem:$0x17328] =	vst v63  }
0xcf: {  	_ =	swait.ge [sflag:s18], $0x80  }
0xd0: {  	[sflag:s18] =	ssyncset.done $0x0  }
0xd1: {  	[sflag:s18] =	ssyncadd.s32 $0xFFFFFF80  }
0xd2: {  	_ =	swait.ge [sflag:s18], $0x80  }
0xd3: {  	[sflag:s18] =	ssyncset.done $0x0  }
0xd4: {  	[sflag:s18] =	ssyncadd.s32 $0xFFFFFF80  }
0xd5: {  	_ =	swait.ge [sflag:s18], $0x80  }
0xd6: {  	[sflag:s18] =	ssyncset.done $0x0  }
0xd7: {  	[sflag:s18] =	ssyncadd.s32 $0xFFFFFF80  }
0xd8: {  	_ =	swait.ge [sflag:s18], $0x80  }
0xd9: {  	[sflag:s18] =	ssyncset.done $0x0  }
0xda: {  	[sflag:s18] =	ssyncadd.s32 $0xFFFFFF80  }
0xdb: {  	_ =	swait.ge [sflag:s18], $0x80  }
0xdc: {  	[sflag:s18] =	ssyncset.done $0x0  }
0xdd: {  	[sflag:s18] =	ssyncadd.s32 $0xFFFFFF80  }
0xde: {  	_ =	swait.ge [sflag:s18], $0x80  }
0xdf: {  	[sflag:s18] =	ssyncset.done $0x0  }
0xe0: {  	[sflag:s18] =	ssyncadd.s32 $0xFFFFFF80  }
0xe1: {  	_ =	swait.ge [sflag:s18], $0x80  }
0xe2: {  	[sflag:s18] =	ssyncset.done $0x0  }
0xe3: {  	[sflag:s18] =	ssyncadd.s32 $0xFFFFFF80  }
0xe4: {  	_ =	swait.ge [sflag:s18], $0x80  }
0xe5: {  	[sflag:s18] =	ssyncset.done $0x0  }
0xe6: {  	[sflag:s18] =	ssyncadd.s32 $0xFFFFFF80  }
0xe7: {  	_ =	swait.ge [sflag:s18], $0x80  }
0xe8: {  	[sflag:s18] =	ssyncset.done $0x0  }
0xe9: {  	[sflag:s18] =	ssyncadd.s32 $0xFFFFFF80  }
0xea: {  	_ =	swait.ge [sflag:s18], $0x80  }
0xeb: {  	[sflag:s18] =	ssyncset.done $0x0  }
0xec: {  	[sflag:s18] =	ssyncadd.s32 $0xFFFFFF80  }
0xed: {  	_ =	swait.ge [sflag:s18], $0x80  }
0xee: {  	[sflag:s18] =	ssyncset.done $0x0  }
0xef: {  	[sflag:s18] =	ssyncadd.s32 $0xFFFFFF80  }
0xf0: {  	_ =	swait.ge [sflag:s18], $0x80  }
0xf1: {  	[sflag:s18] =	ssyncset.done $0x0  }
0xf2: {  	[sflag:s18] =	ssyncadd.s32 $0xFFFFFF80  }
0xf3: {  	_ =	swait.ge [sflag:s18], $0x80  }
0xf4: {  	[sflag:s18] =	ssyncset.done $0x0  }
0xf5: {  	[sflag:s18] =	ssyncadd.s32 $0xFFFFFF80  }
0xf6: {  	_ =	swait.ge [sflag:s18], $0x80  }
0xf7: {  	[sflag:s18] =	ssyncset.done $0x0  }
0xf8: {  	[sflag:s18] =	ssyncadd.s32 $0xFFFFFF80  }
0xf9: {  	_ =	swait.ge [sflag:s18], $0x80  }
0xfa: {  	[sflag:s18] =	ssyncset.done $0x0  }
0xfb: {  	[sflag:s18] =	ssyncadd.s32 $0xFFFFFF80  }
0xfc: {  	_ =	swait.ge [sflag:s18], $0x80  }
0xfd: {  	[sflag:s18] =	ssyncset.done $0x0  }
0xfe: {  	[sflag:s18] =	ssyncadd.s32 $0xFFFFFF80  }
0xff: {  	_ =	swait.ge [sflag:s18], $0x80  }
0x100: {  	[sflag:s18] =	ssyncset.done $0x0  }
0x101: {  	[sflag:s18] =	ssyncadd.s32 $0xFFFFFF80  }
0x102: {  	_ =	swait.ge [sflag:s18], $0x80  }
0x103: {  	[sflag:s18] =	ssyncset.done $0x0  }
0x104: {  	[sflag:s18] =	ssyncadd.s32 $0xFFFFFF80  }
0x105: {  	_ =	swait.ge [sflag:s18], $0x80  }
0x106: {  	[sflag:s18] =	ssyncset.done $0x0  }
0x107: {  	[sflag:s18] =	ssyncadd.s32 $0xFFFFFF80  }
0x108: {  	_ =	swait.ge [sflag:s18], $0x80  }
0x109: {  	[sflag:s18] =	ssyncset.done $0x0  }
0x10a: {  	[sflag:s18] =	ssyncadd.s32 $0xFFFFFF80  }
0x10b: {  	_ =	swait.ge [sflag:s18], $0x80  }
0x10c: {  	[sflag:s18] =	ssyncset.done $0x0  }
0x10d: {  	[sflag:s18] =	ssyncadd.s32 $0xFFFFFF80  }
0x10e: {  	_ =	swait.ge [sflag:s18], $0x80  }
0x10f: {  	[sflag:s18] =	ssyncset.done $0x0  }
0x110: {  	[sflag:s18] =	ssyncadd.s32 $0xFFFFFF80  }
0x111: {  	_ =	swait.ge [sflag:s18], $0x80  }
0x112: {  	[sflag:s18] =	ssyncset.done $0x0  }
0x113: {  	[sflag:s18] =	ssyncadd.s32 $0xFFFFFF80  }
0x114: {  	_ =	swait.ge [sflag:s18], $0x80  }
0x115: {  	[sflag:s18] =	ssyncset.done $0x0  }
0x116: {  	[sflag:s18] =	ssyncadd.s32 $0xFFFFFF80  }
0x117: {  	_ =	swait.ge [sflag:s18], $0x80  }
0x118: {  	[sflag:s18] =	ssyncset.done $0x0  }
0x119: {  	[sflag:s18] =	ssyncadd.s32 $0xFFFFFF80  }
0x11a: {  	_ =	swait.ge [sflag:s18], $0x80  }
0x11b: {  	[sflag:s18] =	ssyncset.done $0x0  }
0x11c: {  	[sflag:s18] =	ssyncadd.s32 $0xFFFFFF80  }
0x11d: {  	_ =	swait.ge [sflag:s18], $0x80  }
0x11e: {  	[sflag:s18] =	ssyncset.done $0x0  }
0x11f: {  	[sflag:s18] =	ssyncadd.s32 $0xFFFFFF80  }
0x120: {  	_ =	swait.ge [sflag:s18], $0x80  }
0x121: {  	[sflag:s18] =	ssyncset.done $0x0  }
0x122: {  	[sflag:s18] =	ssyncadd.s32 $0xFFFFFF80  }
0x123: {  	_ =	swait.ge [sflag:s18], $0x80  }
0x124: {  	[sflag:s18] =	ssyncset.done $0x0  }
0x125: {  	[sflag:s18] =	ssyncadd.s32 $0xFFFFFF80  }
0x126: {  	_ =	swait.ge [sflag:s18], $0x80  }
0x127: {  	[sflag:s18] =	ssyncset.done $0x0  }
0x128: {  	[sflag:s18] =	ssyncadd.s32 $0xFFFFFF80  }
0x129: {  	_ =	swait.ge [sflag:s18], $0x80  }
0x12a: {  	[sflag:s18] =	ssyncset.done $0x0  }
0x12b: {  	[sflag:s18] =	ssyncadd.s32 $0xFFFFFF80  }
0x12c: {  	_ =	swait.ge [sflag:s18], $0x80  }
0x12d: {  	[sflag:s18] =	ssyncset.done $0x0  }
0x12e: {  	[sflag:s18] =	ssyncadd.s32 $0xFFFFFF80  }
0x12f: {  	[hbm4b:s15+s3] =	stream.linear.scatter [tilespmem:s5], [sflag:$0x5], $0x1000, $0x38;
	[tilespmem:$0x17328] =	vst v63  }
.LBB2_5:
0x130: {  	s16 =	sadd.s32 $0x1, s16  }
0x131: {  	p1 =	sne.s32 s16, $0x19  }
.Ltmp3:
0x132: {  	_ = 	snop;
	(pc) =	sbr.rel @!p1 .LBB2_6-.Ltmp3, $2  }
0x133: {  	_ =	sdelay $0x2  }
0x134: {  	s15 =	sadd.s32 $0x200, s15;
	s14 =	sadd.s32 $0x200, s14  }
.LBB2_2:
0x135: {  	s17 =	sand.u32 $0x1, s16  }
0x136: {  	p1 =	seq.s32 s17, $0x1  }
.Ltmp4:
0x137: {  	_ = 	snop;
	(pc) =	sbr.rel @p1 .LBB2_4-.Ltmp4, $1  }
0x138: {  	_ =	sdelay $0x3  }
0x139: {  	p1 =	seq.s32 s16, $0x18  }
0x13a: {  	s17 =	simm.s32 @!p1 $0x0;
	s22 =	simm.s32 @!p1 $0x14328  }
0x13b: {  	[tilespmem:s22], [sflag:$0x3] =	stream.linear.gather @!p1 [hbm4b:s14+s17], $0x1000, $0x38;
	[tilespmem:$0x17328] =	vst v63  }
0x13c: {  	_ =	swait.ge [sflag:s20], $0x1000  }
0x13d: {  	p1 =	slt.u32 s16, $0x2;
	[sflag:s20] =	ssyncset.done $0x0  }
0x13e: {  	s17 =	simm.s32 @!p1 $0x4;
	[sflag:s20] =	ssyncadd.s32 $0xFFFFF000  }
0x13f: {  	_ =	swait.ge @!p1 [sflag:s17], $0x1000  }
0x140: {  	[sflag:s17] =	ssyncset.done @!p1 $0x0  }
0x141: {  	[sflag:s17] =	ssyncadd.s32 @!p1 $0xFFFFF000  }
0x142: {  	[tilespmem:s21], [sflag:$0x1] =	stream.indirect.gather [spmem:s2], $0x1, s24, s0, $0xb8;
	[tilespmem:$0x17328] =	vst v63  }
0x143: {  	s22 =	simm.s32 $0x15728;
	s17 =	simm.s32 $0x13728  }
0x144: {  	[tilespmem:s22], [sflag:$0x1] =	stream.indirect.gather [spmem:s2], $0x1, s17, s0, $0xb8;
	[tilespmem:$0x17328] =	vst v63  }
0x145: {  	s17 =	simm.s32 $0x13B28;
	s22 =	simm.s32 $0x15B28  }
0x146: {  	[tilespmem:s22], [sflag:$0x1] =	stream.indirect.gather [spmem:s2], $0x1, s17, s0, $0xb8;
	[tilespmem:$0x17328] =	vst v63  }
0x147: {  	s17 =	simm.s32 $0x13F28;
	s22 =	simm.s32 $0x15F28  }
0x148: {  	[tilespmem:s22], [sflag:$0x1] =	stream.indirect.gather [spmem:s2], $0x1, s17, s0, $0xb8;
	[tilespmem:$0x17328] =	vst v63  }
0x149: {  	s17 =	simm.s32 $0x133A8;
	s22 =	simm.s32 $0x153A8  }
0x14a: {  	[tilespmem:s22], [sflag:$0x1] =	stream.indirect.gather [spmem:s2], $0x1, s17, s0, $0xb8;
	[tilespmem:$0x17328] =	vst v63  }
0x14b: {  	s17 =	simm.s32 $0x137A8;
	s22 =	simm.s32 $0x157A8  }
0x14c: {  	[tilespmem:s22], [sflag:$0x1] =	stream.indirect.gather [spmem:s2], $0x1, s17, s0, $0xb8;
	[tilespmem:$0x17328] =	vst v63  }
0x14d: {  	s17 =	simm.s32 $0x13BA8;
	s22 =	simm.s32 $0x15BA8  }
0x14e: {  	[tilespmem:s22], [sflag:$0x1] =	stream.indirect.gather [spmem:s2], $0x1, s17, s0, $0xb8;
	[tilespmem:$0x17328] =	vst v63  }
0x14f: {  	s17 =	simm.s32 $0x13FA8;
	s22 =	simm.s32 $0x15FA8  }
0x150: {  	[tilespmem:s22], [sflag:$0x1] =	stream.indirect.gather [spmem:s2], $0x1, s17, s0, $0xb8;
	[tilespmem:$0x17328] =	vst v63  }
0x151: {  	s17 =	simm.s32 $0x13428;
	s22 =	simm.s32 $0x15428  }
0x152: {  	[tilespmem:s22], [sflag:$0x1] =	stream.indirect.gather [spmem:s2], $0x1, s17, s0, $0xb8;
	[tilespmem:$0x17328] =	vst v63  }
0x153: {  	s17 =	simm.s32 $0x13828;
	s22 =	simm.s32 $0x15828  }
0x154: {  	[tilespmem:s22], [sflag:$0x1] =	stream.indirect.gather [spmem:s2], $0x1, s17, s0, $0xb8;
	[tilespmem:$0x17328] =	vst v63  }
0x155: {  	s17 =	simm.s32 $0x13C28;
	s22 =	simm.s32 $0x15C28  }
0x156: {  	[tilespmem:s22], [sflag:$0x1] =	stream.indirect.gather [spmem:s2], $0x1, s17, s0, $0xb8;
	[tilespmem:$0x17328] =	vst v63  }
0x157: {  	s17 =	simm.s32 $0x14028;
	s22 =	simm.s32 $0x16028  }
0x158: {  	[tilespmem:s22], [sflag:$0x1] =	stream.indirect.gather [spmem:s2], $0x1, s17, s0, $0xb8;
	[tilespmem:$0x17328] =	vst v63  }
0x159: {  	s17 =	simm.s32 $0x134A8;
	s22 =	simm.s32 $0x154A8  }
0x15a: {  	[tilespmem:s22], [sflag:$0x1] =	stream.indirect.gather [spmem:s2], $0x1, s17, s0, $0xb8;
	[tilespmem:$0x17328] =	vst v63  }
0x15b: {  	s17 =	simm.s32 $0x138A8;
	s22 =	simm.s32 $0x158A8  }
0x15c: {  	[tilespmem:s22], [sflag:$0x1] =	stream.indirect.gather [spmem:s2], $0x1, s17, s0, $0xb8;
	[tilespmem:$0x17328] =	vst v63  }
0x15d: {  	s17 =	simm.s32 $0x13CA8;
	s22 =	simm.s32 $0x15CA8  }
0x15e: {  	[tilespmem:s22], [sflag:$0x1] =	stream.indirect.gather [spmem:s2], $0x1, s17, s0, $0xb8;
	[tilespmem:$0x17328] =	vst v63  }
0x15f: {  	s17 =	simm.s32 $0x140A8;
	s22 =	simm.s32 $0x160A8  }
0x160: {  	[tilespmem:s22], [sflag:$0x1] =	stream.indirect.gather [spmem:s2], $0x1, s17, s0, $0xb8;
	[tilespmem:$0x17328] =	vst v63  }
0x161: {  	s17 =	simm.s32 $0x13528;
	s22 =	simm.s32 $0x15528  }
0x162: {  	[tilespmem:s22], [sflag:$0x1] =	stream.indirect.gather [spmem:s2], $0x1, s17, s0, $0xb8;
	[tilespmem:$0x17328] =	vst v63  }
0x163: {  	s17 =	simm.s32 $0x13928;
	s22 =	simm.s32 $0x15928  }
0x164: {  	[tilespmem:s22], [sflag:$0x1] =	stream.indirect.gather [spmem:s2], $0x1, s17, s0, $0xb8;
	[tilespmem:$0x17328] =	vst v63  }
0x165: {  	s17 =	simm.s32 $0x13D28;
	s22 =	simm.s32 $0x15D28  }
0x166: {  	[tilespmem:s22], [sflag:$0x1] =	stream.indirect.gather [spmem:s2], $0x1, s17, s0, $0xb8;
	[tilespmem:$0x17328] =	vst v63  }
0x167: {  	s17 =	simm.s32 $0x14128;
	s22 =	simm.s32 $0x16128  }
0x168: {  	[tilespmem:s22], [sflag:$0x1] =	stream.indirect.gather [spmem:s2], $0x1, s17, s0, $0xb8;
	[tilespmem:$0x17328] =	vst v63  }
0x169: {  	s17 =	simm.s32 $0x135A8;
	s22 =	simm.s32 $0x155A8  }
0x16a: {  	[tilespmem:s22], [sflag:$0x1] =	stream.indirect.gather [spmem:s2], $0x1, s17, s0, $0xb8;
	[tilespmem:$0x17328] =	vst v63  }
0x16b: {  	s17 =	simm.s32 $0x139A8;
	s22 =	simm.s32 $0x159A8  }
0x16c: {  	[tilespmem:s22], [sflag:$0x1] =	stream.indirect.gather [spmem:s2], $0x1, s17, s0, $0xb8;
	[tilespmem:$0x17328] =	vst v63  }
0x16d: {  	s17 =	simm.s32 $0x13DA8;
	s22 =	simm.s32 $0x15DA8  }
0x16e: {  	[tilespmem:s22], [sflag:$0x1] =	stream.indirect.gather [spmem:s2], $0x1, s17, s0, $0xb8;
	[tilespmem:$0x17328] =	vst v63  }
0x16f: {  	s17 =	simm.s32 $0x141A8;
	s22 =	simm.s32 $0x161A8  }
0x170: {  	[tilespmem:s22], [sflag:$0x1] =	stream.indirect.gather [spmem:s2], $0x1, s17, s0, $0xb8;
	[tilespmem:$0x17328] =	vst v63  }
0x171: {  	s22 =	simm.s32 $0x13628  }
0x172: {  	[tilespmem:s26], [sflag:$0x1] =	stream.indirect.gather [spmem:s2], $0x1, s22, s0, $0xb8;
	[tilespmem:$0x17328] =	vst v63  }
0x173: {  	_ = 	snop  }
0x174: {  	[tilespmem:s25], [sflag:$0x1] =	stream.indirect.gather [spmem:s2], $0x1, s31, s0, $0xb8;
	[tilespmem:$0x17328] =	vst v63  }
0x175: {  	_ = 	snop  }
0x176: {  	[tilespmem:s29], [sflag:$0x1] =	stream.indirect.gather [spmem:s2], $0x1, s28, s0, $0xb8;
	[tilespmem:$0x17328] =	vst v63  }
0x177: {  	_ = 	snop  }
0x178: {  	[tilespmem:s4], [sflag:$0x1] =	stream.indirect.gather [spmem:s2], $0x1, s30, s0, $0xb8;
	[tilespmem:$0x17328] =	vst v63  }
0x179: {  	_ = 	snop  }
0x17a: {  	[tilespmem:s7], [sflag:$0x1] =	stream.indirect.gather [spmem:s2], $0x1, s6, s0, $0xb8;
	[tilespmem:$0x17328] =	vst v63  }
0x17b: {  	_ = 	snop  }
0x17c: {  	[tilespmem:s9], [sflag:$0x1] =	stream.indirect.gather [spmem:s2], $0x1, s8, s0, $0xb8;
	[tilespmem:$0x17328] =	vst v63  }
0x17d: {  	_ = 	snop  }
0x17e: {  	[tilespmem:s11], [sflag:$0x1] =	stream.indirect.gather [spmem:s2], $0x1, s10, s0, $0xb8;
	[tilespmem:$0x17328] =	vst v63  }
0x17f: {  	_ = 	snop  }
0x180: {  	[tilespmem:s13], [sflag:$0x1] =	stream.indirect.gather [spmem:s2], $0x1, s12, s0, $0xb8;
	[tilespmem:$0x17328] =	vst v63  }
0x181: {  	_ =	swait.ge [sflag:s18], $0x80  }
0x182: {  	[sflag:s18] =	ssyncset.done $0x0  }
0x183: {  	[sflag:s18] =	ssyncadd.s32 $0xFFFFFF80  }
0x184: {  	_ =	swait.ge [sflag:s18], $0x80  }
0x185: {  	[sflag:s18] =	ssyncset.done $0x0  }
0x186: {  	[sflag:s18] =	ssyncadd.s32 $0xFFFFFF80  }
0x187: {  	_ =	swait.ge [sflag:s18], $0x80  }
0x188: {  	[sflag:s18] =	ssyncset.done $0x0  }
0x189: {  	[sflag:s18] =	ssyncadd.s32 $0xFFFFFF80  }
0x18a: {  	_ =	swait.ge [sflag:s18], $0x80  }
0x18b: {  	[sflag:s18] =	ssyncset.done $0x0  }
0x18c: {  	[sflag:s18] =	ssyncadd.s32 $0xFFFFFF80  }
0x18d: {  	_ =	swait.ge [sflag:s18], $0x80  }
0x18e: {  	[sflag:s18] =	ssyncset.done $0x0  }
0x18f: {  	[sflag:s18] =	ssyncadd.s32 $0xFFFFFF80  }
0x190: {  	_ =	swait.ge [sflag:s18], $0x80  }
0x191: {  	[sflag:s18] =	ssyncset.done $0x0  }
0x192: {  	[sflag:s18] =	ssyncadd.s32 $0xFFFFFF80  }
0x193: {  	_ =	swait.ge [sflag:s18], $0x80  }
0x194: {  	[sflag:s18] =	ssyncset.done $0x0  }
0x195: {  	[sflag:s18] =	ssyncadd.s32 $0xFFFFFF80  }
0x196: {  	_ =	swait.ge [sflag:s18], $0x80  }
0x197: {  	[sflag:s18] =	ssyncset.done $0x0  }
0x198: {  	[sflag:s18] =	ssyncadd.s32 $0xFFFFFF80  }
0x199: {  	_ =	swait.ge [sflag:s18], $0x80  }
0x19a: {  	[sflag:s18] =	ssyncset.done $0x0  }
0x19b: {  	[sflag:s18] =	ssyncadd.s32 $0xFFFFFF80  }
0x19c: {  	_ =	swait.ge [sflag:s18], $0x80  }
0x19d: {  	[sflag:s18] =	ssyncset.done $0x0  }
0x19e: {  	[sflag:s18] =	ssyncadd.s32 $0xFFFFFF80  }
0x19f: {  	_ =	swait.ge [sflag:s18], $0x80  }
0x1a0: {  	[sflag:s18] =	ssyncset.done $0x0  }
0x1a1: {  	[sflag:s18] =	ssyncadd.s32 $0xFFFFFF80  }
0x1a2: {  	_ =	swait.ge [sflag:s18], $0x80  }
0x1a3: {  	[sflag:s18] =	ssyncset.done $0x0  }
0x1a4: {  	[sflag:s18] =	ssyncadd.s32 $0xFFFFFF80  }
0x1a5: {  	_ =	swait.ge [sflag:s18], $0x80  }
0x1a6: {  	[sflag:s18] =	ssyncset.done $0x0  }
0x1a7: {  	[sflag:s18] =	ssyncadd.s32 $0xFFFFFF80  }
0x1a8: {  	_ =	swait.ge [sflag:s18], $0x80  }
0x1a9: {  	[sflag:s18] =	ssyncset.done $0x0  }
0x1aa: {  	[sflag:s18] =	ssyncadd.s32 $0xFFFFFF80  }
0x1ab: {  	_ =	swait.ge [sflag:s18], $0x80  }
0x1ac: {  	[sflag:s18] =	ssyncset.done $0x0  }
0x1ad: {  	[sflag:s18] =	ssyncadd.s32 $0xFFFFFF80  }
0x1ae: {  	_ =	swait.ge [sflag:s18], $0x80  }
0x1af: {  	[sflag:s18] =	ssyncset.done $0x0  }
0x1b0: {  	[sflag:s18] =	ssyncadd.s32 $0xFFFFFF80  }
0x1b1: {  	_ =	swait.ge [sflag:s18], $0x80  }
0x1b2: {  	[sflag:s18] =	ssyncset.done $0x0  }
0x1b3: {  	[sflag:s18] =	ssyncadd.s32 $0xFFFFFF80  }
0x1b4: {  	_ =	swait.ge [sflag:s18], $0x80  }
0x1b5: {  	[sflag:s18] =	ssyncset.done $0x0  }
0x1b6: {  	[sflag:s18] =	ssyncadd.s32 $0xFFFFFF80  }
0x1b7: {  	_ =	swait.ge [sflag:s18], $0x80  }
0x1b8: {  	[sflag:s18] =	ssyncset.done $0x0  }
0x1b9: {  	[sflag:s18] =	ssyncadd.s32 $0xFFFFFF80  }
0x1ba: {  	_ =	swait.ge [sflag:s18], $0x80  }
0x1bb: {  	[sflag:s18] =	ssyncset.done $0x0  }
0x1bc: {  	[sflag:s18] =	ssyncadd.s32 $0xFFFFFF80  }
0x1bd: {  	_ =	swait.ge [sflag:s18], $0x80  }
0x1be: {  	[sflag:s18] =	ssyncset.done $0x0  }
0x1bf: {  	[sflag:s18] =	ssyncadd.s32 $0xFFFFFF80  }
0x1c0: {  	_ =	swait.ge [sflag:s18], $0x80  }
0x1c1: {  	[sflag:s18] =	ssyncset.done $0x0  }
0x1c2: {  	[sflag:s18] =	ssyncadd.s32 $0xFFFFFF80  }
0x1c3: {  	_ =	swait.ge [sflag:s18], $0x80  }
0x1c4: {  	[sflag:s18] =	ssyncset.done $0x0  }
0x1c5: {  	[sflag:s18] =	ssyncadd.s32 $0xFFFFFF80  }
0x1c6: {  	_ =	swait.ge [sflag:s18], $0x80  }
0x1c7: {  	[sflag:s18] =	ssyncset.done $0x0  }
0x1c8: {  	[sflag:s18] =	ssyncadd.s32 $0xFFFFFF80  }
0x1c9: {  	_ =	swait.ge [sflag:s18], $0x80  }
0x1ca: {  	[sflag:s18] =	ssyncset.done $0x0  }
0x1cb: {  	[sflag:s18] =	ssyncadd.s32 $0xFFFFFF80  }
0x1cc: {  	_ =	swait.ge [sflag:s18], $0x80  }
0x1cd: {  	[sflag:s18] =	ssyncset.done $0x0  }
0x1ce: {  	[sflag:s18] =	ssyncadd.s32 $0xFFFFFF80  }
0x1cf: {  	_ =	swait.ge [sflag:s18], $0x80  }
0x1d0: {  	[sflag:s18] =	ssyncset.done $0x0  }
0x1d1: {  	[sflag:s18] =	ssyncadd.s32 $0xFFFFFF80  }
0x1d2: {  	_ =	swait.ge [sflag:s18], $0x80  }
0x1d3: {  	[sflag:s18] =	ssyncset.done $0x0  }
0x1d4: {  	[sflag:s18] =	ssyncadd.s32 $0xFFFFFF80  }
0x1d5: {  	_ =	swait.ge [sflag:s18], $0x80  }
0x1d6: {  	[sflag:s18] =	ssyncset.done $0x0  }
0x1d7: {  	[sflag:s18] =	ssyncadd.s32 $0xFFFFFF80  }
0x1d8: {  	_ =	swait.ge [sflag:s18], $0x80  }
0x1d9: {  	[sflag:s18] =	ssyncset.done $0x0  }
0x1da: {  	[sflag:s18] =	ssyncadd.s32 $0xFFFFFF80  }
0x1db: {  	_ =	swait.ge [sflag:s18], $0x80  }
0x1dc: {  	[sflag:s18] =	ssyncset.done $0x0  }
.Ltmp5:
0x1dd: {  	[sflag:s18] =	ssyncadd.s32 $0xFFFFFF80;
	(pc) =	sbr.rel .LBB2_5-.Ltmp5, $4  }
0x1de: {  	_ =	swait.ge [sflag:s18], $0x80  }
0x1df: {  	[sflag:s18] =	ssyncset.done $0x0  }
0x1e0: {  	[sflag:s18] =	ssyncadd.s32 $0xFFFFFF80  }
0x1e1: {  	[hbm4b:s15+s3] =	stream.linear.scatter [tilespmem:s21], [sflag:$0x4], $0x1000, $0x38;
	[tilespmem:$0x17328] =	vst v63  }
.LBB2_7:
0x1e2: {  	_ =	sfence.sel $0x180000  }
0x1e3: {  	[bflag:$0x0] =	sbarrier.arrive $0xFFFF  }
0x1e4: {  	_ =	strace $0x90000047  }
0x1e5: {  	s0 =	stileid.u32;
	[bflag:$0x2] =	sbarrier.arrive $0xFFFF  }
0x1e6: {  	p0 =	sne.s32 s0, $0x0;
	s0 =	rddreg [dreg:$0x4]  }
0x1e7: {  	s0 =	sadd.s32 @!p0 $0x100000, s0  }
0x1e8: {  	[sflag:s0] =	ssyncadd.tile.s32 @!p0 $0x1;
	_ =	shalt  }
.Lfunc_end2:
_tile_overlayer_lowered:
.L_overlay_start_2:
0x1e9: {  	(tag) =	ssettag $0x2  }
0x1ea: {  	s0 =	rddreg [dreg:$0x0];
	s2 =	stileid.u32  }
0x1eb: {  	s1 =	rddreg [dreg:$0x1];
	p0 =	sne.s32 s2, $0x0  }
0x1ec: {  	s3 =	rddreg [dreg:$0x2];
	[bflag:$0x3] =	sbarrier.arrive $0xFFFF;
	s2 =	simm.s32 @!p0 $0x1C0A  }
0x1ed: {  	[timem:s3], [sflag:s2] =	dma.local @!p0 [hbm:s0], s1  }
0x1ee: {  	s0 =	simm.s32 @!p0 $0xA  }
0x1ef: {  	_ =	swait.ge @!p0 [sflag:s0], s1  }
0x1f0: {  	s1 =	ssub.s32 @!p0 $0x0, s1;
	[sflag:s0] =	ssyncset.done @!p0 $0x0  }
0x1f1: {  	[sflag:s0] =	ssyncadd.s32 @!p0 s1  }
0x1f2: {  	[bflag:$0x3] =	sbarrier.arrive $0xFFFF  }
0x1f3: {  	_ =	shalt  }

</sc_bundles>
